<compile_context>
chip_gen: v7x
topology: tpu7x:2x2x1
jax: 0.10.2.dev20260603
libtpu: 0.0.44.dev20260713+nightly
codegen_flags: <defaults>
</compile_context>

<pallas_src>
import functools
import math

import jax
import jax.numpy as jnp
from jax import lax
from jax.experimental import pallas as pl
from jax.experimental.pallas import tpu as pltpu
from jax.experimental.pallas import tpu_sc as plsc

NS, NG, DC, DG, H, GDF, K = 10000, 2500, 128, 16, 256, 16, 16
E = NS * K
BNS = 1.0 / math.sqrt(1.0 + 1e-5)

_SC_CORES, _SC_SUBCORES = 2, 16
_NW = _SC_CORES * _SC_SUBCORES


def _bn(x, g, b):
    return x * (BNS * g) + b


def _silu(x):
    return x * jax.nn.sigmoid(x)


def _chem_body(chem_ref, cw1_ref, cb1_ref, cg1_ref, cbe1_ref, cw2_ref, cb2_ref,
               cg2_ref, cbe2_ref, sw1c_ref, sb1_ref, hchem_ref, proj_ref):
    x = chem_ref[...]
    h = _bn(jnp.dot(x, cw1_ref[...], preferred_element_type=jnp.float32)
            + cb1_ref[...], cg1_ref[...], cbe1_ref[...])
    h = _silu(h)
    h = _bn(jnp.dot(h, cw2_ref[...], preferred_element_type=jnp.float32)
            + cb2_ref[...], cg2_ref[...], cbe2_ref[...])
    hchem_ref[...] = h
    proj_ref[...] = jnp.dot(x, sw1c_ref[...], preferred_element_type=jnp.float32)


def _chem_prep(chem_feats, cw1, cb1, cg1, cbe1, cw2, cb2, cg2, cbe2, sw1c, sb1):
    return pl.pallas_call(
        _chem_body,
        out_shape=(jax.ShapeDtypeStruct((NG, H), jnp.float32),
                   jax.ShapeDtypeStruct((NG, H), jnp.float32)),
    )(chem_feats, cw1, cb1, cg1, cbe1, cw2, cb2, cg2, cbe2, sw1c, sb1)


NGP = 2560


def _geom_body(geom_ref, verts_ref, npT_ref, pad_ref, npTt_ref, padt_ref,
               gw1_ref, gb1_ref, gg1_ref, gbe1_ref, gw2_ref, gb2_ref, gg2_ref,
               gbe2_ref, hg_ref, d2_ref, d2t_ref, ang_ref):
    x = geom_ref[...]
    h = _bn(jnp.dot(x, gw1_ref[...], preferred_element_type=jnp.float32)
            + gb1_ref[...], gg1_ref[...], gbe1_ref[...])
    h = _silu(h)
    h = _bn(jnp.dot(h, gw2_ref[...], preferred_element_type=jnp.float32)
            + gb2_ref[...], gg2_ref[...], gbe2_ref[...])
    hg_ref[...] = h
    v = verts_ref[...]
    npT = npT_ref[...]
    vsq = jnp.sum(v * v, axis=1, keepdims=True)
    nsq = jnp.sum(npT * npT, axis=0, keepdims=True) + pad_ref[...]
    d2_ref[...] = vsq + nsq - 2.0 * jnp.dot(v, npT,
                                            preferred_element_type=jnp.float32)
    npTt = npTt_ref[...]
    nsqt = jnp.sum(npTt * npTt, axis=0, keepdims=True) + padt_ref[...]
    d2t_ref[...] = vsq + nsqt - 2.0 * jnp.dot(v, npTt,
                                              preferred_element_type=jnp.float32)
    n = x[:, DG - 3:]
    nv = jnp.sum(n * v, axis=1, keepdims=True)
    ang_ref[...] = jnp.dot(n, npT,
                           preferred_element_type=jnp.float32) - nv


def _geom_prep(geom_feats, verts, npT, pad, npTt, padt, gw1, gb1, gg1, gbe1,
               gw2, gb2, gg2, gbe2):
    B = 400
    grid = NS // B
    return pl.pallas_call(
        _geom_body,
        grid=(grid,),
        in_specs=[
            pl.BlockSpec((B, DG), lambda i: (i, 0)),
            pl.BlockSpec((B, 3), lambda i: (i, 0)),
            pl.BlockSpec((3, NGP), lambda i: (0, 0)),
            pl.BlockSpec((1, NGP), lambda i: (0, 0)),
            pl.BlockSpec((3, NGP), lambda i: (0, 0)),
            pl.BlockSpec((1, NGP), lambda i: (0, 0)),
            pl.BlockSpec((DG, H), lambda i: (0, 0)),
            pl.BlockSpec((1, H), lambda i: (0, 0)),
            pl.BlockSpec((1, H), lambda i: (0, 0)),
            pl.BlockSpec((1, H), lambda i: (0, 0)),
            pl.BlockSpec((H, H), lambda i: (0, 0)),
            pl.BlockSpec((1, H), lambda i: (0, 0)),
            pl.BlockSpec((1, H), lambda i: (0, 0)),
            pl.BlockSpec((1, H), lambda i: (0, 0)),
        ],
        out_specs=[
            pl.BlockSpec((B, H), lambda i: (i, 0)),
            pl.BlockSpec((B, NGP), lambda i: (i, 0)),
            pl.BlockSpec((B, NGP), lambda i: (i, 0)),
            pl.BlockSpec((B, NGP), lambda i: (i, 0)),
        ],
        out_shape=(jax.ShapeDtypeStruct((NS, H), jnp.float32),
                   jax.ShapeDtypeStruct((NS, NGP), jnp.float32),
                   jax.ShapeDtypeStruct((NS, NGP), jnp.float32),
                   jax.ShapeDtypeStruct((NS, NGP), jnp.float32)),
    )(geom_feats, verts, npT, pad, npTt, padt, gw1, gb1, gg1, gbe1, gw2, gb2,
      gg2, gbe2)


_TG = 4
_NGRP = NS // _TG
_CPV = NGP // 16


def _lexmin(v1, c1, v2, c2):
    take = (v2 < v1) | ((v2 == v1) & (c2 < c1))
    return jnp.where(take, v2, v1), jnp.where(take, c2, c1)


_CL = _CPV // 2


def _sc_topk_body(d2_ref, d2t_ref, ang_ref, idx_ref, d2e_ref, ange_ref,
                  buf0, buft0, bufa0, buf1, buft1, bufa1,
                  stage, staged, stagea,
                  sem0, semt0, sema0, sem1, semt1, sema1):
    wid = lax.axis_index("s") * _SC_CORES + lax.axis_index("c")
    lane = lax.iota(jnp.int32, 16)
    inf16 = jnp.full((16,), jnp.inf, jnp.float32)
    big16 = jnp.full((16,), NGP, jnp.int32)
    sets = ((buf0, buft0, bufa0, sem0, semt0, sema0),
            (buf1, buft1, bufa1, sem1, semt1, sema1))

    def start(gi, p):
        buf, buft, bufa, sem, semt, sema = sets[p]
        pltpu.async_copy(d2_ref.at[pl.ds(gi * (_TG * NGP), _TG * NGP)], buf,
                         sem)
        pltpu.async_copy(d2t_ref.at[pl.ds(gi * (_TG * NGP), _TG * NGP)], buft,
                         semt)
        pltpu.async_copy(ang_ref.at[pl.ds(gi * (_TG * NGP), _TG * NGP)], bufa,
                         sema)

    def do_group(gi, p):
        buf, buft, bufa, sem, semt, sema = sets[p]
        pltpu.make_async_copy(
            d2_ref.at[pl.ds(gi * (_TG * NGP), _TG * NGP)], buf, sem).wait()
        pltpu.make_async_copy(
            d2t_ref.at[pl.ds(gi * (_TG * NGP), _TG * NGP)], buft, semt).wait()
        pltpu.make_async_copy(
            ang_ref.at[pl.ds(gi * (_TG * NGP), _TG * NGP)], bufa, sema).wait()
        def do_row(rr, rcarry):
            roff = rr * NGP

            def p1(t, carry):
                a0, s0, a1, s1 = carry
                j0 = 4 * t
                for u in (0, 2):
                    v0 = buf[pl.ds(roff + (j0 + u) * 16, 16)]
                    c0 = v0 < a0
                    a0 = jnp.where(c0, v0, a0)
                    s0 = jnp.where(c0, j0 + u, s0)
                    v1 = buf[pl.ds(roff + (j0 + u + 1) * 16, 16)]
                    c1 = v1 < a1
                    a1 = jnp.where(c1, v1, a1)
                    s1 = jnp.where(c1, j0 + u + 1, s1)
                return a0, s0, a1, s1

            a0, s0, a1, s1 = lax.fori_loop(
                0, _CPV // 4, p1, (inf16, big16, inf16, big16))

            def sel(k, carry):
                a0, s0, a1, s1, outv, outd, outa = carry
                val, col = _lexmin(a0, s0 * 16 + lane, a1, s1 * 16 + lane)
                for s in (1, 2, 4, 8):
                    pp = lane ^ s
                    v2 = val.at[pp].get(mode="promise_in_bounds")
                    c2 = col.at[pp].get(mode="promise_in_bounds")
                    val, col = _lexmin(val, col, v2, c2)
                outv = jnp.where(lane == k, col, outv)
                outd = jnp.where(lane == k, val, outd)
                av = bufa[pl.ds(roff + (col[0] >> 4) * 16, 16)]
                al = av.at[col & 15].get(mode="promise_in_bounds")
                outa = jnp.where(lane == k, al, outa)
                ls = col[0] & 15
                jcol = col >> 4
                ps = col[0] >> 4 & 1
                coff = roff + (ps * 16 + ls) * _CL

                def rf(t, carry2):
                    a, aj = carry2
                    w = buft[pl.ds(coff + t * 16, 16)]
                    jv = (t * 16 + lane) * 2 + ps
                    elig = (w > val) | ((w == val) & (jv > jcol))
                    w = jnp.where(elig, w, jnp.inf)
                    return _lexmin(a, aj, w, jv)

                a, aj = lax.fori_loop(0, _CL // 16, rf, (inf16, big16))
                for s in (1, 2, 4, 8):
                    pp = lane ^ s
                    v2 = a.at[pp].get(mode="promise_in_bounds")
                    c2 = aj.at[pp].get(mode="promise_in_bounds")
                    a, aj = _lexmin(a, aj, v2, c2)
                upd = jnp.where(lane == ls, ps + 1, 0)
                a0 = jnp.where(upd == 1, a, a0)
                s0 = jnp.where(upd == 1, aj, s0)
                a1 = jnp.where(upd == 2, a, a1)
                s1 = jnp.where(upd == 2, aj, s1)
                return a0, s0, a1, s1, outv, outd, outa

            carry = (a0, s0, a1, s1, jnp.zeros((16,), jnp.int32),
                     jnp.zeros((16,), jnp.float32), jnp.zeros((16,), jnp.float32))
            res = lax.fori_loop(0, K, sel, carry)
            stage[pl.ds(rr * K, K)] = res[4]
            staged[pl.ds(rr * K, K)] = res[5]
            stagea[pl.ds(rr * K, K)] = res[6]
            return rcarry

        lax.fori_loop(0, _TG, do_row, 0)
        pltpu.sync_copy(stage, idx_ref.at[pl.ds(gi * (_TG * K), _TG * K)])
        pltpu.sync_copy(staged, d2e_ref.at[pl.ds(gi * (_TG * K), _TG * K)])
        pltpu.sync_copy(stagea, ange_ref.at[pl.ds(gi * (_TG * K), _TG * K)])

    nloop = (_NGRP + _NW - 1) // _NW

    @pl.when(wid < _NGRP)
    def _():
        start(wid, 0)

    def loop_body(t, carry):
        for p in (0, 1):
            j = 2 * t + p
            gi = wid + j * _NW
            gin = wid + (j + 1) * _NW

            @pl.when(gin < _NGRP)
            def _():
                start(gin, 1 - p)

            @pl.when(gi < _NGRP)
            def _():
                do_group(gi, p)

        return carry

    lax.fori_loop(0, (nloop + 1) // 2, loop_body, 0)


def _sc_topk(d2_flat, d2t_flat, ang_flat):
    return pl.kernel(
        _sc_topk_body,
        out_type=(jax.ShapeDtypeStruct((E,), jnp.int32),
                  jax.ShapeDtypeStruct((E,), jnp.float32),
                  jax.ShapeDtypeStruct((E,), jnp.float32)),
        mesh=plsc.VectorSubcoreMesh(core_axis_name="c", subcore_axis_name="s",
                                    num_cores=_SC_CORES,
                                    num_subcores=_SC_SUBCORES),
        scratch_types=[pltpu.VMEM((_TG * NGP,), jnp.float32),
                       pltpu.VMEM((_TG * NGP,), jnp.float32),
                       pltpu.VMEM((_TG * NGP,), jnp.float32),
                       pltpu.VMEM((_TG * NGP,), jnp.float32),
                       pltpu.VMEM((_TG * NGP,), jnp.float32),
                       pltpu.VMEM((_TG * NGP,), jnp.float32),
                       pltpu.VMEM((_TG * K,), jnp.int32),
                       pltpu.VMEM((_TG * K,), jnp.float32),
                       pltpu.VMEM((_TG * K,), jnp.float32),
                       pltpu.SemaphoreType.DMA,
                       pltpu.SemaphoreType.DMA,
                       pltpu.SemaphoreType.DMA,
                       pltpu.SemaphoreType.DMA,
                       pltpu.SemaphoreType.DMA,
                       pltpu.SemaphoreType.DMA],
        compiler_params=pltpu.CompilerParams(use_tc_tiling_on_sc=False),
    )(d2_flat, d2t_flat, ang_flat)


_GC = 128


def _sc_gather_body(tblc_ref, idx_ref, chem_ref, idx_v, chem_v, sem1):
    wid = lax.axis_index("s") * _SC_CORES + lax.axis_index("c")
    nchunk = E // _GC

    def do_chunk(ci):
        base = ci * _GC
        pltpu.sync_copy(idx_ref.at[pl.ds(base, _GC)], idx_v)
        pltpu.async_copy(tblc_ref.at[idx_v], chem_v, sem1).wait()
        pltpu.sync_copy(chem_v, chem_ref.at[pl.ds(base, _GC)])

    def loop_body(j, carry):
        do_chunk(wid + j * _NW)
        return carry

    lax.fori_loop(0, nchunk // _NW, loop_body, 0)
    rem = nchunk - (nchunk // _NW) * _NW

    @pl.when(wid < rem)
    def _():
        do_chunk((nchunk // _NW) * _NW + wid)


def _sc_gather(tblc, idx_flat):
    return pl.kernel(
        _sc_gather_body,
        out_type=jax.ShapeDtypeStruct((E, 64), jnp.int32),
        mesh=plsc.VectorSubcoreMesh(core_axis_name="c", subcore_axis_name="s",
                                    num_cores=_SC_CORES,
                                    num_subcores=_SC_SUBCORES),
        scratch_types=[pltpu.VMEM((_GC,), jnp.int32),
                       pltpu.VMEM((_GC, 64), jnp.int32),
                       pltpu.SemaphoreType.DMA],
        compiler_params=pltpu.CompilerParams(use_tc_tiling_on_sc=False),
    )(tblc, idx_flat)


def _edge_body(chem_g_ref, d2k_ref, angk_ref, hg1_ref, mu_ref,
               sw1_ref, sb1_ref, sg1_ref, sbe1_ref, sw2_ref, sb2_ref,
               sg2_ref, sbe2_ref, fw1_ref, fb1_ref, fg1_ref, fbe1_ref,
               fw2_ref, fb2_ref, fg2_ref, fbe2_ref, out_ref):
    BV = d2k_ref.shape[0]
    EB = BV * K

    dist = jnp.sqrt(jnp.maximum(d2k_ref[...], 1e-30))
    ang = angk_ref[...] / dist

    mu_d = mu_ref[0:1, :].reshape(1, 1, GDF)
    mu_a = mu_ref[1:2, :].reshape(1, 1, GDF)
    enc_d = jnp.exp(-(((dist[:, :, None] - mu_d) / 0.5) ** 2)).reshape(EB, GDF)
    enc_a = jnp.exp(-(((ang[:, :, None] - mu_a) / 0.125) ** 2)).reshape(EB, GDF)

    enc = jnp.concatenate([enc_d, enc_a], axis=1)
    x1 = (jnp.dot(chem_g_ref[...], sw1_ref[:DC, :].astype(jnp.bfloat16),
                  preferred_element_type=jnp.float32)
          + jnp.dot(enc, sw1_ref[DC:, :], preferred_element_type=jnp.float32))
    h = _bn(x1 + sb1_ref[...], sg1_ref[...], sbe1_ref[...])
    h = _silu(h)
    h = _bn(jnp.dot(h.astype(jnp.bfloat16), sw2_ref[...].astype(jnp.bfloat16),
                    preferred_element_type=jnp.float32)
            + sb2_ref[...], sg2_ref[...], sbe2_ref[...])
    filt, core = h[:, :H], h[:, H:]
    he = jax.nn.sigmoid(filt) * jax.nn.softplus(core)
    h_cg = jnp.sum(he.reshape(BV, K, H), axis=1)

    y = jnp.concatenate([h_cg, hg1_ref[...]], axis=1)
    y = _bn(jnp.dot(y, fw1_ref[...], preferred_element_type=jnp.float32)
            + fb1_ref[...], fg1_ref[...], fbe1_ref[...])
    y = _silu(y)
    y = _bn(jnp.dot(y, fw2_ref[...], preferred_element_type=jnp.float32)
            + fb2_ref[...], fg2_ref[...], fbe2_ref[...])
    out_ref[...] = y


def _edge_final(chem_g, d2k, angk, hg1, mu, sw1, sb1, sg1, sbe1, sw2,
                sb2, sg2, sbe2, fw1, fb1, fg1, fbe1, fw2, fb2, fg2, fbe2):
    BV = 400
    EB = BV * K
    grid = NS // BV
    const = lambda shape: pl.BlockSpec(shape, lambda i: (0, 0))
    return pl.pallas_call(
        _edge_body,
        grid=(grid,),
        in_specs=[
            pl.BlockSpec((EB, DC), lambda i: (i, 0)),
            pl.BlockSpec((BV, K), lambda i: (i, 0)),
            pl.BlockSpec((BV, K), lambda i: (i, 0)),
            pl.BlockSpec((BV, H), lambda i: (i, 0)),
            const((2, GDF)),
            const((DC + 2 * GDF, H)), const((1, H)), const((1, H)), const((1, H)),
            const((H, 2 * H)), const((1, 2 * H)), const((1, 2 * H)), const((1, 2 * H)),
            const((2 * H, H)), const((1, H)), const((1, H)), const((1, H)),
            const((H, H)), const((1, H)), const((1, H)), const((1, H)),
        ],
        out_specs=pl.BlockSpec((BV, H), lambda i: (i, 0)),
        out_shape=jax.ShapeDtypeStruct((NS, H), jnp.float32),
    )(chem_g, d2k, angk, hg1, mu, sw1, sb1, sg1, sbe1, sw2, sb2, sg2,
      sbe2, fw1, fb1, fg1, fbe1, fw2, fb2, fg2, fbe2)


def kernel(chem_feats, geom_feats, verts, node_pos, cw1, cb1, cg1, cbe1, cw2,
           cb2, cg2, cbe2, gw1, gb1, gg1, gbe1, gw2, gb2, gg2, gbe2, sw1, sb1,
           sg1, sbe1, sw2, sb2, sg2, sbe2, fw1, fb1, fg1, fbe1, fw2, fb2, fg2,
           fbe2):
    row = lambda b: b.reshape(1, -1)
    h_chem, _ = _chem_prep(chem_feats, cw1, row(cb1), row(cg1), row(cbe1),
                           cw2, row(cb2), row(cg2), row(cbe2),
                           sw1[:DC], row(sb1))
    npT = jnp.pad(node_pos.T, ((0, 0), (0, NGP - NG)))
    pad = jnp.concatenate([jnp.zeros((1, NG), jnp.float32),
                           jnp.full((1, NGP - NG), 1e30, jnp.float32)], axis=1)
    _c = jnp.arange(NGP)
    permc = (2 * (_c % 80) + (_c // 80) // 16) * 16 + (_c // 80) % 16
    npTt = npT[:, permc]
    padt = pad[:, permc]
    hg1, d2, d2t, ang = _geom_prep(geom_feats, verts, npT, pad, npTt, padt,
                                   gw1, row(gb1), row(gg1), row(gbe1), gw2,
                                   row(gb2), row(gg2), row(gbe2))
    flat, d2e, ange = _sc_topk(d2.reshape(-1), d2t.reshape(-1),
                               ang.reshape(-1))
    tblc = lax.bitcast_convert_type(
        chem_feats.astype(jnp.bfloat16).reshape(NG, 64, 2), jnp.int32)
    chem_i32 = _sc_gather(tblc, flat)
    chem_g = lax.bitcast_convert_type(chem_i32, jnp.bfloat16).reshape(E, DC)
    mu = jnp.stack([jnp.linspace(0.0, 8.0, GDF),
                    jnp.linspace(-1.0, 1.0, GDF)]).astype(jnp.float32)
    out = _edge_final(chem_g, d2e.reshape(NS, K), ange.reshape(NS, K), hg1,
                      mu, sw1, row(sb1), row(sg1), row(sbe1), sw2, row(sb2),
                      row(sg2), row(sbe2), fw1, row(fb1), row(fg1), row(fbe1),
                      fw2, row(fb2), row(fg2), row(fbe2))
    return (out, h_chem)

# --- scband reference (transcript-rebuilt; emitter-appended) ---
"""Pipeline reference for scband-chem-geom-feat-encoder-48842368090299 (READ-ONLY COPY).

The authoritative reference and input builder live on the scoring server;
editing this copy changes nothing except your own understanding.
"""

import jax, jax.numpy as jnp
import numpy as np

NS, NG, DC, DG, H, GDF, K = 10000, 2500, 128, 16, 256, 16, 16

def _rbf(D, D_min, D_max, D_count):
    mu = jnp.linspace(D_min, D_max, D_count)
    sigma = (D_max - D_min) / D_count
    return jnp.exp(-(((D[..., None] - mu) / sigma) ** 2))

def _bn(x, g, b):
    return x / jnp.sqrt(1.0 + 1e-5) * g + b

def _mlp(x, w1, b1, g1, be1, w2, b2, g2, be2):
    h = _bn(x @ w1 + b1, g1, be1)
    h = jax.nn.silu(h)
    return _bn(h @ w2 + b2, g2, be2)

def setup_inputs(seed: int = 0):
    key = jax.random.key(seed)
    ks = jax.random.split(key, 16)
    def nrm(k, shape):
        return jax.random.normal(k, shape, dtype=jnp.float32) * 0.02
    inp = {}
    inp["chem_feats"] = jax.random.normal(ks[0], (NG, DC), dtype=jnp.float32)
    inp["geom_feats"] = jax.random.normal(ks[1], (NS, DG), dtype=jnp.float32)
    inp["verts"] = jax.random.normal(ks[2], (NS, 3), dtype=jnp.float32) * 4.0
    inp["node_pos"] = jax.random.normal(ks[3], (NG, 3), dtype=jnp.float32) * 4.0
    shapes = {
        "cw1": (DC, H), "cw2": (H, H),
        "gw1": (DG, H), "gw2": (H, H),
        "sw1": (DC + 2 * GDF, H), "sw2": (H, 2 * H),
        "fw1": (2 * H, H), "fw2": (H, H),
    }
    i = 4
    for name, shp in shapes.items():
        inp[name] = nrm(ks[i], shp)
        i += 1
        d = shp[1]
        p, n = name[0], name[2]
        inp[p + "b" + n] = jnp.zeros((d,), dtype=jnp.float32)
        inp[p + "g" + n] = jnp.ones((d,), dtype=jnp.float32)
        inp[p + "be" + n] = jnp.zeros((d,), dtype=jnp.float32)
    return inp

def reference(chem_feats, geom_feats, verts, node_pos, cw1, cb1, cg1, cbe1, cw2, cb2, cg2, cbe2, gw1, gb1, gg1, gbe1, gw2, gb2, gg2, gbe2, sw1, sb1, sg1, sbe1, sw2, sb2, sg2, sbe2, fw1, fb1, fg1, fbe1, fw2, fb2, fg2, fbe2):
    h_geom = _mlp(geom_feats, gw1, gb1, gg1, gbe1, gw2, gb2, gg2, gbe2)
    h_chem = _mlp(chem_feats, cw1, cb1, cg1, cbe1, cw2, cb2, cg2, cbe2)
    # kNN neighbor computation (no_grad in original)
    d2 = jnp.sum(verts ** 2, 1)[:, None] + jnp.sum(node_pos ** 2, 1)[None, :] - 2.0 * (verts @ node_pos.T)
    idx = jax.lax.top_k(-d2, K)[1]
    neigh_verts = jnp.repeat(jnp.arange(NS), K)
    neigh_graphs = idx.reshape(-1)
    all_chem_feats = chem_feats[neigh_graphs]
    verts_normals = geom_feats[:, -3:]
    all_normals = verts_normals[neigh_verts]
    edge_vecs = node_pos[neigh_graphs] - verts[neigh_verts]
    edge_dists = jnp.linalg.norm(edge_vecs, axis=-1)
    normed = edge_vecs / edge_dists[:, None]
    nbr_ang = jnp.einsum('vj,vj->v', normed, all_normals)
    enc_d = _rbf(edge_dists, 0.0, 8.0, GDF)
    enc_a = _rbf(nbr_ang, -1.0, 1.0, GDF)
    expanded = jnp.concatenate([all_chem_feats, enc_d, enc_a], axis=-1)
    emb = _mlp(expanded, sw1, sb1, sg1, sbe1, sw2, sb2, sg2, sbe2)
    nbr_filter, nbr_core = jnp.split(emb, 2, axis=-1)
    h_cg = jax.nn.sigmoid(nbr_filter) * jax.nn.softplus(nbr_core)
    h_cg = jax.ops.segment_sum(h_cg, neigh_verts, num_segments=NS)
    h_geom = _mlp(jnp.concatenate([h_cg, h_geom], axis=-1), fw1, fb1, fg1, fbe1, fw2, fb2, fg2, fbe2)
    return (h_geom, h_chem)

if __name__ == "__main__":
    import jax
    _d = setup_inputs()
    print(jax.jit(kernel)(*tuple(_d.values())))

</pallas_src>

<mosaic_0001>
#map = affine_map<(d0, d1) -> (0, 0)>
#map1 = affine_map<(d0, d1) -> (0)>
module attributes {stable_mosaic.version = 14 : i64} {
  func.func @_sc_gather_body(%arg0: i32, %arg1: i32, %arg2: memref<2500x64xi32, #tpu.memory_space<hbm>>, %arg3: memref<160000xi32, #tpu.memory_space<hbm>>, %arg4: memref<160000x64xi32, #tpu.memory_space<hbm>>, %arg5: memref<128xi32, #tpu.memory_space<vmem>>, %arg6: memref<128x64xi32, #tpu.memory_space<vmem>>, %arg7: memref<!tpu.dma_semaphore, #tpu.memory_space<semaphore_mem>>) attributes {dimension_semantics = [#tpu.dimension_semantics<core_parallel>, #tpu.dimension_semantics<subcore_parallel>], iteration_bounds = array<i64: 2, 16>, scalar_prefetch = 0 : i64, scratch_operands = 3 : i64, tpu.core_type = #tpu.core_type<sc_vector_subcore>, window_params = [{transform_indices = #map}, {transform_indices = #map1}, {transform_indices = #map}]} {
    %mul3A = arith.constant 2 : i32
    %mul3A_0 = arith.muli %arg1, %mul3A : i32
    %add3A = arith.addi %mul3A_0, %arg0 : i32
    %scan3A = arith.constant 0 : i32
    %scan3A_1 = arith.constant 0 : i32
    %scan3A_2 = arith.constant 39 : i32
    %scan3A_3 = arith.addi %scan3A_1, %scan3A_2 : i32
    %scan3A_4 = arith.constant 1 : i32
    scf.for %scan3A_8 = %scan3A_1 to %scan3A_3 step %scan3A_4  : i32 {
      %mul3A_9 = arith.constant 32 : i32
      %mul3A_10 = arith.muli %scan3A_8, %mul3A_9 : i32
      %add3A_11 = arith.addi %add3A, %mul3A_10 : i32
      %mul3A_12 = arith.constant 128 : i32
      %mul3A_13 = arith.muli %add3A_11, %mul3A_12 : i32
      "tpu.region"() ({
        %run_scoped3A = tpu.sem_alloc : memref<!tpu.dma_semaphore, #tpu.memory_space<semaphore_mem>>
        %dma_start3A_18 = tpu.memref_slice %arg3[%mul3A_13] : memref<160000xi32, #tpu.memory_space<hbm>> -> memref<128xi32, #tpu.memory_space<hbm>>
        %dma_start3A_19 = tpu.memref_slice %arg3[%mul3A_13] : memref<160000xi32, #tpu.memory_space<hbm>> -> memref<128xi32, #tpu.memory_space<hbm>>
        tpu.enqueue_dma source(%dma_start3A_19 : memref<128xi32, #tpu.memory_space<hbm>>) target(%arg5 : memref<128xi32, #tpu.memory_space<vmem>>) target_semaphore(%run_scoped3A : memref<!tpu.dma_semaphore, #tpu.memory_space<semaphore_mem>>)
        %dma_wait3A_20 = tpu.memref_slice %arg3[%mul3A_13] : memref<160000xi32, #tpu.memory_space<hbm>> -> memref<128xi32, #tpu.memory_space<hbm>>
        %dma_wait3A_21 = tpu.memref_slice %arg3[%mul3A_13] : memref<160000xi32, #tpu.memory_space<hbm>> -> memref<128xi32, #tpu.memory_space<hbm>>
        tpu.wait_dma2 semaphore(%run_scoped3A : memref<!tpu.dma_semaphore, #tpu.memory_space<semaphore_mem>>) src(%dma_wait3A_21 : memref<128xi32, #tpu.memory_space<hbm>>) dst(%arg5 : memref<128xi32, #tpu.memory_space<vmem>>)
        tpu.yield
      }) : () -> ()
      %dma_start3A = arith.constant 0 : i32
      %dma_start3A_14 = arith.constant 0 : i32
      %dma_start3A_15 = tpu.memref_slice %arg2[%dma_start3A, %dma_start3A_14] : memref<2500x64xi32, #tpu.memory_space<hbm>> -> memref<2500x64xi32, #tpu.memory_space<hbm>>
      tpu.enqueue_indirect_dma source(%dma_start3A_15 : memref<2500x64xi32, #tpu.memory_space<hbm>>) target(%arg6 : memref<128x64xi32, #tpu.memory_space<vmem>>) offsets(%arg5 : memref<128xi32, #tpu.memory_space<vmem>>) semaphore(%arg7 : memref<!tpu.dma_semaphore, #tpu.memory_space<semaphore_mem>>)
      %dma_wait3A = arith.constant 0 : i32
      %dma_wait3A_16 = arith.constant 0 : i32
      %dma_wait3A_17 = tpu.memref_slice %arg2[%dma_wait3A, %dma_wait3A_16] : memref<2500x64xi32, #tpu.memory_space<hbm>> -> memref<2500x64xi32, #tpu.memory_space<hbm>>
      tpu.wait_indirect_dma semaphore(%arg7 : memref<!tpu.dma_semaphore, #tpu.memory_space<semaphore_mem>>) src(%dma_wait3A_17 : memref<2500x64xi32, #tpu.memory_space<hbm>>) dst(%arg6 : memref<128x64xi32, #tpu.memory_space<vmem>>)
      "tpu.region"() ({
        %run_scoped3A = tpu.sem_alloc : memref<!tpu.dma_semaphore, #tpu.memory_space<semaphore_mem>>
        %dma_start3A_18 = arith.constant 0 : i32
        %dma_start3A_19 = tpu.memref_slice %arg4[%mul3A_13, %dma_start3A_18] : memref<160000x64xi32, #tpu.memory_space<hbm>> -> memref<128x64xi32, #tpu.memory_space<hbm>>
        %dma_start3A_20 = arith.constant 0 : i32
        %dma_start3A_21 = tpu.memref_slice %arg4[%mul3A_13, %dma_start3A_20] : memref<160000x64xi32, #tpu.memory_space<hbm>> -> memref<128x64xi32, #tpu.memory_space<hbm>>
        tpu.enqueue_dma source(%arg6 : memref<128x64xi32, #tpu.memory_space<vmem>>) target(%dma_start3A_21 : memref<128x64xi32, #tpu.memory_space<hbm>>) target_semaphore(%run_scoped3A : memref<!tpu.dma_semaphore, #tpu.memory_space<semaphore_mem>>)
        %dma_wait3A_22 = arith.constant 0 : i32
        %dma_wait3A_23 = tpu.memref_slice %arg4[%mul3A_13, %dma_wait3A_22] : memref<160000x64xi32, #tpu.memory_space<hbm>> -> memref<128x64xi32, #tpu.memory_space<hbm>>
        %dma_wait3A_24 = arith.constant 0 : i32
        %dma_wait3A_25 = tpu.memref_slice %arg4[%mul3A_13, %dma_wait3A_24] : memref<160000x64xi32, #tpu.memory_space<hbm>> -> memref<128x64xi32, #tpu.memory_space<hbm>>
        tpu.wait_dma2 semaphore(%run_scoped3A : memref<!tpu.dma_semaphore, #tpu.memory_space<semaphore_mem>>) src(%arg6 : memref<128x64xi32, #tpu.memory_space<vmem>>) dst(%dma_wait3A_25 : memref<128x64xi32, #tpu.memory_space<hbm>>)
        tpu.yield
      }) : () -> ()
    }
    %scan3A_5 = arith.constant 39 : i32
    %lt3A = arith.constant 2 : i32
    %lt3A_6 = arith.cmpi slt, %add3A, %lt3A : i32
    %convert_element_type3A = arith.extui %lt3A_6 : i1 to i32
    %cond3A = arith.constant 0 : i32
    %cond3A_7 = arith.cmpi ne, %convert_element_type3A, %cond3A : i32
    scf.if %cond3A_7 {
      %add3A_8 = arith.constant 1248 : i32
      %add3A_9 = arith.addi %add3A_8, %add3A : i32
      %mul3A_10 = arith.constant 128 : i32
      %mul3A_11 = arith.muli %add3A_9, %mul3A_10 : i32
      "tpu.region"() ({
        %run_scoped3A = tpu.sem_alloc : memref<!tpu.dma_semaphore, #tpu.memory_space<semaphore_mem>>
        %dma_start3A_16 = tpu.memref_slice %arg3[%mul3A_11] : memref<160000xi32, #tpu.memory_space<hbm>> -> memref<128xi32, #tpu.memory_space<hbm>>
        %dma_start3A_17 = tpu.memref_slice %arg3[%mul3A_11] : memref<160000xi32, #tpu.memory_space<hbm>> -> memref<128xi32, #tpu.memory_space<hbm>>
        tpu.enqueue_dma source(%dma_start3A_17 : memref<128xi32, #tpu.memory_space<hbm>>) target(%arg5 : memref<128xi32, #tpu.memory_space<vmem>>) target_semaphore(%run_scoped3A : memref<!tpu.dma_semaphore, #tpu.memory_space<semaphore_mem>>)
        %dma_wait3A_18 = tpu.memref_slice %arg3[%mul3A_11] : memref<160000xi32, #tpu.memory_space<hbm>> -> memref<128xi32, #tpu.memory_space<hbm>>
        %dma_wait3A_19 = tpu.memref_slice %arg3[%mul3A_11] : memref<160000xi32, #tpu.memory_space<hbm>> -> memref<128xi32, #tpu.memory_space<hbm>>
        tpu.wait_dma2 semaphore(%run_scoped3A : memref<!tpu.dma_semaphore, #tpu.memory_space<semaphore_mem>>) src(%dma_wait3A_19 : memref<128xi32, #tpu.memory_space<hbm>>) dst(%arg5 : memref<128xi32, #tpu.memory_space<vmem>>)
        tpu.yield
      }) : () -> ()
      %dma_start3A = arith.constant 0 : i32
      %dma_start3A_12 = arith.constant 0 : i32
      %dma_start3A_13 = tpu.memref_slice %arg2[%dma_start3A, %dma_start3A_12] : memref<2500x64xi32, #tpu.memory_space<hbm>> -> memref<2500x64xi32, #tpu.memory_space<hbm>>
      tpu.enqueue_indirect_dma source(%dma_start3A_13 : memref<2500x64xi32, #tpu.memory_space<hbm>>) target(%arg6 : memref<128x64xi32, #tpu.memory_space<vmem>>) offsets(%arg5 : memref<128xi32, #tpu.memory_space<vmem>>) semaphore(%arg7 : memref<!tpu.dma_semaphore, #tpu.memory_space<semaphore_mem>>)
      %dma_wait3A = arith.constant 0 : i32
      %dma_wait3A_14 = arith.constant 0 : i32
      %dma_wait3A_15 = tpu.memref_slice %arg2[%dma_wait3A, %dma_wait3A_14] : memref<2500x64xi32, #tpu.memory_space<hbm>> -> memref<2500x64xi32, #tpu.memory_space<hbm>>
      tpu.wait_indirect_dma semaphore(%arg7 : memref<!tpu.dma_semaphore, #tpu.memory_space<semaphore_mem>>) src(%dma_wait3A_15 : memref<2500x64xi32, #tpu.memory_space<hbm>>) dst(%arg6 : memref<128x64xi32, #tpu.memory_space<vmem>>)
      "tpu.region"() ({
        %run_scoped3A = tpu.sem_alloc : memref<!tpu.dma_semaphore, #tpu.memory_space<semaphore_mem>>
        %dma_start3A_16 = arith.constant 0 : i32
        %dma_start3A_17 = tpu.memref_slice %arg4[%mul3A_11, %dma_start3A_16] : memref<160000x64xi32, #tpu.memory_space<hbm>> -> memref<128x64xi32, #tpu.memory_space<hbm>>
        %dma_start3A_18 = arith.constant 0 : i32
        %dma_start3A_19 = tpu.memref_slice %arg4[%mul3A_11, %dma_start3A_18] : memref<160000x64xi32, #tpu.memory_space<hbm>> -> memref<128x64xi32, #tpu.memory_space<hbm>>
        tpu.enqueue_dma source(%arg6 : memref<128x64xi32, #tpu.memory_space<vmem>>) target(%dma_start3A_19 : memref<128x64xi32, #tpu.memory_space<hbm>>) target_semaphore(%run_scoped3A : memref<!tpu.dma_semaphore, #tpu.memory_space<semaphore_mem>>)
        %dma_wait3A_20 = arith.constant 0 : i32
        %dma_wait3A_21 = tpu.memref_slice %arg4[%mul3A_11, %dma_wait3A_20] : memref<160000x64xi32, #tpu.memory_space<hbm>> -> memref<128x64xi32, #tpu.memory_space<hbm>>
        %dma_wait3A_22 = arith.constant 0 : i32
        %dma_wait3A_23 = tpu.memref_slice %arg4[%mul3A_11, %dma_wait3A_22] : memref<160000x64xi32, #tpu.memory_space<hbm>> -> memref<128x64xi32, #tpu.memory_space<hbm>>
        tpu.wait_dma2 semaphore(%run_scoped3A : memref<!tpu.dma_semaphore, #tpu.memory_space<semaphore_mem>>) src(%arg6 : memref<128x64xi32, #tpu.memory_space<vmem>>) dst(%dma_wait3A_23 : memref<128x64xi32, #tpu.memory_space<hbm>>)
        tpu.yield
      }) : () -> ()
    } else {
    }
    return
  }
}

#map = affine_map<(d0, d1) -> (0)>
module attributes {stable_mosaic.version = 14 : i64} {
  func.func @_sc_topk_body(%arg0: i32, %arg1: i32, %arg2: memref<25600000xf32, #tpu.memory_space<hbm>>, %arg3: memref<25600000xf32, #tpu.memory_space<hbm>>, %arg4: memref<25600000xf32, #tpu.memory_space<hbm>>, %arg5: memref<160000xi32, #tpu.memory_space<hbm>>, %arg6: memref<160000xf32, #tpu.memory_space<hbm>>, %arg7: memref<160000xf32, #tpu.memory_space<hbm>>, %arg8: memref<10240xf32, #tpu.memory_space<vmem>>, %arg9: memref<10240xf32, #tpu.memory_space<vmem>>, %arg10: memref<10240xf32, #tpu.memory_space<vmem>>, %arg11: memref<10240xf32, #tpu.memory_space<vmem>>, %arg12: memref<10240xf32, #tpu.memory_space<vmem>>, %arg13: memref<10240xf32, #tpu.memory_space<vmem>>, %arg14: memref<64xi32, #tpu.memory_space<vmem>>, %arg15: memref<64xf32, #tpu.memory_space<vmem>>, %arg16: memref<64xf32, #tpu.memory_space<vmem>>, %arg17: memref<!tpu.dma_semaphore, #tpu.memory_space<semaphore_mem>>, %arg18: memref<!tpu.dma_semaphore, #tpu.memory_space<semaphore_mem>>, %arg19: memref<!tpu.dma_semaphore, #tpu.memory_space<semaphore_mem>>, %arg20: memref<!tpu.dma_semaphore, #tpu.memory_space<semaphore_mem>>, %arg21: memref<!tpu.dma_semaphore, #tpu.memory_space<semaphore_mem>>, %arg22: memref<!tpu.dma_semaphore, #tpu.memory_space<semaphore_mem>>) attributes {dimension_semantics = [#tpu.dimension_semantics<core_parallel>, #tpu.dimension_semantics<subcore_parallel>], iteration_bounds = array<i64: 2, 16>, scalar_prefetch = 0 : i64, scratch_operands = 15 : i64, tpu.core_type = #tpu.core_type<sc_vector_subcore>, window_params = [{transform_indices = #map}, {transform_indices = #map}, {transform_indices = #map}, {transform_indices = #map}, {transform_indices = #map}, {transform_indices = #map}]} {
    %mul3A = arith.constant 2 : i32
    %mul3A_0 = arith.muli %arg1, %mul3A : i32
    %add3A = arith.addi %mul3A_0, %arg0 : i32
    %iota3A = tpu.iota {dimensions = array<i32: 0>} : vector<16xi32>
    %broadcast_in_dim3A = arith.constant 0x7F800000 : f32
    %broadcast_in_dim3A_1 = vector.broadcast %broadcast_in_dim3A : f32 to vector<16xf32>
    %broadcast_in_dim3A_2 = arith.constant 2560 : i32
    %broadcast_in_dim3A_3 = vector.broadcast %broadcast_in_dim3A_2 : i32 to vector<16xi32>
    %lt3A = arith.constant 2500 : i32
    %lt3A_4 = arith.cmpi slt, %add3A, %lt3A : i32
    %convert_element_type3A = arith.extui %lt3A_4 : i1 to i32
    %cond3A = arith.constant 0 : i32
    %cond3A_5 = arith.cmpi ne, %convert_element_type3A, %cond3A : i32
    scf.if %cond3A_5 {
      %mul3A_11 = arith.constant 10240 : i32
      %mul3A_12 = arith.muli %add3A, %mul3A_11 : i32
      %dma_start3A = tpu.memref_slice %arg2[%mul3A_12] : memref<25600000xf32, #tpu.memory_space<hbm>> -> memref<10240xf32, #tpu.memory_space<hbm>>
      %dma_start3A_13 = tpu.memref_slice %arg2[%mul3A_12] : memref<25600000xf32, #tpu.memory_space<hbm>> -> memref<10240xf32, #tpu.memory_space<hbm>>
      tpu.enqueue_dma source(%dma_start3A_13 : memref<10240xf32, #tpu.memory_space<hbm>>) target(%arg8 : memref<10240xf32, #tpu.memory_space<vmem>>) target_semaphore(%arg17 : memref<!tpu.dma_semaphore, #tpu.memory_space<semaphore_mem>>)
      %mul3A_14 = arith.constant 10240 : i32
      %mul3A_15 = arith.muli %add3A, %mul3A_14 : i32
      %dma_start3A_16 = tpu.memref_slice %arg3[%mul3A_15] : memref<25600000xf32, #tpu.memory_space<hbm>> -> memref<10240xf32, #tpu.memory_space<hbm>>
      %dma_start3A_17 = tpu.memref_slice %arg3[%mul3A_15] : memref<25600000xf32, #tpu.memory_space<hbm>> -> memref<10240xf32, #tpu.memory_space<hbm>>
      tpu.enqueue_dma source(%dma_start3A_17 : memref<10240xf32, #tpu.memory_space<hbm>>) target(%arg9 : memref<10240xf32, #tpu.memory_space<vmem>>) target_semaphore(%arg18 : memref<!tpu.dma_semaphore, #tpu.memory_space<semaphore_mem>>)
      %mul3A_18 = arith.constant 10240 : i32
      %mul3A_19 = arith.muli %add3A, %mul3A_18 : i32
      %dma_start3A_20 = tpu.memref_slice %arg4[%mul3A_19] : memref<25600000xf32, #tpu.memory_space<hbm>> -> memref<10240xf32, #tpu.memory_space<hbm>>
      %dma_start3A_21 = tpu.memref_slice %arg4[%mul3A_19] : memref<25600000xf32, #tpu.memory_space<hbm>> -> memref<10240xf32, #tpu.memory_space<hbm>>
      tpu.enqueue_dma source(%dma_start3A_21 : memref<10240xf32, #tpu.memory_space<hbm>>) target(%arg10 : memref<10240xf32, #tpu.memory_space<vmem>>) target_semaphore(%arg19 : memref<!tpu.dma_semaphore, #tpu.memory_space<semaphore_mem>>)
    } else {
    }
    %scan3A = arith.constant 0 : i32
    %scan3A_6 = arith.constant 0 : i32
    %scan3A_7 = arith.constant 40 : i32
    %scan3A_8 = arith.addi %scan3A_6, %scan3A_7 : i32
    %scan3A_9 = arith.constant 1 : i32
    scf.for %scan3A_11 = %scan3A_6 to %scan3A_8 step %scan3A_9  : i32 {
      %mul3A_12 = arith.constant 2 : i32
      %mul3A_13 = arith.muli %mul3A_12, %scan3A_11 : i32
      %add3A_14 = arith.constant 0 : i32
      %add3A_15 = arith.addi %mul3A_13, %add3A_14 : i32
      %mul3A_16 = arith.constant 32 : i32
      %mul3A_17 = arith.muli %add3A_15, %mul3A_16 : i32
      %add3A_18 = arith.addi %add3A, %mul3A_17 : i32
      %add3A_19 = arith.constant 1 : i32
      %add3A_20 = arith.addi %add3A_15, %add3A_19 : i32
      %mul3A_21 = arith.constant 32 : i32
      %mul3A_22 = arith.muli %add3A_20, %mul3A_21 : i32
      %add3A_23 = arith.addi %add3A, %mul3A_22 : i32
      %lt3A_24 = arith.constant 2500 : i32
      %lt3A_25 = arith.cmpi slt, %add3A_23, %lt3A_24 : i32
      %convert_element_type3A_26 = arith.extui %lt3A_25 : i1 to i32
      %cond3A_27 = arith.constant 0 : i32
      %cond3A_28 = arith.cmpi ne, %convert_element_type3A_26, %cond3A_27 : i32
      scf.if %cond3A_28 {
        %mul3A_56 = arith.constant 10240 : i32
        %mul3A_57 = arith.muli %add3A_23, %mul3A_56 : i32
        %dma_start3A = tpu.memref_slice %arg2[%mul3A_57] : memref<25600000xf32, #tpu.memory_space<hbm>> -> memref<10240xf32, #tpu.memory_space<hbm>>
        %dma_start3A_58 = tpu.memref_slice %arg2[%mul3A_57] : memref<25600000xf32, #tpu.memory_space<hbm>> -> memref<10240xf32, #tpu.memory_space<hbm>>
        tpu.enqueue_dma source(%dma_start3A_58 : memref<10240xf32, #tpu.memory_space<hbm>>) target(%arg11 : memref<10240xf32, #tpu.memory_space<vmem>>) target_semaphore(%arg20 : memref<!tpu.dma_semaphore, #tpu.memory_space<semaphore_mem>>)
        %mul3A_59 = arith.constant 10240 : i32
        %mul3A_60 = arith.muli %add3A_23, %mul3A_59 : i32
        %dma_start3A_61 = tpu.memref_slice %arg3[%mul3A_60] : memref<25600000xf32, #tpu.memory_space<hbm>> -> memref<10240xf32, #tpu.memory_space<hbm>>
        %dma_start3A_62 = tpu.memref_slice %arg3[%mul3A_60] : memref<25600000xf32, #tpu.memory_space<hbm>> -> memref<10240xf32, #tpu.memory_space<hbm>>
        tpu.enqueue_dma source(%dma_start3A_62 : memref<10240xf32, #tpu.memory_space<hbm>>) target(%arg12 : memref<10240xf32, #tpu.memory_space<vmem>>) target_semaphore(%arg21 : memref<!tpu.dma_semaphore, #tpu.memory_space<semaphore_mem>>)
        %mul3A_63 = arith.constant 10240 : i32
        %mul3A_64 = arith.muli %add3A_23, %mul3A_63 : i32
        %dma_start3A_65 = tpu.memref_slice %arg4[%mul3A_64] : memref<25600000xf32, #tpu.memory_space<hbm>> -> memref<10240xf32, #tpu.memory_space<hbm>>
        %dma_start3A_66 = tpu.memref_slice %arg4[%mul3A_64] : memref<25600000xf32, #tpu.memory_space<hbm>> -> memref<10240xf32, #tpu.memory_space<hbm>>
        tpu.enqueue_dma source(%dma_start3A_66 : memref<10240xf32, #tpu.memory_space<hbm>>) target(%arg13 : memref<10240xf32, #tpu.memory_space<vmem>>) target_semaphore(%arg22 : memref<!tpu.dma_semaphore, #tpu.memory_space<semaphore_mem>>)
      } else {
      }
      %lt3A_29 = arith.constant 2500 : i32
      %lt3A_30 = arith.cmpi slt, %add3A_18, %lt3A_29 : i32
      %convert_element_type3A_31 = arith.extui %lt3A_30 : i1 to i32
      %cond3A_32 = arith.constant 0 : i32
      %cond3A_33 = arith.cmpi ne, %convert_element_type3A_31, %cond3A_32 : i32
      scf.if %cond3A_33 {
        %mul3A_56 = arith.constant 10240 : i32
        %mul3A_57 = arith.muli %add3A_18, %mul3A_56 : i32
        %dma_wait3A = tpu.memref_slice %arg2[%mul3A_57] : memref<25600000xf32, #tpu.memory_space<hbm>> -> memref<10240xf32, #tpu.memory_space<hbm>>
        %dma_wait3A_58 = tpu.memref_slice %arg2[%mul3A_57] : memref<25600000xf32, #tpu.memory_space<hbm>> -> memref<10240xf32, #tpu.memory_space<hbm>>
        tpu.wait_dma2 semaphore(%arg17 : memref<!tpu.dma_semaphore, #tpu.memory_space<semaphore_mem>>) src(%dma_wait3A_58 : memref<10240xf32, #tpu.memory_space<hbm>>) dst(%arg8 : memref<10240xf32, #tpu.memory_space<vmem>>)
        %mul3A_59 = arith.constant 10240 : i32
        %mul3A_60 = arith.muli %add3A_18, %mul3A_59 : i32
        %dma_wait3A_61 = tpu.memref_slice %arg3[%mul3A_60] : memref<25600000xf32, #tpu.memory_space<hbm>> -> memref<10240xf32, #tpu.memory_space<hbm>>
        %dma_wait3A_62 = tpu.memref_slice %arg3[%mul3A_60] : memref<25600000xf32, #tpu.memory_space<hbm>> -> memref<10240xf32, #tpu.memory_space<hbm>>
        tpu.wait_dma2 semaphore(%arg18 : memref<!tpu.dma_semaphore, #tpu.memory_space<semaphore_mem>>) src(%dma_wait3A_62 : memref<10240xf32, #tpu.memory_space<hbm>>) dst(%arg9 : memref<10240xf32, #tpu.memory_space<vmem>>)
        %mul3A_63 = arith.constant 10240 : i32
        %mul3A_64 = arith.muli %add3A_18, %mul3A_63 : i32
        %dma_wait3A_65 = tpu.memref_slice %arg4[%mul3A_64] : memref<25600000xf32, #tpu.memory_space<hbm>> -> memref<10240xf32, #tpu.memory_space<hbm>>
        %dma_wait3A_66 = tpu.memref_slice %arg4[%mul3A_64] : memref<25600000xf32, #tpu.memory_space<hbm>> -> memref<10240xf32, #tpu.memory_space<hbm>>
        tpu.wait_dma2 semaphore(%arg19 : memref<!tpu.dma_semaphore, #tpu.memory_space<semaphore_mem>>) src(%dma_wait3A_66 : memref<10240xf32, #tpu.memory_space<hbm>>) dst(%arg10 : memref<10240xf32, #tpu.memory_space<vmem>>)
        %scan3A_67 = arith.constant 0 : i32
        %scan3A_68 = arith.constant 0 : i32
        %scan3A_69 = arith.constant 4 : i32
        %scan3A_70 = arith.addi %scan3A_68, %scan3A_69 : i32
        %scan3A_71 = arith.constant 1 : i32
        scf.for %scan3A_79 = %scan3A_68 to %scan3A_70 step %scan3A_71  : i32 {
          %mul3A_80 = arith.constant 2560 : i32
          %mul3A_81 = arith.muli %scan3A_79, %mul3A_80 : i32
          %scan3A_82 = arith.constant 0 : i32
          %scan3A_83 = arith.constant 40 : i32
          %scan3A_84 = arith.addi %scan3A_82, %scan3A_83 : i32
          %scan3A_85 = arith.constant 1 : i32
          %scan3A_86:4 = scf.for %scan3A_117 = %scan3A_82 to %scan3A_84 step %scan3A_85 iter_args(%scan3A_118 = %broadcast_in_dim3A_1, %scan3A_119 = %broadcast_in_dim3A_3, %scan3A_120 = %broadcast_in_dim3A_1, %scan3A_121 = %broadcast_in_dim3A_3) -> (vector<16xf32>, vector<16xi32>, vector<16xf32>, vector<16xi32>)  : i32 {
            %mul3A_122 = arith.constant 4 : i32
            %mul3A_123 = arith.muli %mul3A_122, %scan3A_117 : i32
            %add3A_124 = arith.constant 0 : i32
            %add3A_125 = arith.addi %mul3A_123, %add3A_124 : i32
            %mul3A_126 = arith.constant 16 : i32
            %mul3A_127 = arith.muli %add3A_125, %mul3A_126 : i32
            %add3A_128 = arith.addi %mul3A_81, %mul3A_127 : i32
            %get3A = arith.index_cast %add3A_128 : i32 to index
            %get3A_129 = tpu.vector_load %arg8[%get3A] {strides = array<i32>} : memref<10240xf32, #tpu.memory_space<vmem>>, vector<16xf32>,
            %get3A_130 = vector.shape_cast %get3A_129 : vector<16xf32> to vector<16xf32>
            %lt3A_131 = arith.cmpf olt, %get3A_130, %scan3A_118 : vector<16xf32>
            %select_n3A = arith.select %lt3A_131, %get3A_130, %scan3A_118 : vector<16xi1>, vector<16xf32>
            %add3A_132 = arith.constant 0 : i32
            %add3A_133 = arith.addi %mul3A_123, %add3A_132 : i32
            %broadcast_in_dim3A_134 = vector.broadcast %add3A_133 : i32 to vector<16xi32>
            %select_n3A_135 = arith.select %lt3A_131, %broadcast_in_dim3A_134, %scan3A_119 : vector<16xi1>, vector<16xi32>
            %add3A_136 = arith.constant 0 : i32
            %add3A_137 = arith.addi %mul3A_123, %add3A_136 : i32
            %add3A_138 = arith.constant 1 : i32
            %add3A_139 = arith.addi %add3A_137, %add3A_138 : i32
            %mul3A_140 = arith.constant 16 : i32
            %mul3A_141 = arith.muli %add3A_139, %mul3A_140 : i32
            %add3A_142 = arith.addi %mul3A_81, %mul3A_141 : i32
            %get3A_143 = arith.index_cast %add3A_142 : i32 to index
            %get3A_144 = tpu.vector_load %arg8[%get3A_143] {strides = array<i32>} : memref<10240xf32, #tpu.memory_space<vmem>>, vector<16xf32>,
            %get3A_145 = vector.shape_cast %get3A_144 : vector<16xf32> to vector<16xf32>
            %lt3A_146 = arith.cmpf olt, %get3A_145, %scan3A_120 : vector<16xf32>
            %select_n3A_147 = arith.select %lt3A_146, %get3A_145, %scan3A_120 : vector<16xi1>, vector<16xf32>
            %add3A_148 = arith.constant 0 : i32
            %add3A_149 = arith.addi %mul3A_123, %add3A_148 : i32
            %add3A_150 = arith.constant 1 : i32
            %add3A_151 = arith.addi %add3A_149, %add3A_150 : i32
            %broadcast_in_dim3A_152 = vector.broadcast %add3A_151 : i32 to vector<16xi32>
            %select_n3A_153 = arith.select %lt3A_146, %broadcast_in_dim3A_152, %scan3A_121 : vector<16xi1>, vector<16xi32>
            %add3A_154 = arith.constant 2 : i32
            %add3A_155 = arith.addi %mul3A_123, %add3A_154 : i32
            %mul3A_156 = arith.constant 16 : i32
            %mul3A_157 = arith.muli %add3A_155, %mul3A_156 : i32
            %add3A_158 = arith.addi %mul3A_81, %mul3A_157 : i32
            %get3A_159 = arith.index_cast %add3A_158 : i32 to index
            %get3A_160 = tpu.vector_load %arg8[%get3A_159] {strides = array<i32>} : memref<10240xf32, #tpu.memory_space<vmem>>, vector<16xf32>,
            %get3A_161 = vector.shape_cast %get3A_160 : vector<16xf32> to vector<16xf32>
            %lt3A_162 = arith.cmpf olt, %get3A_161, %select_n3A : vector<16xf32>
            %select_n3A_163 = arith.select %lt3A_162, %get3A_161, %select_n3A : vector<16xi1>, vector<16xf32>
            %add3A_164 = arith.constant 2 : i32
            %add3A_165 = arith.addi %mul3A_123, %add3A_164 : i32
            %broadcast_in_dim3A_166 = vector.broadcast %add3A_165 : i32 to vector<16xi32>
            %select_n3A_167 = arith.select %lt3A_162, %broadcast_in_dim3A_166, %select_n3A_135 : vector<16xi1>, vector<16xi32>
            %add3A_168 = arith.constant 2 : i32
            %add3A_169 = arith.addi %mul3A_123, %add3A_168 : i32
            %add3A_170 = arith.constant 1 : i32
            %add3A_171 = arith.addi %add3A_169, %add3A_170 : i32
            %mul3A_172 = arith.constant 16 : i32
            %mul3A_173 = arith.muli %add3A_171, %mul3A_172 : i32
            %add3A_174 = arith.addi %mul3A_81, %mul3A_173 : i32
            %get3A_175 = arith.index_cast %add3A_174 : i32 to index
            %get3A_176 = tpu.vector_load %arg8[%get3A_175] {strides = array<i32>} : memref<10240xf32, #tpu.memory_space<vmem>>, vector<16xf32>,
            %get3A_177 = vector.shape_cast %get3A_176 : vector<16xf32> to vector<16xf32>
            %lt3A_178 = arith.cmpf olt, %get3A_177, %select_n3A_147 : vector<16xf32>
            %select_n3A_179 = arith.select %lt3A_178, %get3A_177, %select_n3A_147 : vector<16xi1>, vector<16xf32>
            %add3A_180 = arith.constant 2 : i32
            %add3A_181 = arith.addi %mul3A_123, %add3A_180 : i32
            %add3A_182 = arith.constant 1 : i32
            %add3A_183 = arith.addi %add3A_181, %add3A_182 : i32
            %broadcast_in_dim3A_184 = vector.broadcast %add3A_183 : i32 to vector<16xi32>
            %select_n3A_185 = arith.select %lt3A_178, %broadcast_in_dim3A_184, %select_n3A_153 : vector<16xi1>, vector<16xi32>
            scf.yield %select_n3A_163, %select_n3A_167, %select_n3A_179, %select_n3A_185 : vector<16xf32>, vector<16xi32>, vector<16xf32>, vector<16xi32>
          }
          %scan3A_87 = arith.constant 40 : i32
          %broadcast_in_dim3A_88 = arith.constant 0 : i32
          %broadcast_in_dim3A_89 = vector.broadcast %broadcast_in_dim3A_88 : i32 to vector<16xi32>
          %broadcast_in_dim3A_90 = arith.constant 0.000000e+00 : f32
          %broadcast_in_dim3A_91 = vector.broadcast %broadcast_in_dim3A_90 : f32 to vector<16xf32>
          %broadcast_in_dim3A_92 = arith.constant 0.000000e+00 : f32
          %broadcast_in_dim3A_93 = vector.broadcast %broadcast_in_dim3A_92 : f32 to vector<16xf32>
          %scan3A_94 = arith.constant 0 : i32
          %scan3A_95 = arith.constant 16 : i32
          %scan3A_96 = arith.addi %scan3A_94, %scan3A_95 : i32
          %scan3A_97 = arith.constant 1 : i32
          %scan3A_98:7 = scf.for %scan3A_117 = %scan3A_94 to %scan3A_96 step %scan3A_97 iter_args(%scan3A_118 = %scan3A_86#0, %scan3A_119 = %scan3A_86#1, %scan3A_120 = %scan3A_86#2, %scan3A_121 = %scan3A_86#3, %scan3A_122 = %broadcast_in_dim3A_89, %scan3A_123 = %broadcast_in_dim3A_91, %scan3A_124 = %broadcast_in_dim3A_93) -> (vector<16xf32>, vector<16xi32>, vector<16xf32>, vector<16xi32>, vector<16xi32>, vector<16xf32>, vector<16xf32>)  : i32 {
            %mul3A_125 = arith.constant 16 : i32
            %mul3A_126 = vector.broadcast %mul3A_125 : i32 to vector<16xi32>
            %mul3A_127 = arith.muli %scan3A_119, %mul3A_126 : vector<16xi32>
            %add3A_128 = arith.addi %mul3A_127, %iota3A : vector<16xi32>
            %mul3A_129 = arith.constant 16 : i32
            %mul3A_130 = vector.broadcast %mul3A_129 : i32 to vector<16xi32>
            %mul3A_131 = arith.muli %scan3A_121, %mul3A_130 : vector<16xi32>
            %add3A_132 = arith.addi %mul3A_131, %iota3A : vector<16xi32>
            %lt3A_133 = arith.cmpf olt, %scan3A_120, %scan3A_118 : vector<16xf32>
            %eq3A = arith.cmpf oeq, %scan3A_120, %scan3A_118 : vector<16xf32>
            %lt3A_134 = arith.cmpi slt, %add3A_132, %add3A_128 : vector<16xi32>
            %and3A = arith.andi %eq3A, %lt3A_134 : vector<16xi1>
            %or3A = arith.ori %lt3A_133, %and3A : vector<16xi1>
            %select_n3A = arith.select %or3A, %scan3A_120, %scan3A_118 : vector<16xi1>, vector<16xf32>
            %select_n3A_135 = arith.select %or3A, %add3A_132, %add3A_128 : vector<16xi1>, vector<16xi32>
            %xor3A = arith.constant 1 : i32
            %xor3A_136 = vector.broadcast %xor3A : i32 to vector<16xi32>
            %xor3A_137 = arith.xori %iota3A, %xor3A_136 : vector<16xi32>
            %lt3A_138 = arith.constant 0 : i32
            %lt3A_139 = vector.broadcast %lt3A_138 : i32 to vector<16xi32>
            %lt3A_140 = arith.cmpi slt, %xor3A_137, %lt3A_139 : vector<16xi32>
            %add3A_141 = arith.constant 16 : i32
            %add3A_142 = vector.broadcast %add3A_141 : i32 to vector<16xi32>
            %add3A_143 = arith.addi %xor3A_137, %add3A_142 : vector<16xi32>
            %select_n3A_144 = arith.select %lt3A_140, %add3A_143, %xor3A_137 : vector<16xi1>, vector<16xi32>
            %broadcast_in_dim3A_145 = vector.shape_cast %select_n3A_144 : vector<16xi32> to vector<16x1xi32>
            %gather3A = vector.shape_cast %broadcast_in_dim3A_145 : vector<16x1xi32> to vector<16xi32>
            %gather3A_146 = tpu.dynamic_gather %select_n3A[%gather3A] in [0] : vector<16xf32>, vector<16xi32> -> vector<16xf32>
            %lt3A_147 = arith.constant 0 : i32
            %lt3A_148 = vector.broadcast %lt3A_147 : i32 to vector<16xi32>
            %lt3A_149 = arith.cmpi slt, %xor3A_137, %lt3A_148 : vector<16xi32>
            %add3A_150 = arith.constant 16 : i32
            %add3A_151 = vector.broadcast %add3A_150 : i32 to vector<16xi32>
            %add3A_152 = arith.addi %xor3A_137, %add3A_151 : vector<16xi32>
            %select_n3A_153 = arith.select %lt3A_149, %add3A_152, %xor3A_137 : vector<16xi1>, vector<16xi32>
            %broadcast_in_dim3A_154 = vector.shape_cast %select_n3A_153 : vector<16xi32> to vector<16x1xi32>
            %gather3A_155 = vector.shape_cast %broadcast_in_dim3A_154 : vector<16x1xi32> to vector<16xi32>
            %gather3A_156 = tpu.dynamic_gather %select_n3A_135[%gather3A_155] in [0] : vector<16xi32>, vector<16xi32> -> vector<16xi32>
            %lt3A_157 = arith.cmpf olt, %gather3A_146, %select_n3A : vector<16xf32>
            %eq3A_158 = arith.cmpf oeq, %gather3A_146, %select_n3A : vector<16xf32>
            %lt3A_159 = arith.cmpi slt, %gather3A_156, %select_n3A_135 : vector<16xi32>
            %and3A_160 = arith.andi %eq3A_158, %lt3A_159 : vector<16xi1>
            %or3A_161 = arith.ori %lt3A_157, %and3A_160 : vector<16xi1>
            %select_n3A_162 = arith.select %or3A_161, %gather3A_146, %select_n3A : vector<16xi1>, vector<16xf32>
            %select_n3A_163 = arith.select %or3A_161, %gather3A_156, %select_n3A_135 : vector<16xi1>, vector<16xi32>
            %xor3A_164 = arith.constant 2 : i32
            %xor3A_165 = vector.broadcast %xor3A_164 : i32 to vector<16xi32>
            %xor3A_166 = arith.xori %iota3A, %xor3A_165 : vector<16xi32>
            %lt3A_167 = arith.constant 0 : i32
            %lt3A_168 = vector.broadcast %lt3A_167 : i32 to vector<16xi32>
            %lt3A_169 = arith.cmpi slt, %xor3A_166, %lt3A_168 : vector<16xi32>
            %add3A_170 = arith.constant 16 : i32
            %add3A_171 = vector.broadcast %add3A_170 : i32 to vector<16xi32>
            %add3A_172 = arith.addi %xor3A_166, %add3A_171 : vector<16xi32>
            %select_n3A_173 = arith.select %lt3A_169, %add3A_172, %xor3A_166 : vector<16xi1>, vector<16xi32>
            %broadcast_in_dim3A_174 = vector.shape_cast %select_n3A_173 : vector<16xi32> to vector<16x1xi32>
            %gather3A_175 = vector.shape_cast %broadcast_in_dim3A_174 : vector<16x1xi32> to vector<16xi32>
            %gather3A_176 = tpu.dynamic_gather %select_n3A_162[%gather3A_175] in [0] : vector<16xf32>, vector<16xi32> -> vector<16xf32>
            %lt3A_177 = arith.constant 0 : i32
            %lt3A_178 = vector.broadcast %lt3A_177 : i32 to vector<16xi32>
            %lt3A_179 = arith.cmpi slt, %xor3A_166, %lt3A_178 : vector<16xi32>
            %add3A_180 = arith.constant 16 : i32
            %add3A_181 = vector.broadcast %add3A_180 : i32 to vector<16xi32>
            %add3A_182 = arith.addi %xor3A_166, %add3A_181 : vector<16xi32>
            %select_n3A_183 = arith.select %lt3A_179, %add3A_182, %xor3A_166 : vector<16xi1>, vector<16xi32>
            %broadcast_in_dim3A_184 = vector.shape_cast %select_n3A_183 : vector<16xi32> to vector<16x1xi32>
            %gather3A_185 = vector.shape_cast %broadcast_in_dim3A_184 : vector<16x1xi32> to vector<16xi32>
            %gather3A_186 = tpu.dynamic_gather %select_n3A_163[%gather3A_185] in [0] : vector<16xi32>, vector<16xi32> -> vector<16xi32>
            %lt3A_187 = arith.cmpf olt, %gather3A_176, %select_n3A_162 : vector<16xf32>
            %eq3A_188 = arith.cmpf oeq, %gather3A_176, %select_n3A_162 : vector<16xf32>
            %lt3A_189 = arith.cmpi slt, %gather3A_186, %select_n3A_163 : vector<16xi32>
            %and3A_190 = arith.andi %eq3A_188, %lt3A_189 : vector<16xi1>
            %or3A_191 = arith.ori %lt3A_187, %and3A_190 : vector<16xi1>
            %select_n3A_192 = arith.select %or3A_191, %gather3A_176, %select_n3A_162 : vector<16xi1>, vector<16xf32>
            %select_n3A_193 = arith.select %or3A_191, %gather3A_186, %select_n3A_163 : vector<16xi1>, vector<16xi32>
            %xor3A_194 = arith.constant 4 : i32
            %xor3A_195 = vector.broadcast %xor3A_194 : i32 to vector<16xi32>
            %xor3A_196 = arith.xori %iota3A, %xor3A_195 : vector<16xi32>
            %lt3A_197 = arith.constant 0 : i32
            %lt3A_198 = vector.broadcast %lt3A_197 : i32 to vector<16xi32>
            %lt3A_199 = arith.cmpi slt, %xor3A_196, %lt3A_198 : vector<16xi32>
            %add3A_200 = arith.constant 16 : i32
            %add3A_201 = vector.broadcast %add3A_200 : i32 to vector<16xi32>
            %add3A_202 = arith.addi %xor3A_196, %add3A_201 : vector<16xi32>
            %select_n3A_203 = arith.select %lt3A_199, %add3A_202, %xor3A_196 : vector<16xi1>, vector<16xi32>
            %broadcast_in_dim3A_204 = vector.shape_cast %select_n3A_203 : vector<16xi32> to vector<16x1xi32>
            %gather3A_205 = vector.shape_cast %broadcast_in_dim3A_204 : vector<16x1xi32> to vector<16xi32>
            %gather3A_206 = tpu.dynamic_gather %select_n3A_192[%gather3A_205] in [0] : vector<16xf32>, vector<16xi32> -> vector<16xf32>
            %lt3A_207 = arith.constant 0 : i32
            %lt3A_208 = vector.broadcast %lt3A_207 : i32 to vector<16xi32>
            %lt3A_209 = arith.cmpi slt, %xor3A_196, %lt3A_208 : vector<16xi32>
            %add3A_210 = arith.constant 16 : i32
            %add3A_211 = vector.broadcast %add3A_210 : i32 to vector<16xi32>
            %add3A_212 = arith.addi %xor3A_196, %add3A_211 : vector<16xi32>
            %select_n3A_213 = arith.select %lt3A_209, %add3A_212, %xor3A_196 : vector<16xi1>, vector<16xi32>
            %broadcast_in_dim3A_214 = vector.shape_cast %select_n3A_213 : vector<16xi32> to vector<16x1xi32>
            %gather3A_215 = vector.shape_cast %broadcast_in_dim3A_214 : vector<16x1xi32> to vector<16xi32>
            %gather3A_216 = tpu.dynamic_gather %select_n3A_193[%gather3A_215] in [0] : vector<16xi32>, vector<16xi32> -> vector<16xi32>
            %lt3A_217 = arith.cmpf olt, %gather3A_206, %select_n3A_192 : vector<16xf32>
            %eq3A_218 = arith.cmpf oeq, %gather3A_206, %select_n3A_192 : vector<16xf32>
            %lt3A_219 = arith.cmpi slt, %gather3A_216, %select_n3A_193 : vector<16xi32>
            %and3A_220 = arith.andi %eq3A_218, %lt3A_219 : vector<16xi1>
            %or3A_221 = arith.ori %lt3A_217, %and3A_220 : vector<16xi1>
            %select_n3A_222 = arith.select %or3A_221, %gather3A_206, %select_n3A_192 : vector<16xi1>, vector<16xf32>
            %select_n3A_223 = arith.select %or3A_221, %gather3A_216, %select_n3A_193 : vector<16xi1>, vector<16xi32>
            %xor3A_224 = arith.constant 8 : i32
            %xor3A_225 = vector.broadcast %xor3A_224 : i32 to vector<16xi32>
            %xor3A_226 = arith.xori %iota3A, %xor3A_225 : vector<16xi32>
            %lt3A_227 = arith.constant 0 : i32
            %lt3A_228 = vector.broadcast %lt3A_227 : i32 to vector<16xi32>
            %lt3A_229 = arith.cmpi slt, %xor3A_226, %lt3A_228 : vector<16xi32>
            %add3A_230 = arith.constant 16 : i32
            %add3A_231 = vector.broadcast %add3A_230 : i32 to vector<16xi32>
            %add3A_232 = arith.addi %xor3A_226, %add3A_231 : vector<16xi32>
            %select_n3A_233 = arith.select %lt3A_229, %add3A_232, %xor3A_226 : vector<16xi1>, vector<16xi32>
            %broadcast_in_dim3A_234 = vector.shape_cast %select_n3A_233 : vector<16xi32> to vector<16x1xi32>
            %gather3A_235 = vector.shape_cast %broadcast_in_dim3A_234 : vector<16x1xi32> to vector<16xi32>
            %gather3A_236 = tpu.dynamic_gather %select_n3A_222[%gather3A_235] in [0] : vector<16xf32>, vector<16xi32> -> vector<16xf32>
            %lt3A_237 = arith.constant 0 : i32
            %lt3A_238 = vector.broadcast %lt3A_237 : i32 to vector<16xi32>
            %lt3A_239 = arith.cmpi slt, %xor3A_226, %lt3A_238 : vector<16xi32>
            %add3A_240 = arith.constant 16 : i32
            %add3A_241 = vector.broadcast %add3A_240 : i32 to vector<16xi32>
            %add3A_242 = arith.addi %xor3A_226, %add3A_241 : vector<16xi32>
            %select_n3A_243 = arith.select %lt3A_239, %add3A_242, %xor3A_226 : vector<16xi1>, vector<16xi32>
            %broadcast_in_dim3A_244 = vector.shape_cast %select_n3A_243 : vector<16xi32> to vector<16x1xi32>
            %gather3A_245 = vector.shape_cast %broadcast_in_dim3A_244 : vector<16x1xi32> to vector<16xi32>
            %gather3A_246 = tpu.dynamic_gather %select_n3A_223[%gather3A_245] in [0] : vector<16xi32>, vector<16xi32> -> vector<16xi32>
            %lt3A_247 = arith.cmpf olt, %gather3A_236, %select_n3A_222 : vector<16xf32>
            %eq3A_248 = arith.cmpf oeq, %gather3A_236, %select_n3A_222 : vector<16xf32>
            %lt3A_249 = arith.cmpi slt, %gather3A_246, %select_n3A_223 : vector<16xi32>
            %and3A_250 = arith.andi %eq3A_248, %lt3A_249 : vector<16xi1>
            %or3A_251 = arith.ori %lt3A_247, %and3A_250 : vector<16xi1>
            %select_n3A_252 = arith.select %or3A_251, %gather3A_236, %select_n3A_222 : vector<16xi1>, vector<16xf32>
            %select_n3A_253 = arith.select %or3A_251, %gather3A_246, %select_n3A_223 : vector<16xi1>, vector<16xi32>
            %eq3A_254 = vector.broadcast %scan3A_117 : i32 to vector<16xi32>
            %eq3A_255 = arith.cmpi eq, %iota3A, %eq3A_254 : vector<16xi32>
            %select_n3A_256 = arith.select %eq3A_255, %select_n3A_253, %scan3A_122 : vector<16xi1>, vector<16xi32>
            %eq3A_257 = vector.broadcast %scan3A_117 : i32 to vector<16xi32>
            %eq3A_258 = arith.cmpi eq, %iota3A, %eq3A_257 : vector<16xi32>
            %select_n3A_259 = arith.select %eq3A_258, %select_n3A_252, %scan3A_123 : vector<16xi1>, vector<16xf32>
            %slice3A = vector.extract_strided_slice %select_n3A_253 {offsets = [0], sizes = [1], strides = [1]} : vector<16xi32> to vector<1xi32>
            %squeeze3A = vector.extract %slice3A[0] : i32 from vector<1xi32>
            %shift_right_arithmetic3A = arith.constant 4 : i32
            %shift_right_arithmetic3A_260 = arith.shrsi %squeeze3A, %shift_right_arithmetic3A : i32
            %mul3A_261 = arith.constant 16 : i32
            %mul3A_262 = arith.muli %shift_right_arithmetic3A_260, %mul3A_261 : i32
            %add3A_263 = arith.addi %mul3A_81, %mul3A_262 : i32
            %get3A = arith.index_cast %add3A_263 : i32 to index
            %get3A_264 = tpu.vector_load %arg10[%get3A] {strides = array<i32>} : memref<10240xf32, #tpu.memory_space<vmem>>, vector<16xf32>,
            %get3A_265 = vector.shape_cast %get3A_264 : vector<16xf32> to vector<16xf32>
            %and3A_266 = arith.constant 15 : i32
            %and3A_267 = vector.broadcast %and3A_266 : i32 to vector<16xi32>
            %and3A_268 = arith.andi %select_n3A_253, %and3A_267 : vector<16xi32>
            %lt3A_269 = arith.constant 0 : i32
            %lt3A_270 = vector.broadcast %lt3A_269 : i32 to vector<16xi32>
            %lt3A_271 = arith.cmpi slt, %and3A_268, %lt3A_270 : vector<16xi32>
            %add3A_272 = arith.constant 16 : i32
            %add3A_273 = vector.broadcast %add3A_272 : i32 to vector<16xi32>
            %add3A_274 = arith.addi %and3A_268, %add3A_273 : vector<16xi32>
            %select_n3A_275 = arith.select %lt3A_271, %add3A_274, %and3A_268 : vector<16xi1>, vector<16xi32>
            %broadcast_in_dim3A_276 = vector.shape_cast %select_n3A_275 : vector<16xi32> to vector<16x1xi32>
            %gather3A_277 = vector.shape_cast %broadcast_in_dim3A_276 : vector<16x1xi32> to vector<16xi32>
            %gather3A_278 = tpu.dynamic_gather %get3A_265[%gather3A_277] in [0] : vector<16xf32>, vector<16xi32> -> vector<16xf32>
            %eq3A_279 = vector.broadcast %scan3A_117 : i32 to vector<16xi32>
            %eq3A_280 = arith.cmpi eq, %iota3A, %eq3A_279 : vector<16xi32>
            %select_n3A_281 = arith.select %eq3A_280, %gather3A_278, %scan3A_124 : vector<16xi1>, vector<16xf32>
            %slice3A_282 = vector.extract_strided_slice %select_n3A_253 {offsets = [0], sizes = [1], strides = [1]} : vector<16xi32> to vector<1xi32>
            %squeeze3A_283 = vector.extract %slice3A_282[0] : i32 from vector<1xi32>
            %and3A_284 = arith.constant 15 : i32
            %and3A_285 = arith.andi %squeeze3A_283, %and3A_284 : i32
            %shift_right_arithmetic3A_286 = arith.constant 4 : i32
            %shift_right_arithmetic3A_287 = vector.broadcast %shift_right_arithmetic3A_286 : i32 to vector<16xi32>
            %shift_right_arithmetic3A_288 = arith.shrsi %select_n3A_253, %shift_right_arithmetic3A_287 : vector<16xi32>
            %slice3A_289 = vector.extract_strided_slice %select_n3A_253 {offsets = [0], sizes = [1], strides = [1]} : vector<16xi32> to vector<1xi32>
            %squeeze3A_290 = vector.extract %slice3A_289[0] : i32 from vector<1xi32>
            %shift_right_arithmetic3A_291 = arith.constant 4 : i32
            %shift_right_arithmetic3A_292 = arith.shrsi %squeeze3A_290, %shift_right_arithmetic3A_291 : i32
            %and3A_293 = arith.constant 1 : i32
            %and3A_294 = arith.andi %shift_right_arithmetic3A_292, %and3A_293 : i32
            %mul3A_295 = arith.constant 16 : i32
            %mul3A_296 = arith.muli %and3A_294, %mul3A_295 : i32
            %add3A_297 = arith.addi %mul3A_296, %and3A_285 : i32
            %mul3A_298 = arith.constant 80 : i32
            %mul3A_299 = arith.muli %add3A_297, %mul3A_298 : i32
            %add3A_300 = arith.addi %mul3A_81, %mul3A_299 : i32
            %scan3A_301 = arith.constant 0 : i32
            %scan3A_302 = arith.constant 5 : i32
            %scan3A_303 = arith.addi %scan3A_301, %scan3A_302 : i32
            %scan3A_304 = arith.constant 1 : i32
            %scan3A_305:2 = scf.for %scan3A_450 = %scan3A_301 to %scan3A_303 step %scan3A_304 iter_args(%scan3A_451 = %broadcast_in_dim3A_1, %scan3A_452 = %broadcast_in_dim3A_3) -> (vector<16xf32>, vector<16xi32>)  : i32 {
              %mul3A_453 = arith.constant 16 : i32
              %mul3A_454 = arith.muli %scan3A_450, %mul3A_453 : i32
              %add3A_455 = arith.addi %add3A_300, %mul3A_454 : i32
              %get3A_456 = arith.index_cast %add3A_455 : i32 to index
              %get3A_457 = tpu.vector_load %arg9[%get3A_456] {strides = array<i32>} : memref<10240xf32, #tpu.memory_space<vmem>>, vector<16xf32>,
              %get3A_458 = vector.shape_cast %get3A_457 : vector<16xf32> to vector<16xf32>
              %mul3A_459 = arith.constant 16 : i32
              %mul3A_460 = arith.muli %scan3A_450, %mul3A_459 : i32
              %add3A_461 = vector.broadcast %mul3A_460 : i32 to vector<16xi32>
              %add3A_462 = arith.addi %add3A_461, %iota3A : vector<16xi32>
              %mul3A_463 = arith.constant 2 : i32
              %mul3A_464 = vector.broadcast %mul3A_463 : i32 to vector<16xi32>
              %mul3A_465 = arith.muli %add3A_462, %mul3A_464 : vector<16xi32>
              %add3A_466 = vector.broadcast %and3A_294 : i32 to vector<16xi32>
              %add3A_467 = arith.addi %mul3A_465, %add3A_466 : vector<16xi32>
              %gt3A = arith.cmpf ogt, %get3A_458, %select_n3A_252 : vector<16xf32>
              %eq3A_468 = arith.cmpf oeq, %get3A_458, %select_n3A_252 : vector<16xf32>
              %gt3A_469 = arith.cmpi sgt, %add3A_467, %shift_right_arithmetic3A_288 : vector<16xi32>
              %and3A_470 = arith.andi %eq3A_468, %gt3A_469 : vector<16xi1>
              %or3A_471 = arith.ori %gt3A, %and3A_470 : vector<16xi1>
              %jit3A_472 = arith.constant 0x7F800000 : f32
              %broadcast_in_dim3A_473 = vector.broadcast %jit3A_472 : f32 to vector<16xf32>
              %select_n3A_474 = arith.select %or3A_471, %get3A_458, %broadcast_in_dim3A_473 : vector<16xi1>, vector<16xf32>
              %lt3A_475 = arith.cmpf olt, %select_n3A_474, %scan3A_451 : vector<16xf32>
              %eq3A_476 = arith.cmpf oeq, %select_n3A_474, %scan3A_451 : vector<16xf32>
              %lt3A_477 = arith.cmpi slt, %add3A_467, %scan3A_452 : vector<16xi32>
              %and3A_478 = arith.andi %eq3A_476, %lt3A_477 : vector<16xi1>
              %or3A_479 = arith.ori %lt3A_475, %and3A_478 : vector<16xi1>
              %select_n3A_480 = arith.select %or3A_479, %select_n3A_474, %scan3A_451 : vector<16xi1>, vector<16xf32>
              %select_n3A_481 = arith.select %or3A_479, %add3A_467, %scan3A_452 : vector<16xi1>, vector<16xi32>
              scf.yield %select_n3A_480, %select_n3A_481 : vector<16xf32>, vector<16xi32>
            }
            %scan3A_306 = arith.constant 5 : i32
            %xor3A_307 = arith.constant 1 : i32
            %xor3A_308 = vector.broadcast %xor3A_307 : i32 to vector<16xi32>
            %xor3A_309 = arith.xori %iota3A, %xor3A_308 : vector<16xi32>
            %lt3A_310 = arith.constant 0 : i32
            %lt3A_311 = vector.broadcast %lt3A_310 : i32 to vector<16xi32>
            %lt3A_312 = arith.cmpi slt, %xor3A_309, %lt3A_311 : vector<16xi32>
            %add3A_313 = arith.constant 16 : i32
            %add3A_314 = vector.broadcast %add3A_313 : i32 to vector<16xi32>
            %add3A_315 = arith.addi %xor3A_309, %add3A_314 : vector<16xi32>
            %select_n3A_316 = arith.select %lt3A_312, %add3A_315, %xor3A_309 : vector<16xi1>, vector<16xi32>
            %broadcast_in_dim3A_317 = vector.shape_cast %select_n3A_316 : vector<16xi32> to vector<16x1xi32>
            %gather3A_318 = vector.shape_cast %broadcast_in_dim3A_317 : vector<16x1xi32> to vector<16xi32>
            %gather3A_319 = tpu.dynamic_gather %scan3A_305#0[%gather3A_318] in [0] : vector<16xf32>, vector<16xi32> -> vector<16xf32>
            %lt3A_320 = arith.constant 0 : i32
            %lt3A_321 = vector.broadcast %lt3A_320 : i32 to vector<16xi32>
            %lt3A_322 = arith.cmpi slt, %xor3A_309, %lt3A_321 : vector<16xi32>
            %add3A_323 = arith.constant 16 : i32
            %add3A_324 = vector.broadcast %add3A_323 : i32 to vector<16xi32>
            %add3A_325 = arith.addi %xor3A_309, %add3A_324 : vector<16xi32>
            %select_n3A_326 = arith.select %lt3A_322, %add3A_325, %xor3A_309 : vector<16xi1>, vector<16xi32>
            %broadcast_in_dim3A_327 = vector.shape_cast %select_n3A_326 : vector<16xi32> to vector<16x1xi32>
            %gather3A_328 = vector.shape_cast %broadcast_in_dim3A_327 : vector<16x1xi32> to vector<16xi32>
            %gather3A_329 = tpu.dynamic_gather %scan3A_305#1[%gather3A_328] in [0] : vector<16xi32>, vector<16xi32> -> vector<16xi32>
            %lt3A_330 = arith.cmpf olt, %gather3A_319, %scan3A_305#0 : vector<16xf32>
            %eq3A_331 = arith.cmpf oeq, %gather3A_319, %scan3A_305#0 : vector<16xf32>
            %lt3A_332 = arith.cmpi slt, %gather3A_329, %scan3A_305#1 : vector<16xi32>
            %and3A_333 = arith.andi %eq3A_331, %lt3A_332 : vector<16xi1>
            %or3A_334 = arith.ori %lt3A_330, %and3A_333 : vector<16xi1>
            %select_n3A_335 = arith.select %or3A_334, %gather3A_319, %scan3A_305#0 : vector<16xi1>, vector<16xf32>
            %select_n3A_336 = arith.select %or3A_334, %gather3A_329, %scan3A_305#1 : vector<16xi1>, vector<16xi32>
            %xor3A_337 = arith.constant 2 : i32
            %xor3A_338 = vector.broadcast %xor3A_337 : i32 to vector<16xi32>
            %xor3A_339 = arith.xori %iota3A, %xor3A_338 : vector<16xi32>
            %lt3A_340 = arith.constant 0 : i32
            %lt3A_341 = vector.broadcast %lt3A_340 : i32 to vector<16xi32>
            %lt3A_342 = arith.cmpi slt, %xor3A_339, %lt3A_341 : vector<16xi32>
            %add3A_343 = arith.constant 16 : i32
            %add3A_344 = vector.broadcast %add3A_343 : i32 to vector<16xi32>
            %add3A_345 = arith.addi %xor3A_339, %add3A_344 : vector<16xi32>
            %select_n3A_346 = arith.select %lt3A_342, %add3A_345, %xor3A_339 : vector<16xi1>, vector<16xi32>
            %broadcast_in_dim3A_347 = vector.shape_cast %select_n3A_346 : vector<16xi32> to vector<16x1xi32>
            %gather3A_348 = vector.shape_cast %broadcast_in_dim3A_347 : vector<16x1xi32> to vector<16xi32>
            %gather3A_349 = tpu.dynamic_gather %select_n3A_335[%gather3A_348] in [0] : vector<16xf32>, vector<16xi32> -> vector<16xf32>
            %lt3A_350 = arith.constant 0 : i32
            %lt3A_351 = vector.broadcast %lt3A_350 : i32 to vector<16xi32>
            %lt3A_352 = arith.cmpi slt, %xor3A_339, %lt3A_351 : vector<16xi32>
            %add3A_353 = arith.constant 16 : i32
            %add3A_354 = vector.broadcast %add3A_353 : i32 to vector<16xi32>
            %add3A_355 = arith.addi %xor3A_339, %add3A_354 : vector<16xi32>
            %select_n3A_356 = arith.select %lt3A_352, %add3A_355, %xor3A_339 : vector<16xi1>, vector<16xi32>
            %broadcast_in_dim3A_357 = vector.shape_cast %select_n3A_356 : vector<16xi32> to vector<16x1xi32>
            %gather3A_358 = vector.shape_cast %broadcast_in_dim3A_357 : vector<16x1xi32> to vector<16xi32>
            %gather3A_359 = tpu.dynamic_gather %select_n3A_336[%gather3A_358] in [0] : vector<16xi32>, vector<16xi32> -> vector<16xi32>
            %lt3A_360 = arith.cmpf olt, %gather3A_349, %select_n3A_335 : vector<16xf32>
            %eq3A_361 = arith.cmpf oeq, %gather3A_349, %select_n3A_335 : vector<16xf32>
            %lt3A_362 = arith.cmpi slt, %gather3A_359, %select_n3A_336 : vector<16xi32>
            %and3A_363 = arith.andi %eq3A_361, %lt3A_362 : vector<16xi1>
            %or3A_364 = arith.ori %lt3A_360, %and3A_363 : vector<16xi1>
            %select_n3A_365 = arith.select %or3A_364, %gather3A_349, %select_n3A_335 : vector<16xi1>, vector<16xf32>
            %select_n3A_366 = arith.select %or3A_364, %gather3A_359, %select_n3A_336 : vector<16xi1>, vector<16xi32>
            %xor3A_367 = arith.constant 4 : i32
            %xor3A_368 = vector.broadcast %xor3A_367 : i32 to vector<16xi32>
            %xor3A_369 = arith.xori %iota3A, %xor3A_368 : vector<16xi32>
            %lt3A_370 = arith.constant 0 : i32
            %lt3A_371 = vector.broadcast %lt3A_370 : i32 to vector<16xi32>
            %lt3A_372 = arith.cmpi slt, %xor3A_369, %lt3A_371 : vector<16xi32>
            %add3A_373 = arith.constant 16 : i32
            %add3A_374 = vector.broadcast %add3A_373 : i32 to vector<16xi32>
            %add3A_375 = arith.addi %xor3A_369, %add3A_374 : vector<16xi32>
            %select_n3A_376 = arith.select %lt3A_372, %add3A_375, %xor3A_369 : vector<16xi1>, vector<16xi32>
            %broadcast_in_dim3A_377 = vector.shape_cast %select_n3A_376 : vector<16xi32> to vector<16x1xi32>
            %gather3A_378 = vector.shape_cast %broadcast_in_dim3A_377 : vector<16x1xi32> to vector<16xi32>
            %gather3A_379 = tpu.dynamic_gather %select_n3A_365[%gather3A_378] in [0] : vector<16xf32>, vector<16xi32> -> vector<16xf32>
            %lt3A_380 = arith.constant 0 : i32
            %lt3A_381 = vector.broadcast %lt3A_380 : i32 to vector<16xi32>
            %lt3A_382 = arith.cmpi slt, %xor3A_369, %lt3A_381 : vector<16xi32>
            %add3A_383 = arith.constant 16 : i32
            %add3A_384 = vector.broadcast %add3A_383 : i32 to vector<16xi32>
            %add3A_385 = arith.addi %xor3A_369, %add3A_384 : vector<16xi32>
            %select_n3A_386 = arith.select %lt3A_382, %add3A_385, %xor3A_369 : vector<16xi1>, vector<16xi32>
            %broadcast_in_dim3A_387 = vector.shape_cast %select_n3A_386 : vector<16xi32> to vector<16x1xi32>
            %gather3A_388 = vector.shape_cast %broadcast_in_dim3A_387 : vector<16x1xi32> to vector<16xi32>
            %gather3A_389 = tpu.dynamic_gather %select_n3A_366[%gather3A_388] in [0] : vector<16xi32>, vector<16xi32> -> vector<16xi32>
            %lt3A_390 = arith.cmpf olt, %gather3A_379, %select_n3A_365 : vector<16xf32>
            %eq3A_391 = arith.cmpf oeq, %gather3A_379, %select_n3A_365 : vector<16xf32>
            %lt3A_392 = arith.cmpi slt, %gather3A_389, %select_n3A_366 : vector<16xi32>
            %and3A_393 = arith.andi %eq3A_391, %lt3A_392 : vector<16xi1>
            %or3A_394 = arith.ori %lt3A_390, %and3A_393 : vector<16xi1>
            %select_n3A_395 = arith.select %or3A_394, %gather3A_379, %select_n3A_365 : vector<16xi1>, vector<16xf32>
            %select_n3A_396 = arith.select %or3A_394, %gather3A_389, %select_n3A_366 : vector<16xi1>, vector<16xi32>
            %xor3A_397 = arith.constant 8 : i32
            %xor3A_398 = vector.broadcast %xor3A_397 : i32 to vector<16xi32>
            %xor3A_399 = arith.xori %iota3A, %xor3A_398 : vector<16xi32>
            %lt3A_400 = arith.constant 0 : i32
            %lt3A_401 = vector.broadcast %lt3A_400 : i32 to vector<16xi32>
            %lt3A_402 = arith.cmpi slt, %xor3A_399, %lt3A_401 : vector<16xi32>
            %add3A_403 = arith.constant 16 : i32
            %add3A_404 = vector.broadcast %add3A_403 : i32 to vector<16xi32>
            %add3A_405 = arith.addi %xor3A_399, %add3A_404 : vector<16xi32>
            %select_n3A_406 = arith.select %lt3A_402, %add3A_405, %xor3A_399 : vector<16xi1>, vector<16xi32>
            %broadcast_in_dim3A_407 = vector.shape_cast %select_n3A_406 : vector<16xi32> to vector<16x1xi32>
            %gather3A_408 = vector.shape_cast %broadcast_in_dim3A_407 : vector<16x1xi32> to vector<16xi32>
            %gather3A_409 = tpu.dynamic_gather %select_n3A_395[%gather3A_408] in [0] : vector<16xf32>, vector<16xi32> -> vector<16xf32>
            %lt3A_410 = arith.constant 0 : i32
            %lt3A_411 = vector.broadcast %lt3A_410 : i32 to vector<16xi32>
            %lt3A_412 = arith.cmpi slt, %xor3A_399, %lt3A_411 : vector<16xi32>
            %add3A_413 = arith.constant 16 : i32
            %add3A_414 = vector.broadcast %add3A_413 : i32 to vector<16xi32>
            %add3A_415 = arith.addi %xor3A_399, %add3A_414 : vector<16xi32>
            %select_n3A_416 = arith.select %lt3A_412, %add3A_415, %xor3A_399 : vector<16xi1>, vector<16xi32>
            %broadcast_in_dim3A_417 = vector.shape_cast %select_n3A_416 : vector<16xi32> to vector<16x1xi32>
            %gather3A_418 = vector.shape_cast %broadcast_in_dim3A_417 : vector<16x1xi32> to vector<16xi32>
            %gather3A_419 = tpu.dynamic_gather %select_n3A_396[%gather3A_418] in [0] : vector<16xi32>, vector<16xi32> -> vector<16xi32>
            %lt3A_420 = arith.cmpf olt, %gather3A_409, %select_n3A_395 : vector<16xf32>
            %eq3A_421 = arith.cmpf oeq, %gather3A_409, %select_n3A_395 : vector<16xf32>
            %lt3A_422 = arith.cmpi slt, %gather3A_419, %select_n3A_396 : vector<16xi32>
            %and3A_423 = arith.andi %eq3A_421, %lt3A_422 : vector<16xi1>
            %or3A_424 = arith.ori %lt3A_420, %and3A_423 : vector<16xi1>
            %select_n3A_425 = arith.select %or3A_424, %gather3A_409, %select_n3A_395 : vector<16xi1>, vector<16xf32>
            %select_n3A_426 = arith.select %or3A_424, %gather3A_419, %select_n3A_396 : vector<16xi1>, vector<16xi32>
            %eq3A_427 = vector.broadcast %and3A_285 : i32 to vector<16xi32>
            %eq3A_428 = arith.cmpi eq, %iota3A, %eq3A_427 : vector<16xi32>
            %add3A_429 = arith.constant 1 : i32
            %add3A_430 = arith.addi %and3A_294, %add3A_429 : i32
            %jit3A = arith.constant 0 : i32
            %broadcast_in_dim3A_431 = vector.broadcast %add3A_430 : i32 to vector<16xi32>
            %broadcast_in_dim3A_432 = vector.broadcast %jit3A : i32 to vector<16xi32>
            %select_n3A_433 = arith.select %eq3A_428, %broadcast_in_dim3A_431, %broadcast_in_dim3A_432 : vector<16xi1>, vector<16xi32>
            %eq3A_434 = arith.constant 1 : i32
            %eq3A_435 = vector.broadcast %eq3A_434 : i32 to vector<16xi32>
            %eq3A_436 = arith.cmpi eq, %select_n3A_433, %eq3A_435 : vector<16xi32>
            %select_n3A_437 = arith.select %eq3A_436, %select_n3A_425, %scan3A_118 : vector<16xi1>, vector<16xf32>
            %eq3A_438 = arith.constant 1 : i32
            %eq3A_439 = vector.broadcast %eq3A_438 : i32 to vector<16xi32>
            %eq3A_440 = arith.cmpi eq, %select_n3A_433, %eq3A_439 : vector<16xi32>
            %select_n3A_441 = arith.select %eq3A_440, %select_n3A_426, %scan3A_119 : vector<16xi1>, vector<16xi32>
            %eq3A_442 = arith.constant 2 : i32
            %eq3A_443 = vector.broadcast %eq3A_442 : i32 to vector<16xi32>
            %eq3A_444 = arith.cmpi eq, %select_n3A_433, %eq3A_443 : vector<16xi32>
            %select_n3A_445 = arith.select %eq3A_444, %select_n3A_425, %scan3A_120 : vector<16xi1>, vector<16xf32>
            %eq3A_446 = arith.constant 2 : i32
            %eq3A_447 = vector.broadcast %eq3A_446 : i32 to vector<16xi32>
            %eq3A_448 = arith.cmpi eq, %select_n3A_433, %eq3A_447 : vector<16xi32>
            %select_n3A_449 = arith.select %eq3A_448, %select_n3A_426, %scan3A_121 : vector<16xi1>, vector<16xi32>
            scf.yield %select_n3A_437, %select_n3A_441, %select_n3A_445, %select_n3A_449, %select_n3A_256, %select_n3A_259, %select_n3A_281 : vector<16xf32>, vector<16xi32>, vector<16xf32>, vector<16xi32>, vector<16xi32>, vector<16xf32>, vector<16xf32>
          }
          %scan3A_99 = arith.constant 16 : i32
          %mul3A_100 = arith.constant 16 : i32
          %mul3A_101 = arith.muli %scan3A_79, %mul3A_100 : i32
          %swap3A = arith.index_cast %mul3A_101 : i32 to index
          %swap3A_102 = tpu.vector_load %arg14[%swap3A] {strides = array<i32>} : memref<64xi32, #tpu.memory_space<vmem>>, vector<16xi32>,
          %swap3A_103 = vector.shape_cast %swap3A_102 : vector<16xi32> to vector<16xi32>
          %swap3A_104 = vector.shape_cast %scan3A_98#4 : vector<16xi32> to vector<16xi32>
          tpu.vector_store %arg14[%swap3A], %swap3A_104 {strides = array<i32>} : memref<64xi32, #tpu.memory_space<vmem>>, vector<16xi32>,
          %mul3A_105 = arith.constant 16 : i32
          %mul3A_106 = arith.muli %scan3A_79, %mul3A_105 : i32
          %swap3A_107 = arith.index_cast %mul3A_106 : i32 to index
          %swap3A_108 = tpu.vector_load %arg15[%swap3A_107] {strides = array<i32>} : memref<64xf32, #tpu.memory_space<vmem>>, vector<16xf32>,
          %swap3A_109 = vector.shape_cast %swap3A_108 : vector<16xf32> to vector<16xf32>
          %swap3A_110 = vector.shape_cast %scan3A_98#5 : vector<16xf32> to vector<16xf32>
          tpu.vector_store %arg15[%swap3A_107], %swap3A_110 {strides = array<i32>} : memref<64xf32, #tpu.memory_space<vmem>>, vector<16xf32>,
          %mul3A_111 = arith.constant 16 : i32
          %mul3A_112 = arith.muli %scan3A_79, %mul3A_111 : i32
          %swap3A_113 = arith.index_cast %mul3A_112 : i32 to index
          %swap3A_114 = tpu.vector_load %arg16[%swap3A_113] {strides = array<i32>} : memref<64xf32, #tpu.memory_space<vmem>>, vector<16xf32>,
          %swap3A_115 = vector.shape_cast %swap3A_114 : vector<16xf32> to vector<16xf32>
          %swap3A_116 = vector.shape_cast %scan3A_98#6 : vector<16xf32> to vector<16xf32>
          tpu.vector_store %arg16[%swap3A_113], %swap3A_116 {strides = array<i32>} : memref<64xf32, #tpu.memory_space<vmem>>, vector<16xf32>,
        }
        %scan3A_72 = arith.constant 4 : i32
        %mul3A_73 = arith.constant 64 : i32
        %mul3A_74 = arith.muli %add3A_18, %mul3A_73 : i32
        "tpu.region"() ({
          %run_scoped3A = tpu.sem_alloc : memref<!tpu.dma_semaphore, #tpu.memory_space<semaphore_mem>>
          %dma_start3A = tpu.memref_slice %arg5[%mul3A_74] : memref<160000xi32, #tpu.memory_space<hbm>> -> memref<64xi32, #tpu.memory_space<hbm>>
          %dma_start3A_79 = tpu.memref_slice %arg5[%mul3A_74] : memref<160000xi32, #tpu.memory_space<hbm>> -> memref<64xi32, #tpu.memory_space<hbm>>
          tpu.enqueue_dma source(%arg14 : memref<64xi32, #tpu.memory_space<vmem>>) target(%dma_start3A_79 : memref<64xi32, #tpu.memory_space<hbm>>) target_semaphore(%run_scoped3A : memref<!tpu.dma_semaphore, #tpu.memory_space<semaphore_mem>>)
          %dma_wait3A_80 = tpu.memref_slice %arg5[%mul3A_74] : memref<160000xi32, #tpu.memory_space<hbm>> -> memref<64xi32, #tpu.memory_space<hbm>>
          %dma_wait3A_81 = tpu.memref_slice %arg5[%mul3A_74] : memref<160000xi32, #tpu.memory_space<hbm>> -> memref<64xi32, #tpu.memory_space<hbm>>
          tpu.wait_dma2 semaphore(%run_scoped3A : memref<!tpu.dma_semaphore, #tpu.memory_space<semaphore_mem>>) src(%arg14 : memref<64xi32, #tpu.memory_space<vmem>>) dst(%dma_wait3A_81 : memref<64xi32, #tpu.memory_space<hbm>>)
          tpu.yield
        }) : () -> ()
        %mul3A_75 = arith.constant 64 : i32
        %mul3A_76 = arith.muli %add3A_18, %mul3A_75 : i32
        "tpu.region"() ({
          %run_scoped3A = tpu.sem_alloc : memref<!tpu.dma_semaphore, #tpu.memory_space<semaphore_mem>>
          %dma_start3A = tpu.memref_slice %arg6[%mul3A_76] : memref<160000xf32, #tpu.memory_space<hbm>> -> memref<64xf32, #tpu.memory_space<hbm>>
          %dma_start3A_79 = tpu.memref_slice %arg6[%mul3A_76] : memref<160000xf32, #tpu.memory_space<hbm>> -> memref<64xf32, #tpu.memory_space<hbm>>
          tpu.enqueue_dma source(%arg15 : memref<64xf32, #tpu.memory_space<vmem>>) target(%dma_start3A_79 : memref<64xf32, #tpu.memory_space<hbm>>) target_semaphore(%run_scoped3A : memref<!tpu.dma_semaphore, #tpu.memory_space<semaphore_mem>>)
          %dma_wait3A_80 = tpu.memref_slice %arg6[%mul3A_76] : memref<160000xf32, #tpu.memory_space<hbm>> -> memref<64xf32, #tpu.memory_space<hbm>>
          %dma_wait3A_81 = tpu.memref_slice %arg6[%mul3A_76] : memref<160000xf32, #tpu.memory_space<hbm>> -> memref<64xf32, #tpu.memory_space<hbm>>
          tpu.wait_dma2 semaphore(%run_scoped3A : memref<!tpu.dma_semaphore, #tpu.memory_space<semaphore_mem>>) src(%arg15 : memref<64xf32, #tpu.memory_space<vmem>>) dst(%dma_wait3A_81 : memref<64xf32, #tpu.memory_space<hbm>>)
          tpu.yield
        }) : () -> ()
        %mul3A_77 = arith.constant 64 : i32
        %mul3A_78 = arith.muli %add3A_18, %mul3A_77 : i32
        "tpu.region"() ({
          %run_scoped3A = tpu.sem_alloc : memref<!tpu.dma_semaphore, #tpu.memory_space<semaphore_mem>>
          %dma_start3A = tpu.memref_slice %arg7[%mul3A_78] : memref<160000xf32, #tpu.memory_space<hbm>> -> memref<64xf32, #tpu.memory_space<hbm>>
          %dma_start3A_79 = tpu.memref_slice %arg7[%mul3A_78] : memref<160000xf32, #tpu.memory_space<hbm>> -> memref<64xf32, #tpu.memory_space<hbm>>
          tpu.enqueue_dma source(%arg16 : memref<64xf32, #tpu.memory_space<vmem>>) target(%dma_start3A_79 : memref<64xf32, #tpu.memory_space<hbm>>) target_semaphore(%run_scoped3A : memref<!tpu.dma_semaphore, #tpu.memory_space<semaphore_mem>>)
          %dma_wait3A_80 = tpu.memref_slice %arg7[%mul3A_78] : memref<160000xf32, #tpu.memory_space<hbm>> -> memref<64xf32, #tpu.memory_space<hbm>>
          %dma_wait3A_81 = tpu.memref_slice %arg7[%mul3A_78] : memref<160000xf32, #tpu.memory_space<hbm>> -> memref<64xf32, #tpu.memory_space<hbm>>
          tpu.wait_dma2 semaphore(%run_scoped3A : memref<!tpu.dma_semaphore, #tpu.memory_space<semaphore_mem>>) src(%arg16 : memref<64xf32, #tpu.memory_space<vmem>>) dst(%dma_wait3A_81 : memref<64xf32, #tpu.memory_space<hbm>>)
          tpu.yield
        }) : () -> ()
      } else {
      }
      %mul3A_34 = arith.constant 2 : i32
      %mul3A_35 = arith.muli %mul3A_34, %scan3A_11 : i32
      %add3A_36 = arith.constant 1 : i32
      %add3A_37 = arith.addi %mul3A_35, %add3A_36 : i32
      %mul3A_38 = arith.constant 32 : i32
      %mul3A_39 = arith.muli %add3A_37, %mul3A_38 : i32
      %add3A_40 = arith.addi %add3A, %mul3A_39 : i32
      %add3A_41 = arith.constant 1 : i32
      %add3A_42 = arith.addi %add3A_37, %add3A_41 : i32
      %mul3A_43 = arith.constant 32 : i32
      %mul3A_44 = arith.muli %add3A_42, %mul3A_43 : i32
      %add3A_45 = arith.addi %add3A, %mul3A_44 : i32
      %lt3A_46 = arith.constant 2500 : i32
      %lt3A_47 = arith.cmpi slt, %add3A_45, %lt3A_46 : i32
      %convert_element_type3A_48 = arith.extui %lt3A_47 : i1 to i32
      %cond3A_49 = arith.constant 0 : i32
      %cond3A_50 = arith.cmpi ne, %convert_element_type3A_48, %cond3A_49 : i32
      scf.if %cond3A_50 {
        %mul3A_56 = arith.constant 10240 : i32
        %mul3A_57 = arith.muli %add3A_45, %mul3A_56 : i32
        %dma_start3A = tpu.memref_slice %arg2[%mul3A_57] : memref<25600000xf32, #tpu.memory_space<hbm>> -> memref<10240xf32, #tpu.memory_space<hbm>>
        %dma_start3A_58 = tpu.memref_slice %arg2[%mul3A_57] : memref<25600000xf32, #tpu.memory_space<hbm>> -> memref<10240xf32, #tpu.memory_space<hbm>>
        tpu.enqueue_dma source(%dma_start3A_58 : memref<10240xf32, #tpu.memory_space<hbm>>) target(%arg8 : memref<10240xf32, #tpu.memory_space<vmem>>) target_semaphore(%arg17 : memref<!tpu.dma_semaphore, #tpu.memory_space<semaphore_mem>>)
        %mul3A_59 = arith.constant 10240 : i32
        %mul3A_60 = arith.muli %add3A_45, %mul3A_59 : i32
        %dma_start3A_61 = tpu.memref_slice %arg3[%mul3A_60] : memref<25600000xf32, #tpu.memory_space<hbm>> -> memref<10240xf32, #tpu.memory_space<hbm>>
        %dma_start3A_62 = tpu.memref_slice %arg3[%mul3A_60] : memref<25600000xf32, #tpu.memory_space<hbm>> -> memref<10240xf32, #tpu.memory_space<hbm>>
        tpu.enqueue_dma source(%dma_start3A_62 : memref<10240xf32, #tpu.memory_space<hbm>>) target(%arg9 : memref<10240xf32, #tpu.memory_space<vmem>>) target_semaphore(%arg18 : memref<!tpu.dma_semaphore, #tpu.memory_space<semaphore_mem>>)
        %mul3A_63 = arith.constant 10240 : i32
        %mul3A_64 = arith.muli %add3A_45, %mul3A_63 : i32
        %dma_start3A_65 = tpu.memref_slice %arg4[%mul3A_64] : memref<25600000xf32, #tpu.memory_space<hbm>> -> memref<10240xf32, #tpu.memory_space<hbm>>
        %dma_start3A_66 = tpu.memref_slice %arg4[%mul3A_64] : memref<25600000xf32, #tpu.memory_space<hbm>> -> memref<10240xf32, #tpu.memory_space<hbm>>
        tpu.enqueue_dma source(%dma_start3A_66 : memref<10240xf32, #tpu.memory_space<hbm>>) target(%arg10 : memref<10240xf32, #tpu.memory_space<vmem>>) target_semaphore(%arg19 : memref<!tpu.dma_semaphore, #tpu.memory_space<semaphore_mem>>)
      } else {
      }
      %lt3A_51 = arith.constant 2500 : i32
      %lt3A_52 = arith.cmpi slt, %add3A_40, %lt3A_51 : i32
      %convert_element_type3A_53 = arith.extui %lt3A_52 : i1 to i32
      %cond3A_54 = arith.constant 0 : i32
      %cond3A_55 = arith.cmpi ne, %convert_element_type3A_53, %cond3A_54 : i32
      scf.if %cond3A_55 {
        %mul3A_56 = arith.constant 10240 : i32
        %mul3A_57 = arith.muli %add3A_40, %mul3A_56 : i32
        %dma_wait3A = tpu.memref_slice %arg2[%mul3A_57] : memref<25600000xf32, #tpu.memory_space<hbm>> -> memref<10240xf32, #tpu.memory_space<hbm>>
        %dma_wait3A_58 = tpu.memref_slice %arg2[%mul3A_57] : memref<25600000xf32, #tpu.memory_space<hbm>> -> memref<10240xf32, #tpu.memory_space<hbm>>
        tpu.wait_dma2 semaphore(%arg20 : memref<!tpu.dma_semaphore, #tpu.memory_space<semaphore_mem>>) src(%dma_wait3A_58 : memref<10240xf32, #tpu.memory_space<hbm>>) dst(%arg11 : memref<10240xf32, #tpu.memory_space<vmem>>)
        %mul3A_59 = arith.constant 10240 : i32
        %mul3A_60 = arith.muli %add3A_40, %mul3A_59 : i32
        %dma_wait3A_61 = tpu.memref_slice %arg3[%mul3A_60] : memref<25600000xf32, #tpu.memory_space<hbm>> -> memref<10240xf32, #tpu.memory_space<hbm>>
        %dma_wait3A_62 = tpu.memref_slice %arg3[%mul3A_60] : memref<25600000xf32, #tpu.memory_space<hbm>> -> memref<10240xf32, #tpu.memory_space<hbm>>
        tpu.wait_dma2 semaphore(%arg21 : memref<!tpu.dma_semaphore, #tpu.memory_space<semaphore_mem>>) src(%dma_wait3A_62 : memref<10240xf32, #tpu.memory_space<hbm>>) dst(%arg12 : memref<10240xf32, #tpu.memory_space<vmem>>)
        %mul3A_63 = arith.constant 10240 : i32
        %mul3A_64 = arith.muli %add3A_40, %mul3A_63 : i32
        %dma_wait3A_65 = tpu.memref_slice %arg4[%mul3A_64] : memref<25600000xf32, #tpu.memory_space<hbm>> -> memref<10240xf32, #tpu.memory_space<hbm>>
        %dma_wait3A_66 = tpu.memref_slice %arg4[%mul3A_64] : memref<25600000xf32, #tpu.memory_space<hbm>> -> memref<10240xf32, #tpu.memory_space<hbm>>
        tpu.wait_dma2 semaphore(%arg22 : memref<!tpu.dma_semaphore, #tpu.memory_space<semaphore_mem>>) src(%dma_wait3A_66 : memref<10240xf32, #tpu.memory_space<hbm>>) dst(%arg13 : memref<10240xf32, #tpu.memory_space<vmem>>)
        %scan3A_67 = arith.constant 0 : i32
        %scan3A_68 = arith.constant 0 : i32
        %scan3A_69 = arith.constant 4 : i32
        %scan3A_70 = arith.addi %scan3A_68, %scan3A_69 : i32
        %scan3A_71 = arith.constant 1 : i32
        scf.for %scan3A_79 = %scan3A_68 to %scan3A_70 step %scan3A_71  : i32 {
          %mul3A_80 = arith.constant 2560 : i32
          %mul3A_81 = arith.muli %scan3A_79, %mul3A_80 : i32
          %scan3A_82 = arith.constant 0 : i32
          %scan3A_83 = arith.constant 40 : i32
          %scan3A_84 = arith.addi %scan3A_82, %scan3A_83 : i32
          %scan3A_85 = arith.constant 1 : i32
          %scan3A_86:4 = scf.for %scan3A_117 = %scan3A_82 to %scan3A_84 step %scan3A_85 iter_args(%scan3A_118 = %broadcast_in_dim3A_1, %scan3A_119 = %broadcast_in_dim3A_3, %scan3A_120 = %broadcast_in_dim3A_1, %scan3A_121 = %broadcast_in_dim3A_3) -> (vector<16xf32>, vector<16xi32>, vector<16xf32>, vector<16xi32>)  : i32 {
            %mul3A_122 = arith.constant 4 : i32
            %mul3A_123 = arith.muli %mul3A_122, %scan3A_117 : i32
            %add3A_124 = arith.constant 0 : i32
            %add3A_125 = arith.addi %mul3A_123, %add3A_124 : i32
            %mul3A_126 = arith.constant 16 : i32
            %mul3A_127 = arith.muli %add3A_125, %mul3A_126 : i32
            %add3A_128 = arith.addi %mul3A_81, %mul3A_127 : i32
            %get3A = arith.index_cast %add3A_128 : i32 to index
            %get3A_129 = tpu.vector_load %arg11[%get3A] {strides = array<i32>} : memref<10240xf32, #tpu.memory_space<vmem>>, vector<16xf32>,
            %get3A_130 = vector.shape_cast %get3A_129 : vector<16xf32> to vector<16xf32>
            %lt3A_131 = arith.cmpf olt, %get3A_130, %scan3A_118 : vector<16xf32>
            %select_n3A = arith.select %lt3A_131, %get3A_130, %scan3A_118 : vector<16xi1>, vector<16xf32>
            %add3A_132 = arith.constant 0 : i32
            %add3A_133 = arith.addi %mul3A_123, %add3A_132 : i32
            %broadcast_in_dim3A_134 = vector.broadcast %add3A_133 : i32 to vector<16xi32>
            %select_n3A_135 = arith.select %lt3A_131, %broadcast_in_dim3A_134, %scan3A_119 : vector<16xi1>, vector<16xi32>
            %add3A_136 = arith.constant 0 : i32
            %add3A_137 = arith.addi %mul3A_123, %add3A_136 : i32
            %add3A_138 = arith.constant 1 : i32
            %add3A_139 = arith.addi %add3A_137, %add3A_138 : i32
            %mul3A_140 = arith.constant 16 : i32
            %mul3A_141 = arith.muli %add3A_139, %mul3A_140 : i32
            %add3A_142 = arith.addi %mul3A_81, %mul3A_141 : i32
            %get3A_143 = arith.index_cast %add3A_142 : i32 to index
            %get3A_144 = tpu.vector_load %arg11[%get3A_143] {strides = array<i32>} : memref<10240xf32, #tpu.memory_space<vmem>>, vector<16xf32>,
            %get3A_145 = vector.shape_cast %get3A_144 : vector<16xf32> to vector<16xf32>
            %lt3A_146 = arith.cmpf olt, %get3A_145, %scan3A_120 : vector<16xf32>
            %select_n3A_147 = arith.select %lt3A_146, %get3A_145, %scan3A_120 : vector<16xi1>, vector<16xf32>
            %add3A_148 = arith.constant 0 : i32
            %add3A_149 = arith.addi %mul3A_123, %add3A_148 : i32
            %add3A_150 = arith.constant 1 : i32
            %add3A_151 = arith.addi %add3A_149, %add3A_150 : i32
            %broadcast_in_dim3A_152 = vector.broadcast %add3A_151 : i32 to vector<16xi32>
            %select_n3A_153 = arith.select %lt3A_146, %broadcast_in_dim3A_152, %scan3A_121 : vector<16xi1>, vector<16xi32>
            %add3A_154 = arith.constant 2 : i32
            %add3A_155 = arith.addi %mul3A_123, %add3A_154 : i32
            %mul3A_156 = arith.constant 16 : i32
            %mul3A_157 = arith.muli %add3A_155, %mul3A_156 : i32
            %add3A_158 = arith.addi %mul3A_81, %mul3A_157 : i32
            %get3A_159 = arith.index_cast %add3A_158 : i32 to index
            %get3A_160 = tpu.vector_load %arg11[%get3A_159] {strides = array<i32>} : memref<10240xf32, #tpu.memory_space<vmem>>, vector<16xf32>,
            %get3A_161 = vector.shape_cast %get3A_160 : vector<16xf32> to vector<16xf32>
            %lt3A_162 = arith.cmpf olt, %get3A_161, %select_n3A : vector<16xf32>
            %select_n3A_163 = arith.select %lt3A_162, %get3A_161, %select_n3A : vector<16xi1>, vector<16xf32>
            %add3A_164 = arith.constant 2 : i32
            %add3A_165 = arith.addi %mul3A_123, %add3A_164 : i32
            %broadcast_in_dim3A_166 = vector.broadcast %add3A_165 : i32 to vector<16xi32>
            %select_n3A_167 = arith.select %lt3A_162, %broadcast_in_dim3A_166, %select_n3A_135 : vector<16xi1>, vector<16xi32>
            %add3A_168 = arith.constant 2 : i32
            %add3A_169 = arith.addi %mul3A_123, %add3A_168 : i32
            %add3A_170 = arith.constant 1 : i32
            %add3A_171 = arith.addi %add3A_169, %add3A_170 : i32
            %mul3A_172 = arith.constant 16 : i32
            %mul3A_173 = arith.muli %add3A_171, %mul3A_172 : i32
            %add3A_174 = arith.addi %mul3A_81, %mul3A_173 : i32
            %get3A_175 = arith.index_cast %add3A_174 : i32 to index
            %get3A_176 = tpu.vector_load %arg11[%get3A_175] {strides = array<i32>} : memref<10240xf32, #tpu.memory_space<vmem>>, vector<16xf32>,
            %get3A_177 = vector.shape_cast %get3A_176 : vector<16xf32> to vector<16xf32>
            %lt3A_178 = arith.cmpf olt, %get3A_177, %select_n3A_147 : vector<16xf32>
            %select_n3A_179 = arith.select %lt3A_178, %get3A_177, %select_n3A_147 : vector<16xi1>, vector<16xf32>
            %add3A_180 = arith.constant 2 : i32
            %add3A_181 = arith.addi %mul3A_123, %add3A_180 : i32
            %add3A_182 = arith.constant 1 : i32
            %add3A_183 = arith.addi %add3A_181, %add3A_182 : i32
            %broadcast_in_dim3A_184 = vector.broadcast %add3A_183 : i32 to vector<16xi32>
            %select_n3A_185 = arith.select %lt3A_178, %broadcast_in_dim3A_184, %select_n3A_153 : vector<16xi1>, vector<16xi32>
            scf.yield %select_n3A_163, %select_n3A_167, %select_n3A_179, %select_n3A_185 : vector<16xf32>, vector<16xi32>, vector<16xf32>, vector<16xi32>
          }
          %scan3A_87 = arith.constant 40 : i32
          %broadcast_in_dim3A_88 = arith.constant 0 : i32
          %broadcast_in_dim3A_89 = vector.broadcast %broadcast_in_dim3A_88 : i32 to vector<16xi32>
          %broadcast_in_dim3A_90 = arith.constant 0.000000e+00 : f32
          %broadcast_in_dim3A_91 = vector.broadcast %broadcast_in_dim3A_90 : f32 to vector<16xf32>
          %broadcast_in_dim3A_92 = arith.constant 0.000000e+00 : f32
          %broadcast_in_dim3A_93 = vector.broadcast %broadcast_in_dim3A_92 : f32 to vector<16xf32>
          %scan3A_94 = arith.constant 0 : i32
          %scan3A_95 = arith.constant 16 : i32
          %scan3A_96 = arith.addi %scan3A_94, %scan3A_95 : i32
          %scan3A_97 = arith.constant 1 : i32
          %scan3A_98:7 = scf.for %scan3A_117 = %scan3A_94 to %scan3A_96 step %scan3A_97 iter_args(%scan3A_118 = %scan3A_86#0, %scan3A_119 = %scan3A_86#1, %scan3A_120 = %scan3A_86#2, %scan3A_121 = %scan3A_86#3, %scan3A_122 = %broadcast_in_dim3A_89, %scan3A_123 = %broadcast_in_dim3A_91, %scan3A_124 = %broadcast_in_dim3A_93) -> (vector<16xf32>, vector<16xi32>, vector<16xf32>, vector<16xi32>, vector<16xi32>, vector<16xf32>, vector<16xf32>)  : i32 {
            %mul3A_125 = arith.constant 16 : i32
            %mul3A_126 = vector.broadcast %mul3A_125 : i32 to vector<16xi32>
            %mul3A_127 = arith.muli %scan3A_119, %mul3A_126 : vector<16xi32>
            %add3A_128 = arith.addi %mul3A_127, %iota3A : vector<16xi32>
            %mul3A_129 = arith.constant 16 : i32
            %mul3A_130 = vector.broadcast %mul3A_129 : i32 to vector<16xi32>
            %mul3A_131 = arith.muli %scan3A_121, %mul3A_130 : vector<16xi32>
            %add3A_132 = arith.addi %mul3A_131, %iota3A : vector<16xi32>
            %lt3A_133 = arith.cmpf olt, %scan3A_120, %scan3A_118 : vector<16xf32>
            %eq3A = arith.cmpf oeq, %scan3A_120, %scan3A_118 : vector<16xf32>
            %lt3A_134 = arith.cmpi slt, %add3A_132, %add3A_128 : vector<16xi32>
            %and3A = arith.andi %eq3A, %lt3A_134 : vector<16xi1>
            %or3A = arith.ori %lt3A_133, %and3A : vector<16xi1>
            %select_n3A = arith.select %or3A, %scan3A_120, %scan3A_118 : vector<16xi1>, vector<16xf32>
            %select_n3A_135 = arith.select %or3A, %add3A_132, %add3A_128 : vector<16xi1>, vector<16xi32>
            %xor3A = arith.constant 1 : i32
            %xor3A_136 = vector.broadcast %xor3A : i32 to vector<16xi32>
            %xor3A_137 = arith.xori %iota3A, %xor3A_136 : vector<16xi32>
            %lt3A_138 = arith.constant 0 : i32
            %lt3A_139 = vector.broadcast %lt3A_138 : i32 to vector<16xi32>
            %lt3A_140 = arith.cmpi slt, %xor3A_137, %lt3A_139 : vector<16xi32>
            %add3A_141 = arith.constant 16 : i32
            %add3A_142 = vector.broadcast %add3A_141 : i32 to vector<16xi32>
            %add3A_143 = arith.addi %xor3A_137, %add3A_142 : vector<16xi32>
            %select_n3A_144 = arith.select %lt3A_140, %add3A_143, %xor3A_137 : vector<16xi1>, vector<16xi32>
            %broadcast_in_dim3A_145 = vector.shape_cast %select_n3A_144 : vector<16xi32> to vector<16x1xi32>
            %gather3A = vector.shape_cast %broadcast_in_dim3A_145 : vector<16x1xi32> to vector<16xi32>
            %gather3A_146 = tpu.dynamic_gather %select_n3A[%gather3A] in [0] : vector<16xf32>, vector<16xi32> -> vector<16xf32>
            %lt3A_147 = arith.constant 0 : i32
            %lt3A_148 = vector.broadcast %lt3A_147 : i32 to vector<16xi32>
            %lt3A_149 = arith.cmpi slt, %xor3A_137, %lt3A_148 : vector<16xi32>
            %add3A_150 = arith.constant 16 : i32
            %add3A_151 = vector.broadcast %add3A_150 : i32 to vector<16xi32>
            %add3A_152 = arith.addi %xor3A_137, %add3A_151 : vector<16xi32>
            %select_n3A_153 = arith.select %lt3A_149, %add3A_152, %xor3A_137 : vector<16xi1>, vector<16xi32>
            %broadcast_in_dim3A_154 = vector.shape_cast %select_n3A_153 : vector<16xi32> to vector<16x1xi32>
            %gather3A_155 = vector.shape_cast %broadcast_in_dim3A_154 : vector<16x1xi32> to vector<16xi32>
            %gather3A_156 = tpu.dynamic_gather %select_n3A_135[%gather3A_155] in [0] : vector<16xi32>, vector<16xi32> -> vector<16xi32>
            %lt3A_157 = arith.cmpf olt, %gather3A_146, %select_n3A : vector<16xf32>
            %eq3A_158 = arith.cmpf oeq, %gather3A_146, %select_n3A : vector<16xf32>
            %lt3A_159 = arith.cmpi slt, %gather3A_156, %select_n3A_135 : vector<16xi32>
            %and3A_160 = arith.andi %eq3A_158, %lt3A_159 : vector<16xi1>
            %or3A_161 = arith.ori %lt3A_157, %and3A_160 : vector<16xi1>
            %select_n3A_162 = arith.select %or3A_161, %gather3A_146, %select_n3A : vector<16xi1>, vector<16xf32>
            %select_n3A_163 = arith.select %or3A_161, %gather3A_156, %select_n3A_135 : vector<16xi1>, vector<16xi32>
            %xor3A_164 = arith.constant 2 : i32
            %xor3A_165 = vector.broadcast %xor3A_164 : i32 to vector<16xi32>
            %xor3A_166 = arith.xori %iota3A, %xor3A_165 : vector<16xi32>
            %lt3A_167 = arith.constant 0 : i32
            %lt3A_168 = vector.broadcast %lt3A_167 : i32 to vector<16xi32>
            %lt3A_169 = arith.cmpi slt, %xor3A_166, %lt3A_168 : vector<16xi32>
            %add3A_170 = arith.constant 16 : i32
            %add3A_171 = vector.broadcast %add3A_170 : i32 to vector<16xi32>
            %add3A_172 = arith.addi %xor3A_166, %add3A_171 : vector<16xi32>
            %select_n3A_173 = arith.select %lt3A_169, %add3A_172, %xor3A_166 : vector<16xi1>, vector<16xi32>
            %broadcast_in_dim3A_174 = vector.shape_cast %select_n3A_173 : vector<16xi32> to vector<16x1xi32>
            %gather3A_175 = vector.shape_cast %broadcast_in_dim3A_174 : vector<16x1xi32> to vector<16xi32>
            %gather3A_176 = tpu.dynamic_gather %select_n3A_162[%gather3A_175] in [0] : vector<16xf32>, vector<16xi32> -> vector<16xf32>
            %lt3A_177 = arith.constant 0 : i32
            %lt3A_178 = vector.broadcast %lt3A_177 : i32 to vector<16xi32>
            %lt3A_179 = arith.cmpi slt, %xor3A_166, %lt3A_178 : vector<16xi32>
            %add3A_180 = arith.constant 16 : i32
            %add3A_181 = vector.broadcast %add3A_180 : i32 to vector<16xi32>
            %add3A_182 = arith.addi %xor3A_166, %add3A_181 : vector<16xi32>
            %select_n3A_183 = arith.select %lt3A_179, %add3A_182, %xor3A_166 : vector<16xi1>, vector<16xi32>
            %broadcast_in_dim3A_184 = vector.shape_cast %select_n3A_183 : vector<16xi32> to vector<16x1xi32>
            %gather3A_185 = vector.shape_cast %broadcast_in_dim3A_184 : vector<16x1xi32> to vector<16xi32>
            %gather3A_186 = tpu.dynamic_gather %select_n3A_163[%gather3A_185] in [0] : vector<16xi32>, vector<16xi32> -> vector<16xi32>
            %lt3A_187 = arith.cmpf olt, %gather3A_176, %select_n3A_162 : vector<16xf32>
            %eq3A_188 = arith.cmpf oeq, %gather3A_176, %select_n3A_162 : vector<16xf32>
            %lt3A_189 = arith.cmpi slt, %gather3A_186, %select_n3A_163 : vector<16xi32>
            %and3A_190 = arith.andi %eq3A_188, %lt3A_189 : vector<16xi1>
            %or3A_191 = arith.ori %lt3A_187, %and3A_190 : vector<16xi1>
            %select_n3A_192 = arith.select %or3A_191, %gather3A_176, %select_n3A_162 : vector<16xi1>, vector<16xf32>
            %select_n3A_193 = arith.select %or3A_191, %gather3A_186, %select_n3A_163 : vector<16xi1>, vector<16xi32>
            %xor3A_194 = arith.constant 4 : i32
            %xor3A_195 = vector.broadcast %xor3A_194 : i32 to vector<16xi32>
            %xor3A_196 = arith.xori %iota3A, %xor3A_195 : vector<16xi32>
            %lt3A_197 = arith.constant 0 : i32
            %lt3A_198 = vector.broadcast %lt3A_197 : i32 to vector<16xi32>
            %lt3A_199 = arith.cmpi slt, %xor3A_196, %lt3A_198 : vector<16xi32>
            %add3A_200 = arith.constant 16 : i32
            %add3A_201 = vector.broadcast %add3A_200 : i32 to vector<16xi32>
            %add3A_202 = arith.addi %xor3A_196, %add3A_201 : vector<16xi32>
            %select_n3A_203 = arith.select %lt3A_199, %add3A_202, %xor3A_196 : vector<16xi1>, vector<16xi32>
            %broadcast_in_dim3A_204 = vector.shape_cast %select_n3A_203 : vector<16xi32> to vector<16x1xi32>
            %gather3A_205 = vector.shape_cast %broadcast_in_dim3A_204 : vector<16x1xi32> to vector<16xi32>
            %gather3A_206 = tpu.dynamic_gather %select_n3A_192[%gather3A_205] in [0] : vector<16xf32>, vector<16xi32> -> vector<16xf32>
            %lt3A_207 = arith.constant 0 : i32
            %lt3A_208 = vector.broadcast %lt3A_207 : i32 to vector<16xi32>
            %lt3A_209 = arith.cmpi slt, %xor3A_196, %lt3A_208 : vector<16xi32>
            %add3A_210 = arith.constant 16 : i32
            %add3A_211 = vector.broadcast %add3A_210 : i32 to vector<16xi32>
            %add3A_212 = arith.addi %xor3A_196, %add3A_211 : vector<16xi32>
            %select_n3A_213 = arith.select %lt3A_209, %add3A_212, %xor3A_196 : vector<16xi1>, vector<16xi32>
            %broadcast_in_dim3A_214 = vector.shape_cast %select_n3A_213 : vector<16xi32> to vector<16x1xi32>
            %gather3A_215 = vector.shape_cast %broadcast_in_dim3A_214 : vector<16x1xi32> to vector<16xi32>
            %gather3A_216 = tpu.dynamic_gather %select_n3A_193[%gather3A_215] in [0] : vector<16xi32>, vector<16xi32> -> vector<16xi32>
            %lt3A_217 = arith.cmpf olt, %gather3A_206, %select_n3A_192 : vector<16xf32>
            %eq3A_218 = arith.cmpf oeq, %gather3A_206, %select_n3A_192 : vector<16xf32>
            %lt3A_219 = arith.cmpi slt, %gather3A_216, %select_n3A_193 : vector<16xi32>
            %and3A_220 = arith.andi %eq3A_218, %lt3A_219 : vector<16xi1>
            %or3A_221 = arith.ori %lt3A_217, %and3A_220 : vector<16xi1>
            %select_n3A_222 = arith.select %or3A_221, %gather3A_206, %select_n3A_192 : vector<16xi1>, vector<16xf32>
            %select_n3A_223 = arith.select %or3A_221, %gather3A_216, %select_n3A_193 : vector<16xi1>, vector<16xi32>
            %xor3A_224 = arith.constant 8 : i32
            %xor3A_225 = vector.broadcast %xor3A_224 : i32 to vector<16xi32>
            %xor3A_226 = arith.xori %iota3A, %xor3A_225 : vector<16xi32>
            %lt3A_227 = arith.constant 0 : i32
            %lt3A_228 = vector.broadcast %lt3A_227 : i32 to vector<16xi32>
            %lt3A_229 = arith.cmpi slt, %xor3A_226, %lt3A_228 : vector<16xi32>
            %add3A_230 = arith.constant 16 : i32
            %add3A_231 = vector.broadcast %add3A_230 : i32 to vector<16xi32>
            %add3A_232 = arith.addi %xor3A_226, %add3A_231 : vector<16xi32>
            %select_n3A_233 = arith.select %lt3A_229, %add3A_232, %xor3A_226 : vector<16xi1>, vector<16xi32>
            %broadcast_in_dim3A_234 = vector.shape_cast %select_n3A_233 : vector<16xi32> to vector<16x1xi32>
            %gather3A_235 = vector.shape_cast %broadcast_in_dim3A_234 : vector<16x1xi32> to vector<16xi32>
            %gather3A_236 = tpu.dynamic_gather %select_n3A_222[%gather3A_235] in [0] : vector<16xf32>, vector<16xi32> -> vector<16xf32>
            %lt3A_237 = arith.constant 0 : i32
            %lt3A_238 = vector.broadcast %lt3A_237 : i32 to vector<16xi32>
            %lt3A_239 = arith.cmpi slt, %xor3A_226, %lt3A_238 : vector<16xi32>
            %add3A_240 = arith.constant 16 : i32
            %add3A_241 = vector.broadcast %add3A_240 : i32 to vector<16xi32>
            %add3A_242 = arith.addi %xor3A_226, %add3A_241 : vector<16xi32>
            %select_n3A_243 = arith.select %lt3A_239, %add3A_242, %xor3A_226 : vector<16xi1>, vector<16xi32>
            %broadcast_in_dim3A_244 = vector.shape_cast %select_n3A_243 : vector<16xi32> to vector<16x1xi32>
            %gather3A_245 = vector.shape_cast %broadcast_in_dim3A_244 : vector<16x1xi32> to vector<16xi32>
            %gather3A_246 = tpu.dynamic_gather %select_n3A_223[%gather3A_245] in [0] : vector<16xi32>, vector<16xi32> -> vector<16xi32>
            %lt3A_247 = arith.cmpf olt, %gather3A_236, %select_n3A_222 : vector<16xf32>
            %eq3A_248 = arith.cmpf oeq, %gather3A_236, %select_n3A_222 : vector<16xf32>
            %lt3A_249 = arith.cmpi slt, %gather3A_246, %select_n3A_223 : vector<16xi32>
            %and3A_250 = arith.andi %eq3A_248, %lt3A_249 : vector<16xi1>
            %or3A_251 = arith.ori %lt3A_247, %and3A_250 : vector<16xi1>
            %select_n3A_252 = arith.select %or3A_251, %gather3A_236, %select_n3A_222 : vector<16xi1>, vector<16xf32>
            %select_n3A_253 = arith.select %or3A_251, %gather3A_246, %select_n3A_223 : vector<16xi1>, vector<16xi32>
            %eq3A_254 = vector.broadcast %scan3A_117 : i32 to vector<16xi32>
            %eq3A_255 = arith.cmpi eq, %iota3A, %eq3A_254 : vector<16xi32>
            %select_n3A_256 = arith.select %eq3A_255, %select_n3A_253, %scan3A_122 : vector<16xi1>, vector<16xi32>
            %eq3A_257 = vector.broadcast %scan3A_117 : i32 to vector<16xi32>
            %eq3A_258 = arith.cmpi eq, %iota3A, %eq3A_257 : vector<16xi32>
            %select_n3A_259 = arith.select %eq3A_258, %select_n3A_252, %scan3A_123 : vector<16xi1>, vector<16xf32>
            %slice3A = vector.extract_strided_slice %select_n3A_253 {offsets = [0], sizes = [1], strides = [1]} : vector<16xi32> to vector<1xi32>
            %squeeze3A = vector.extract %slice3A[0] : i32 from vector<1xi32>
            %shift_right_arithmetic3A = arith.constant 4 : i32
            %shift_right_arithmetic3A_260 = arith.shrsi %squeeze3A, %shift_right_arithmetic3A : i32
            %mul3A_261 = arith.constant 16 : i32
            %mul3A_262 = arith.muli %shift_right_arithmetic3A_260, %mul3A_261 : i32
            %add3A_263 = arith.addi %mul3A_81, %mul3A_262 : i32
            %get3A = arith.index_cast %add3A_263 : i32 to index
            %get3A_264 = tpu.vector_load %arg13[%get3A] {strides = array<i32>} : memref<10240xf32, #tpu.memory_space<vmem>>, vector<16xf32>,
            %get3A_265 = vector.shape_cast %get3A_264 : vector<16xf32> to vector<16xf32>
            %and3A_266 = arith.constant 15 : i32
            %and3A_267 = vector.broadcast %and3A_266 : i32 to vector<16xi32>
            %and3A_268 = arith.andi %select_n3A_253, %and3A_267 : vector<16xi32>
            %lt3A_269 = arith.constant 0 : i32
            %lt3A_270 = vector.broadcast %lt3A_269 : i32 to vector<16xi32>
            %lt3A_271 = arith.cmpi slt, %and3A_268, %lt3A_270 : vector<16xi32>
            %add3A_272 = arith.constant 16 : i32
            %add3A_273 = vector.broadcast %add3A_272 : i32 to vector<16xi32>
            %add3A_274 = arith.addi %and3A_268, %add3A_273 : vector<16xi32>
            %select_n3A_275 = arith.select %lt3A_271, %add3A_274, %and3A_268 : vector<16xi1>, vector<16xi32>
            %broadcast_in_dim3A_276 = vector.shape_cast %select_n3A_275 : vector<16xi32> to vector<16x1xi32>
            %gather3A_277 = vector.shape_cast %broadcast_in_dim3A_276 : vector<16x1xi32> to vector<16xi32>
            %gather3A_278 = tpu.dynamic_gather %get3A_265[%gather3A_277] in [0] : vector<16xf32>, vector<16xi32> -> vector<16xf32>
            %eq3A_279 = vector.broadcast %scan3A_117 : i32 to vector<16xi32>
            %eq3A_280 = arith.cmpi eq, %iota3A, %eq3A_279 : vector<16xi32>
            %select_n3A_281 = arith.select %eq3A_280, %gather3A_278, %scan3A_124 : vector<16xi1>, vector<16xf32>
            %slice3A_282 = vector.extract_strided_slice %select_n3A_253 {offsets = [0], sizes = [1], strides = [1]} : vector<16xi32> to vector<1xi32>
            %squeeze3A_283 = vector.extract %slice3A_282[0] : i32 from vector<1xi32>
            %and3A_284 = arith.constant 15 : i32
            %and3A_285 = arith.andi %squeeze3A_283, %and3A_284 : i32
            %shift_right_arithmetic3A_286 = arith.constant 4 : i32
            %shift_right_arithmetic3A_287 = vector.broadcast %shift_right_arithmetic3A_286 : i32 to vector<16xi32>
            %shift_right_arithmetic3A_288 = arith.shrsi %select_n3A_253, %shift_right_arithmetic3A_287 : vector<16xi32>
            %slice3A_289 = vector.extract_strided_slice %select_n3A_253 {offsets = [0], sizes = [1], strides = [1]} : vector<16xi32> to vector<1xi32>
            %squeeze3A_290 = vector.extract %slice3A_289[0] : i32 from vector<1xi32>
            %shift_right_arithmetic3A_291 = arith.constant 4 : i32
            %shift_right_arithmetic3A_292 = arith.shrsi %squeeze3A_290, %shift_right_arithmetic3A_291 : i32
            %and3A_293 = arith.constant 1 : i32
            %and3A_294 = arith.andi %shift_right_arithmetic3A_292, %and3A_293 : i32
            %mul3A_295 = arith.constant 16 : i32
            %mul3A_296 = arith.muli %and3A_294, %mul3A_295 : i32
            %add3A_297 = arith.addi %mul3A_296, %and3A_285 : i32
            %mul3A_298 = arith.constant 80 : i32
            %mul3A_299 = arith.muli %add3A_297, %mul3A_298 : i32
            %add3A_300 = arith.addi %mul3A_81, %mul3A_299 : i32
            %scan3A_301 = arith.constant 0 : i32
            %scan3A_302 = arith.constant 5 : i32
            %scan3A_303 = arith.addi %scan3A_301, %scan3A_302 : i32
            %scan3A_304 = arith.constant 1 : i32
            %scan3A_305:2 = scf.for %scan3A_450 = %scan3A_301 to %scan3A_303 step %scan3A_304 iter_args(%scan3A_451 = %broadcast_in_dim3A_1, %scan3A_452 = %broadcast_in_dim3A_3) -> (vector<16xf32>, vector<16xi32>)  : i32 {
              %mul3A_453 = arith.constant 16 : i32
              %mul3A_454 = arith.muli %scan3A_450, %mul3A_453 : i32
              %add3A_455 = arith.addi %add3A_300, %mul3A_454 : i32
              %get3A_456 = arith.index_cast %add3A_455 : i32 to index
              %get3A_457 = tpu.vector_load %arg12[%get3A_456] {strides = array<i32>} : memref<10240xf32, #tpu.memory_space<vmem>>, vector<16xf32>,
              %get3A_458 = vector.shape_cast %get3A_457 : vector<16xf32> to vector<16xf32>
              %mul3A_459 = arith.constant 16 : i32
              %mul3A_460 = arith.muli %scan3A_450, %mul3A_459 : i32
              %add3A_461 = vector.broadcast %mul3A_460 : i32 to vector<16xi32>
              %add3A_462 = arith.addi %add3A_461, %iota3A : vector<16xi32>
              %mul3A_463 = arith.constant 2 : i32
              %mul3A_464 = vector.broadcast %mul3A_463 : i32 to vector<16xi32>
              %mul3A_465 = arith.muli %add3A_462, %mul3A_464 : vector<16xi32>
              %add3A_466 = vector.broadcast %and3A_294 : i32 to vector<16xi32>
              %add3A_467 = arith.addi %mul3A_465, %add3A_466 : vector<16xi32>
              %gt3A = arith.cmpf ogt, %get3A_458, %select_n3A_252 : vector<16xf32>
              %eq3A_468 = arith.cmpf oeq, %get3A_458, %select_n3A_252 : vector<16xf32>
              %gt3A_469 = arith.cmpi sgt, %add3A_467, %shift_right_arithmetic3A_288 : vector<16xi32>
              %and3A_470 = arith.andi %eq3A_468, %gt3A_469 : vector<16xi1>
              %or3A_471 = arith.ori %gt3A, %and3A_470 : vector<16xi1>
              %jit3A_472 = arith.constant 0x7F800000 : f32
              %broadcast_in_dim3A_473 = vector.broadcast %jit3A_472 : f32 to vector<16xf32>
              %select_n3A_474 = arith.select %or3A_471, %get3A_458, %broadcast_in_dim3A_473 : vector<16xi1>, vector<16xf32>
              %lt3A_475 = arith.cmpf olt, %select_n3A_474, %scan3A_451 : vector<16xf32>
              %eq3A_476 = arith.cmpf oeq, %select_n3A_474, %scan3A_451 : vector<16xf32>
              %lt3A_477 = arith.cmpi slt, %add3A_467, %scan3A_452 : vector<16xi32>
              %and3A_478 = arith.andi %eq3A_476, %lt3A_477 : vector<16xi1>
              %or3A_479 = arith.ori %lt3A_475, %and3A_478 : vector<16xi1>
              %select_n3A_480 = arith.select %or3A_479, %select_n3A_474, %scan3A_451 : vector<16xi1>, vector<16xf32>
              %select_n3A_481 = arith.select %or3A_479, %add3A_467, %scan3A_452 : vector<16xi1>, vector<16xi32>
              scf.yield %select_n3A_480, %select_n3A_481 : vector<16xf32>, vector<16xi32>
            }
            %scan3A_306 = arith.constant 5 : i32
            %xor3A_307 = arith.constant 1 : i32
            %xor3A_308 = vector.broadcast %xor3A_307 : i32 to vector<16xi32>
            %xor3A_309 = arith.xori %iota3A, %xor3A_308 : vector<16xi32>
            %lt3A_310 = arith.constant 0 : i32
            %lt3A_311 = vector.broadcast %lt3A_310 : i32 to vector<16xi32>
            %lt3A_312 = arith.cmpi slt, %xor3A_309, %lt3A_311 : vector<16xi32>
            %add3A_313 = arith.constant 16 : i32
            %add3A_314 = vector.broadcast %add3A_313 : i32 to vector<16xi32>
            %add3A_315 = arith.addi %xor3A_309, %add3A_314 : vector<16xi32>
            %select_n3A_316 = arith.select %lt3A_312, %add3A_315, %xor3A_309 : vector<16xi1>, vector<16xi32>
            %broadcast_in_dim3A_317 = vector.shape_cast %select_n3A_316 : vector<16xi32> to vector<16x1xi32>
            %gather3A_318 = vector.shape_cast %broadcast_in_dim3A_317 : vector<16x1xi32> to vector<16xi32>
            %gather3A_319 = tpu.dynamic_gather %scan3A_305#0[%gather3A_318] in [0] : vector<16xf32>, vector<16xi32> -> vector<16xf32>
            %lt3A_320 = arith.constant 0 : i32
            %lt3A_321 = vector.broadcast %lt3A_320 : i32 to vector<16xi32>
            %lt3A_322 = arith.cmpi slt, %xor3A_309, %lt3A_321 : vector<16xi32>
            %add3A_323 = arith.constant 16 : i32
            %add3A_324 = vector.broadcast %add3A_323 : i32 to vector<16xi32>
            %add3A_325 = arith.addi %xor3A_309, %add3A_324 : vector<16xi32>
            %select_n3A_326 = arith.select %lt3A_322, %add3A_325, %xor3A_309 : vector<16xi1>, vector<16xi32>
            %broadcast_in_dim3A_327 = vector.shape_cast %select_n3A_326 : vector<16xi32> to vector<16x1xi32>
            %gather3A_328 = vector.shape_cast %broadcast_in_dim3A_327 : vector<16x1xi32> to vector<16xi32>
            %gather3A_329 = tpu.dynamic_gather %scan3A_305#1[%gather3A_328] in [0] : vector<16xi32>, vector<16xi32> -> vector<16xi32>
            %lt3A_330 = arith.cmpf olt, %gather3A_319, %scan3A_305#0 : vector<16xf32>
            %eq3A_331 = arith.cmpf oeq, %gather3A_319, %scan3A_305#0 : vector<16xf32>
            %lt3A_332 = arith.cmpi slt, %gather3A_329, %scan3A_305#1 : vector<16xi32>
            %and3A_333 = arith.andi %eq3A_331, %lt3A_332 : vector<16xi1>
            %or3A_334 = arith.ori %lt3A_330, %and3A_333 : vector<16xi1>
            %select_n3A_335 = arith.select %or3A_334, %gather3A_319, %scan3A_305#0 : vector<16xi1>, vector<16xf32>
            %select_n3A_336 = arith.select %or3A_334, %gather3A_329, %scan3A_305#1 : vector<16xi1>, vector<16xi32>
            %xor3A_337 = arith.constant 2 : i32
            %xor3A_338 = vector.broadcast %xor3A_337 : i32 to vector<16xi32>
            %xor3A_339 = arith.xori %iota3A, %xor3A_338 : vector<16xi32>
            %lt3A_340 = arith.constant 0 : i32
            %lt3A_341 = vector.broadcast %lt3A_340 : i32 to vector<16xi32>
            %lt3A_342 = arith.cmpi slt, %xor3A_339, %lt3A_341 : vector<16xi32>
            %add3A_343 = arith.constant 16 : i32
            %add3A_344 = vector.broadcast %add3A_343 : i32 to vector<16xi32>
            %add3A_345 = arith.addi %xor3A_339, %add3A_344 : vector<16xi32>
            %select_n3A_346 = arith.select %lt3A_342, %add3A_345, %xor3A_339 : vector<16xi1>, vector<16xi32>
            %broadcast_in_dim3A_347 = vector.shape_cast %select_n3A_346 : vector<16xi32> to vector<16x1xi32>
            %gather3A_348 = vector.shape_cast %broadcast_in_dim3A_347 : vector<16x1xi32> to vector<16xi32>
            %gather3A_349 = tpu.dynamic_gather %select_n3A_335[%gather3A_348] in [0] : vector<16xf32>, vector<16xi32> -> vector<16xf32>
            %lt3A_350 = arith.constant 0 : i32
            %lt3A_351 = vector.broadcast %lt3A_350 : i32 to vector<16xi32>
            %lt3A_352 = arith.cmpi slt, %xor3A_339, %lt3A_351 : vector<16xi32>
            %add3A_353 = arith.constant 16 : i32
            %add3A_354 = vector.broadcast %add3A_353 : i32 to vector<16xi32>
            %add3A_355 = arith.addi %xor3A_339, %add3A_354 : vector<16xi32>
            %select_n3A_356 = arith.select %lt3A_352, %add3A_355, %xor3A_339 : vector<16xi1>, vector<16xi32>
            %broadcast_in_dim3A_357 = vector.shape_cast %select_n3A_356 : vector<16xi32> to vector<16x1xi32>
            %gather3A_358 = vector.shape_cast %broadcast_in_dim3A_357 : vector<16x1xi32> to vector<16xi32>
            %gather3A_359 = tpu.dynamic_gather %select_n3A_336[%gather3A_358] in [0] : vector<16xi32>, vector<16xi32> -> vector<16xi32>
            %lt3A_360 = arith.cmpf olt, %gather3A_349, %select_n3A_335 : vector<16xf32>
            %eq3A_361 = arith.cmpf oeq, %gather3A_349, %select_n3A_335 : vector<16xf32>
            %lt3A_362 = arith.cmpi slt, %gather3A_359, %select_n3A_336 : vector<16xi32>
            %and3A_363 = arith.andi %eq3A_361, %lt3A_362 : vector<16xi1>
            %or3A_364 = arith.ori %lt3A_360, %and3A_363 : vector<16xi1>
            %select_n3A_365 = arith.select %or3A_364, %gather3A_349, %select_n3A_335 : vector<16xi1>, vector<16xf32>
            %select_n3A_366 = arith.select %or3A_364, %gather3A_359, %select_n3A_336 : vector<16xi1>, vector<16xi32>
            %xor3A_367 = arith.constant 4 : i32
            %xor3A_368 = vector.broadcast %xor3A_367 : i32 to vector<16xi32>
            %xor3A_369 = arith.xori %iota3A, %xor3A_368 : vector<16xi32>
            %lt3A_370 = arith.constant 0 : i32
            %lt3A_371 = vector.broadcast %lt3A_370 : i32 to vector<16xi32>
            %lt3A_372 = arith.cmpi slt, %xor3A_369, %lt3A_371 : vector<16xi32>
            %add3A_373 = arith.constant 16 : i32
            %add3A_374 = vector.broadcast %add3A_373 : i32 to vector<16xi32>
            %add3A_375 = arith.addi %xor3A_369, %add3A_374 : vector<16xi32>
            %select_n3A_376 = arith.select %lt3A_372, %add3A_375, %xor3A_369 : vector<16xi1>, vector<16xi32>
            %broadcast_in_dim3A_377 = vector.shape_cast %select_n3A_376 : vector<16xi32> to vector<16x1xi32>
            %gather3A_378 = vector.shape_cast %broadcast_in_dim3A_377 : vector<16x1xi32> to vector<16xi32>
            %gather3A_379 = tpu.dynamic_gather %select_n3A_365[%gather3A_378] in [0] : vector<16xf32>, vector<16xi32> -> vector<16xf32>
            %lt3A_380 = arith.constant 0 : i32
            %lt3A_381 = vector.broadcast %lt3A_380 : i32 to vector<16xi32>
            %lt3A_382 = arith.cmpi slt, %xor3A_369, %lt3A_381 : vector<16xi32>
            %add3A_383 = arith.constant 16 : i32
            %add3A_384 = vector.broadcast %add3A_383 : i32 to vector<16xi32>
            %add3A_385 = arith.addi %xor3A_369, %add3A_384 : vector<16xi32>
            %select_n3A_386 = arith.select %lt3A_382, %add3A_385, %xor3A_369 : vector<16xi1>, vector<16xi32>
            %broadcast_in_dim3A_387 = vector.shape_cast %select_n3A_386 : vector<16xi32> to vector<16x1xi32>
            %gather3A_388 = vector.shape_cast %broadcast_in_dim3A_387 : vector<16x1xi32> to vector<16xi32>
            %gather3A_389 = tpu.dynamic_gather %select_n3A_366[%gather3A_388] in [0] : vector<16xi32>, vector<16xi32> -> vector<16xi32>
            %lt3A_390 = arith.cmpf olt, %gather3A_379, %select_n3A_365 : vector<16xf32>
            %eq3A_391 = arith.cmpf oeq, %gather3A_379, %select_n3A_365 : vector<16xf32>
            %lt3A_392 = arith.cmpi slt, %gather3A_389, %select_n3A_366 : vector<16xi32>
            %and3A_393 = arith.andi %eq3A_391, %lt3A_392 : vector<16xi1>
            %or3A_394 = arith.ori %lt3A_390, %and3A_393 : vector<16xi1>
            %select_n3A_395 = arith.select %or3A_394, %gather3A_379, %select_n3A_365 : vector<16xi1>, vector<16xf32>
            %select_n3A_396 = arith.select %or3A_394, %gather3A_389, %select_n3A_366 : vector<16xi1>, vector<16xi32>
            %xor3A_397 = arith.constant 8 : i32
            %xor3A_398 = vector.broadcast %xor3A_397 : i32 to vector<16xi32>
            %xor3A_399 = arith.xori %iota3A, %xor3A_398 : vector<16xi32>
            %lt3A_400 = arith.constant 0 : i32
            %lt3A_401 = vector.broadcast %lt3A_400 : i32 to vector<16xi32>
            %lt3A_402 = arith.cmpi slt, %xor3A_399, %lt3A_401 : vector<16xi32>
            %add3A_403 = arith.constant 16 : i32
            %add3A_404 = vector.broadcast %add3A_403 : i32 to vector<16xi32>
            %add3A_405 = arith.addi %xor3A_399, %add3A_404 : vector<16xi32>
            %select_n3A_406 = arith.select %lt3A_402, %add3A_405, %xor3A_399 : vector<16xi1>, vector<16xi32>
            %broadcast_in_dim3A_407 = vector.shape_cast %select_n3A_406 : vector<16xi32> to vector<16x1xi32>
            %gather3A_408 = vector.shape_cast %broadcast_in_dim3A_407 : vector<16x1xi32> to vector<16xi32>
            %gather3A_409 = tpu.dynamic_gather %select_n3A_395[%gather3A_408] in [0] : vector<16xf32>, vector<16xi32> -> vector<16xf32>
            %lt3A_410 = arith.constant 0 : i32
            %lt3A_411 = vector.broadcast %lt3A_410 : i32 to vector<16xi32>
            %lt3A_412 = arith.cmpi slt, %xor3A_399, %lt3A_411 : vector<16xi32>
            %add3A_413 = arith.constant 16 : i32
            %add3A_414 = vector.broadcast %add3A_413 : i32 to vector<16xi32>
            %add3A_415 = arith.addi %xor3A_399, %add3A_414 : vector<16xi32>
            %select_n3A_416 = arith.select %lt3A_412, %add3A_415, %xor3A_399 : vector<16xi1>, vector<16xi32>
            %broadcast_in_dim3A_417 = vector.shape_cast %select_n3A_416 : vector<16xi32> to vector<16x1xi32>
            %gather3A_418 = vector.shape_cast %broadcast_in_dim3A_417 : vector<16x1xi32> to vector<16xi32>
            %gather3A_419 = tpu.dynamic_gather %select_n3A_396[%gather3A_418] in [0] : vector<16xi32>, vector<16xi32> -> vector<16xi32>
            %lt3A_420 = arith.cmpf olt, %gather3A_409, %select_n3A_395 : vector<16xf32>
            %eq3A_421 = arith.cmpf oeq, %gather3A_409, %select_n3A_395 : vector<16xf32>
            %lt3A_422 = arith.cmpi slt, %gather3A_419, %select_n3A_396 : vector<16xi32>
            %and3A_423 = arith.andi %eq3A_421, %lt3A_422 : vector<16xi1>
            %or3A_424 = arith.ori %lt3A_420, %and3A_423 : vector<16xi1>
            %select_n3A_425 = arith.select %or3A_424, %gather3A_409, %select_n3A_395 : vector<16xi1>, vector<16xf32>
            %select_n3A_426 = arith.select %or3A_424, %gather3A_419, %select_n3A_396 : vector<16xi1>, vector<16xi32>
            %eq3A_427 = vector.broadcast %and3A_285 : i32 to vector<16xi32>
            %eq3A_428 = arith.cmpi eq, %iota3A, %eq3A_427 : vector<16xi32>
            %add3A_429 = arith.constant 1 : i32
            %add3A_430 = arith.addi %and3A_294, %add3A_429 : i32
            %jit3A = arith.constant 0 : i32
            %broadcast_in_dim3A_431 = vector.broadcast %add3A_430 : i32 to vector<16xi32>
            %broadcast_in_dim3A_432 = vector.broadcast %jit3A : i32 to vector<16xi32>
            %select_n3A_433 = arith.select %eq3A_428, %broadcast_in_dim3A_431, %broadcast_in_dim3A_432 : vector<16xi1>, vector<16xi32>
            %eq3A_434 = arith.constant 1 : i32
            %eq3A_435 = vector.broadcast %eq3A_434 : i32 to vector<16xi32>
            %eq3A_436 = arith.cmpi eq, %select_n3A_433, %eq3A_435 : vector<16xi32>
            %select_n3A_437 = arith.select %eq3A_436, %select_n3A_425, %scan3A_118 : vector<16xi1>, vector<16xf32>
            %eq3A_438 = arith.constant 1 : i32
            %eq3A_439 = vector.broadcast %eq3A_438 : i32 to vector<16xi32>
            %eq3A_440 = arith.cmpi eq, %select_n3A_433, %eq3A_439 : vector<16xi32>
            %select_n3A_441 = arith.select %eq3A_440, %select_n3A_426, %scan3A_119 : vector<16xi1>, vector<16xi32>
            %eq3A_442 = arith.constant 2 : i32
            %eq3A_443 = vector.broadcast %eq3A_442 : i32 to vector<16xi32>
            %eq3A_444 = arith.cmpi eq, %select_n3A_433, %eq3A_443 : vector<16xi32>
            %select_n3A_445 = arith.select %eq3A_444, %select_n3A_425, %scan3A_120 : vector<16xi1>, vector<16xf32>
            %eq3A_446 = arith.constant 2 : i32
            %eq3A_447 = vector.broadcast %eq3A_446 : i32 to vector<16xi32>
            %eq3A_448 = arith.cmpi eq, %select_n3A_433, %eq3A_447 : vector<16xi32>
            %select_n3A_449 = arith.select %eq3A_448, %select_n3A_426, %scan3A_121 : vector<16xi1>, vector<16xi32>
            scf.yield %select_n3A_437, %select_n3A_441, %select_n3A_445, %select_n3A_449, %select_n3A_256, %select_n3A_259, %select_n3A_281 : vector<16xf32>, vector<16xi32>, vector<16xf32>, vector<16xi32>, vector<16xi32>, vector<16xf32>, vector<16xf32>
          }
          %scan3A_99 = arith.constant 16 : i32
          %mul3A_100 = arith.constant 16 : i32
          %mul3A_101 = arith.muli %scan3A_79, %mul3A_100 : i32
          %swap3A = arith.index_cast %mul3A_101 : i32 to index
          %swap3A_102 = tpu.vector_load %arg14[%swap3A] {strides = array<i32>} : memref<64xi32, #tpu.memory_space<vmem>>, vector<16xi32>,
          %swap3A_103 = vector.shape_cast %swap3A_102 : vector<16xi32> to vector<16xi32>
          %swap3A_104 = vector.shape_cast %scan3A_98#4 : vector<16xi32> to vector<16xi32>
          tpu.vector_store %arg14[%swap3A], %swap3A_104 {strides = array<i32>} : memref<64xi32, #tpu.memory_space<vmem>>, vector<16xi32>,
          %mul3A_105 = arith.constant 16 : i32
          %mul3A_106 = arith.muli %scan3A_79, %mul3A_105 : i32
          %swap3A_107 = arith.index_cast %mul3A_106 : i32 to index
          %swap3A_108 = tpu.vector_load %arg15[%swap3A_107] {strides = array<i32>} : memref<64xf32, #tpu.memory_space<vmem>>, vector<16xf32>,
          %swap3A_109 = vector.shape_cast %swap3A_108 : vector<16xf32> to vector<16xf32>
          %swap3A_110 = vector.shape_cast %scan3A_98#5 : vector<16xf32> to vector<16xf32>
          tpu.vector_store %arg15[%swap3A_107], %swap3A_110 {strides = array<i32>} : memref<64xf32, #tpu.memory_space<vmem>>, vector<16xf32>,
          %mul3A_111 = arith.constant 16 : i32
          %mul3A_112 = arith.muli %scan3A_79, %mul3A_111 : i32
          %swap3A_113 = arith.index_cast %mul3A_112 : i32 to index
          %swap3A_114 = tpu.vector_load %arg16[%swap3A_113] {strides = array<i32>} : memref<64xf32, #tpu.memory_space<vmem>>, vector<16xf32>,
          %swap3A_115 = vector.shape_cast %swap3A_114 : vector<16xf32> to vector<16xf32>
          %swap3A_116 = vector.shape_cast %scan3A_98#6 : vector<16xf32> to vector<16xf32>
          tpu.vector_store %arg16[%swap3A_113], %swap3A_116 {strides = array<i32>} : memref<64xf32, #tpu.memory_space<vmem>>, vector<16xf32>,
        }
        %scan3A_72 = arith.constant 4 : i32
        %mul3A_73 = arith.constant 64 : i32
        %mul3A_74 = arith.muli %add3A_40, %mul3A_73 : i32
        "tpu.region"() ({
          %run_scoped3A = tpu.sem_alloc : memref<!tpu.dma_semaphore, #tpu.memory_space<semaphore_mem>>
          %dma_start3A = tpu.memref_slice %arg5[%mul3A_74] : memref<160000xi32, #tpu.memory_space<hbm>> -> memref<64xi32, #tpu.memory_space<hbm>>
          %dma_start3A_79 = tpu.memref_slice %arg5[%mul3A_74] : memref<160000xi32, #tpu.memory_space<hbm>> -> memref<64xi32, #tpu.memory_space<hbm>>
          tpu.enqueue_dma source(%arg14 : memref<64xi32, #tpu.memory_space<vmem>>) target(%dma_start3A_79 : memref<64xi32, #tpu.memory_space<hbm>>) target_semaphore(%run_scoped3A : memref<!tpu.dma_semaphore, #tpu.memory_space<semaphore_mem>>)
          %dma_wait3A_80 = tpu.memref_slice %arg5[%mul3A_74] : memref<160000xi32, #tpu.memory_space<hbm>> -> memref<64xi32, #tpu.memory_space<hbm>>
          %dma_wait3A_81 = tpu.memref_slice %arg5[%mul3A_74] : memref<160000xi32, #tpu.memory_space<hbm>> -> memref<64xi32, #tpu.memory_space<hbm>>
          tpu.wait_dma2 semaphore(%run_scoped3A : memref<!tpu.dma_semaphore, #tpu.memory_space<semaphore_mem>>) src(%arg14 : memref<64xi32, #tpu.memory_space<vmem>>) dst(%dma_wait3A_81 : memref<64xi32, #tpu.memory_space<hbm>>)
          tpu.yield
        }) : () -> ()
        %mul3A_75 = arith.constant 64 : i32
        %mul3A_76 = arith.muli %add3A_40, %mul3A_75 : i32
        "tpu.region"() ({
          %run_scoped3A = tpu.sem_alloc : memref<!tpu.dma_semaphore, #tpu.memory_space<semaphore_mem>>
          %dma_start3A = tpu.memref_slice %arg6[%mul3A_76] : memref<160000xf32, #tpu.memory_space<hbm>> -> memref<64xf32, #tpu.memory_space<hbm>>
          %dma_start3A_79 = tpu.memref_slice %arg6[%mul3A_76] : memref<160000xf32, #tpu.memory_space<hbm>> -> memref<64xf32, #tpu.memory_space<hbm>>
          tpu.enqueue_dma source(%arg15 : memref<64xf32, #tpu.memory_space<vmem>>) target(%dma_start3A_79 : memref<64xf32, #tpu.memory_space<hbm>>) target_semaphore(%run_scoped3A : memref<!tpu.dma_semaphore, #tpu.memory_space<semaphore_mem>>)
          %dma_wait3A_80 = tpu.memref_slice %arg6[%mul3A_76] : memref<160000xf32, #tpu.memory_space<hbm>> -> memref<64xf32, #tpu.memory_space<hbm>>
          %dma_wait3A_81 = tpu.memref_slice %arg6[%mul3A_76] : memref<160000xf32, #tpu.memory_space<hbm>> -> memref<64xf32, #tpu.memory_space<hbm>>
          tpu.wait_dma2 semaphore(%run_scoped3A : memref<!tpu.dma_semaphore, #tpu.memory_space<semaphore_mem>>) src(%arg15 : memref<64xf32, #tpu.memory_space<vmem>>) dst(%dma_wait3A_81 : memref<64xf32, #tpu.memory_space<hbm>>)
          tpu.yield
        }) : () -> ()
        %mul3A_77 = arith.constant 64 : i32
        %mul3A_78 = arith.muli %add3A_40, %mul3A_77 : i32
        "tpu.region"() ({
          %run_scoped3A = tpu.sem_alloc : memref<!tpu.dma_semaphore, #tpu.memory_space<semaphore_mem>>
          %dma_start3A = tpu.memref_slice %arg7[%mul3A_78] : memref<160000xf32, #tpu.memory_space<hbm>> -> memref<64xf32, #tpu.memory_space<hbm>>
          %dma_start3A_79 = tpu.memref_slice %arg7[%mul3A_78] : memref<160000xf32, #tpu.memory_space<hbm>> -> memref<64xf32, #tpu.memory_space<hbm>>
          tpu.enqueue_dma source(%arg16 : memref<64xf32, #tpu.memory_space<vmem>>) target(%dma_start3A_79 : memref<64xf32, #tpu.memory_space<hbm>>) target_semaphore(%run_scoped3A : memref<!tpu.dma_semaphore, #tpu.memory_space<semaphore_mem>>)
          %dma_wait3A_80 = tpu.memref_slice %arg7[%mul3A_78] : memref<160000xf32, #tpu.memory_space<hbm>> -> memref<64xf32, #tpu.memory_space<hbm>>
          %dma_wait3A_81 = tpu.memref_slice %arg7[%mul3A_78] : memref<160000xf32, #tpu.memory_space<hbm>> -> memref<64xf32, #tpu.memory_space<hbm>>
          tpu.wait_dma2 semaphore(%run_scoped3A : memref<!tpu.dma_semaphore, #tpu.memory_space<semaphore_mem>>) src(%arg16 : memref<64xf32, #tpu.memory_space<vmem>>) dst(%dma_wait3A_81 : memref<64xf32, #tpu.memory_space<hbm>>)
          tpu.yield
        }) : () -> ()
      } else {
      }
    }
    %scan3A_10 = arith.constant 40 : i32
    return
  }
}

module attributes {stable_mosaic.version = 14 : i64} {
  func.func @_geom_body(%arg0: i32, %arg1: memref<400x16xf32, #tpu.memory_space<vmem>>, %arg2: memref<400x3xf32, #tpu.memory_space<vmem>>, %arg3: memref<3x2560xf32, #tpu.memory_space<vmem>>, %arg4: memref<1x2560xf32, #tpu.memory_space<vmem>>, %arg5: memref<3x2560xf32, #tpu.memory_space<vmem>>, %arg6: memref<1x2560xf32, #tpu.memory_space<vmem>>, %arg7: memref<16x256xf32, #tpu.memory_space<vmem>>, %arg8: memref<1x256xf32, #tpu.memory_space<vmem>>, %arg9: memref<1x256xf32, #tpu.memory_space<vmem>>, %arg10: memref<1x256xf32, #tpu.memory_space<vmem>>, %arg11: memref<256x256xf32, #tpu.memory_space<vmem>>, %arg12: memref<1x256xf32, #tpu.memory_space<vmem>>, %arg13: memref<1x256xf32, #tpu.memory_space<vmem>>, %arg14: memref<1x256xf32, #tpu.memory_space<vmem>>, %arg15: memref<400x256xf32, #tpu.memory_space<vmem>>, %arg16: memref<400x2560xf32, #tpu.memory_space<vmem>>, %arg17: memref<400x2560xf32, #tpu.memory_space<vmem>>, %arg18: memref<400x2560xf32, #tpu.memory_space<vmem>>) attributes {dimension_semantics = [#tpu.dimension_semantics<arbitrary>], iteration_bounds = array<i64: 25>, scalar_prefetch = 0 : i64, scratch_operands = 0 : i64, tpu.core_type = #tpu.core_type<tc>, window_params = [{transform_indices = @transform_0, window_bounds = array<i64: 400, 16>}, {transform_indices = @transform_1, window_bounds = array<i64: 400, 3>}, {pipeline_mode = #tpu.pipeline_mode<synchronous>, transform_indices = @transform_2, window_bounds = array<i64: 3, 2560>}, {pipeline_mode = #tpu.pipeline_mode<synchronous>, transform_indices = @transform_3, window_bounds = array<i64: 1, 2560>}, {pipeline_mode = #tpu.pipeline_mode<synchronous>, transform_indices = @transform_4, window_bounds = array<i64: 3, 2560>}, {pipeline_mode = #tpu.pipeline_mode<synchronous>, transform_indices = @transform_5, window_bounds = array<i64: 1, 2560>}, {pipeline_mode = #tpu.pipeline_mode<synchronous>, transform_indices = @transform_6, window_bounds = array<i64: 16, 256>}, {pipeline_mode = #tpu.pipeline_mode<synchronous>, transform_indices = @transform_7, window_bounds = array<i64: 1, 256>}, {pipeline_mode = #tpu.pipeline_mode<synchronous>, transform_indices = @transform_8, window_bounds = array<i64: 1, 256>}, {pipeline_mode = #tpu.pipeline_mode<synchronous>, transform_indices = @transform_9, window_bounds = array<i64: 1, 256>}, {pipeline_mode = #tpu.pipeline_mode<synchronous>, transform_indices = @transform_10, window_bounds = array<i64: 256, 256>}, {pipeline_mode = #tpu.pipeline_mode<synchronous>, transform_indices = @transform_11, window_bounds = array<i64: 1, 256>}, {pipeline_mode = #tpu.pipeline_mode<synchronous>, transform_indices = @transform_12, window_bounds = array<i64: 1, 256>}, {pipeline_mode = #tpu.pipeline_mode<synchronous>, transform_indices = @transform_13, window_bounds = array<i64: 1, 256>}, {transform_indices = @transform_14, window_bounds = array<i64: 400, 256>}, {transform_indices = @transform_15, window_bounds = array<i64: 400, 2560>}, {transform_indices = @transform_16, window_bounds = array<i64: 400, 2560>}, {transform_indices = @transform_17, window_bounds = array<i64: 400, 2560>}]} {
    %get3A = arith.constant 0 : index
    %get3A_0 = arith.constant 0 : index
    %get3A_1 = vector.load %arg1[%get3A, %get3A_0] : memref<400x16xf32, #tpu.memory_space<vmem>>, vector<400x16xf32>
    %get3A_2 = arith.constant 0 : index
    %get3A_3 = arith.constant 0 : index
    %get3A_4 = vector.load %arg7[%get3A_2, %get3A_3] : memref<16x256xf32, #tpu.memory_space<vmem>>, vector<16x256xf32>
    %dot_general3A = arith.constant dense<0.000000e+00> : vector<400x256xf32>
    %dot_general3A_5 = tpu.matmul %get3A_1, %get3A_4, %dot_general3A {dimension_numbers = #tpu.dot_dimension_numbers<[1], [0], [0], [1], [0, 0, 1, 1], [], []>, transpose_lhs_hint = false} : vector<400x16xf32>, vector<16x256xf32>, vector<400x256xf32> -> vector<400x256xf32>
    %get3A_6 = arith.constant 0 : index
    %get3A_7 = arith.constant 0 : index
    %get3A_8 = vector.load %arg8[%get3A_6, %get3A_7] : memref<1x256xf32, #tpu.memory_space<vmem>>, vector<1x256xf32>
    %add3A = vector.broadcast %get3A_8 : vector<1x256xf32> to vector<400x256xf32>
    %add3A_9 = arith.addf %dot_general3A_5, %add3A : vector<400x256xf32>
    %get3A_10 = arith.constant 0 : index
    %get3A_11 = arith.constant 0 : index
    %get3A_12 = vector.load %arg9[%get3A_10, %get3A_11] : memref<1x256xf32, #tpu.memory_space<vmem>>, vector<1x256xf32>
    %get3A_13 = arith.constant 0 : index
    %get3A_14 = arith.constant 0 : index
    %get3A_15 = vector.load %arg10[%get3A_13, %get3A_14] : memref<1x256xf32, #tpu.memory_space<vmem>>, vector<1x256xf32>
    %sqrt3A = arith.constant 1.000010e+00 : f32
    %sqrt3A_16 = math.sqrt %sqrt3A : f32
    %div3A = vector.broadcast %sqrt3A_16 : f32 to vector<400x256xf32>
    %div3A_17 = arith.divf %add3A_9, %div3A : vector<400x256xf32>
    %mul3A = vector.broadcast %get3A_12 : vector<1x256xf32> to vector<400x256xf32>
    %mul3A_18 = arith.mulf %div3A_17, %mul3A : vector<400x256xf32>
    %add3A_19 = vector.broadcast %get3A_15 : vector<1x256xf32> to vector<400x256xf32>
    %add3A_20 = arith.addf %mul3A_18, %add3A_19 : vector<400x256xf32>
    %logistic3A = arith.negf %add3A_20 : vector<400x256xf32>
    %logistic3A_21 = math.exp %logistic3A : vector<400x256xf32>
    %logistic3A_22 = arith.constant 1.000000e+00 : f32
    %logistic3A_23 = vector.broadcast %logistic3A_22 : f32 to vector<400x256xf32>
    %logistic3A_24 = arith.addf %logistic3A_23, %logistic3A_21 : vector<400x256xf32>
    %logistic3A_25 = arith.divf %logistic3A_23, %logistic3A_24 : vector<400x256xf32>
    %mul3A_26 = arith.mulf %add3A_20, %logistic3A_25 : vector<400x256xf32>
    %get3A_27 = arith.constant 0 : index
    %get3A_28 = arith.constant 0 : index
    %get3A_29 = vector.load %arg11[%get3A_27, %get3A_28] : memref<256x256xf32, #tpu.memory_space<vmem>>, vector<256x256xf32>
    %dot_general3A_30 = arith.constant dense<0.000000e+00> : vector<400x256xf32>
    %dot_general3A_31 = tpu.matmul %mul3A_26, %get3A_29, %dot_general3A_30 {dimension_numbers = #tpu.dot_dimension_numbers<[1], [0], [0], [1], [0, 0, 1, 1], [], []>, transpose_lhs_hint = false} : vector<400x256xf32>, vector<256x256xf32>, vector<400x256xf32> -> vector<400x256xf32>
    %get3A_32 = arith.constant 0 : index
    %get3A_33 = arith.constant 0 : index
    %get3A_34 = vector.load %arg12[%get3A_32, %get3A_33] : memref<1x256xf32, #tpu.memory_space<vmem>>, vector<1x256xf32>
    %add3A_35 = vector.broadcast %get3A_34 : vector<1x256xf32> to vector<400x256xf32>
    %add3A_36 = arith.addf %dot_general3A_31, %add3A_35 : vector<400x256xf32>
    %get3A_37 = arith.constant 0 : index
    %get3A_38 = arith.constant 0 : index
    %get3A_39 = vector.load %arg13[%get3A_37, %get3A_38] : memref<1x256xf32, #tpu.memory_space<vmem>>, vector<1x256xf32>
    %get3A_40 = arith.constant 0 : index
    %get3A_41 = arith.constant 0 : index
    %get3A_42 = vector.load %arg14[%get3A_40, %get3A_41] : memref<1x256xf32, #tpu.memory_space<vmem>>, vector<1x256xf32>
    %sqrt3A_43 = arith.constant 1.000010e+00 : f32
    %sqrt3A_44 = math.sqrt %sqrt3A_43 : f32
    %div3A_45 = vector.broadcast %sqrt3A_44 : f32 to vector<400x256xf32>
    %div3A_46 = arith.divf %add3A_36, %div3A_45 : vector<400x256xf32>
    %mul3A_47 = vector.broadcast %get3A_39 : vector<1x256xf32> to vector<400x256xf32>
    %mul3A_48 = arith.mulf %div3A_46, %mul3A_47 : vector<400x256xf32>
    %add3A_49 = vector.broadcast %get3A_42 : vector<1x256xf32> to vector<400x256xf32>
    %add3A_50 = arith.addf %mul3A_48, %add3A_49 : vector<400x256xf32>
    %swap3A = arith.constant 0 : index
    %swap3A_51 = arith.constant 0 : index
    %swap3A_52 = vector.load %arg15[%swap3A, %swap3A_51] : memref<400x256xf32, #tpu.memory_space<vmem>>, vector<400x256xf32>
    tpu.vector_store %arg15[%swap3A, %swap3A_51], %add3A_50 {strides = array<i32>} : memref<400x256xf32, #tpu.memory_space<vmem>>, vector<400x256xf32>,
    %get3A_53 = arith.constant 0 : index
    %get3A_54 = arith.constant 0 : index
    %get3A_55 = vector.load %arg2[%get3A_53, %get3A_54] : memref<400x3xf32, #tpu.memory_space<vmem>>, vector<400x3xf32>
    %get3A_56 = arith.constant 0 : index
    %get3A_57 = arith.constant 0 : index
    %get3A_58 = vector.load %arg3[%get3A_56, %get3A_57] : memref<3x2560xf32, #tpu.memory_space<vmem>>, vector<3x2560xf32>
    %mul3A_59 = arith.mulf %get3A_55, %get3A_55 : vector<400x3xf32>
    %reduce_sum3A = arith.constant dense<0.000000e+00> : vector<400xf32>
    %reduce_sum3A_60 = vector.multi_reduction <add>, %mul3A_59, %reduce_sum3A [1] : vector<400x3xf32> to vector<400xf32>
    %broadcast_in_dim3A = vector.shape_cast %reduce_sum3A_60 : vector<400xf32> to vector<400x1xf32>
    %mul3A_61 = arith.mulf %get3A_58, %get3A_58 : vector<3x2560xf32>
    %reduce_sum3A_62 = arith.constant dense<0.000000e+00> : vector<2560xf32>
    %reduce_sum3A_63 = vector.multi_reduction <add>, %mul3A_61, %reduce_sum3A_62 [0] : vector<3x2560xf32> to vector<2560xf32>
    %broadcast_in_dim3A_64 = vector.shape_cast %reduce_sum3A_63 : vector<2560xf32> to vector<1x2560xf32>
    %get3A_65 = arith.constant 0 : index
    %get3A_66 = arith.constant 0 : index
    %get3A_67 = vector.load %arg4[%get3A_65, %get3A_66] : memref<1x2560xf32, #tpu.memory_space<vmem>>, vector<1x2560xf32>
    %add3A_68 = arith.addf %broadcast_in_dim3A_64, %get3A_67 : vector<1x2560xf32>
    %add3A_69 = vector.broadcast %broadcast_in_dim3A : vector<400x1xf32> to vector<400x2560xf32>
    %add3A_70 = vector.broadcast %add3A_68 : vector<1x2560xf32> to vector<400x2560xf32>
    %add3A_71 = arith.addf %add3A_69, %add3A_70 : vector<400x2560xf32>
    %dot_general3A_72 = arith.constant dense<0.000000e+00> : vector<400x2560xf32>
    %dot_general3A_73 = tpu.matmul %get3A_55, %get3A_58, %dot_general3A_72 {dimension_numbers = #tpu.dot_dimension_numbers<[1], [0], [0], [1], [0, 0, 1, 1], [], []>, transpose_lhs_hint = false} : vector<400x3xf32>, vector<3x2560xf32>, vector<400x2560xf32> -> vector<400x2560xf32>
    %mul3A_74 = arith.constant 2.000000e+00 : f32
    %mul3A_75 = vector.broadcast %mul3A_74 : f32 to vector<400x2560xf32>
    %mul3A_76 = arith.mulf %mul3A_75, %dot_general3A_73 : vector<400x2560xf32>
    %sub3A = arith.subf %add3A_71, %mul3A_76 : vector<400x2560xf32>
    %swap3A_77 = arith.constant 0 : index
    %swap3A_78 = arith.constant 0 : index
    %swap3A_79 = vector.load %arg16[%swap3A_77, %swap3A_78] : memref<400x2560xf32, #tpu.memory_space<vmem>>, vector<400x2560xf32>
    tpu.vector_store %arg16[%swap3A_77, %swap3A_78], %sub3A {strides = array<i32>} : memref<400x2560xf32, #tpu.memory_space<vmem>>, vector<400x2560xf32>,
    %get3A_80 = arith.constant 0 : index
    %get3A_81 = arith.constant 0 : index
    %get3A_82 = vector.load %arg5[%get3A_80, %get3A_81] : memref<3x2560xf32, #tpu.memory_space<vmem>>, vector<3x2560xf32>
    %mul3A_83 = arith.mulf %get3A_82, %get3A_82 : vector<3x2560xf32>
    %reduce_sum3A_84 = arith.constant dense<0.000000e+00> : vector<2560xf32>
    %reduce_sum3A_85 = vector.multi_reduction <add>, %mul3A_83, %reduce_sum3A_84 [0] : vector<3x2560xf32> to vector<2560xf32>
    %broadcast_in_dim3A_86 = vector.shape_cast %reduce_sum3A_85 : vector<2560xf32> to vector<1x2560xf32>
    %get3A_87 = arith.constant 0 : index
    %get3A_88 = arith.constant 0 : index
    %get3A_89 = vector.load %arg6[%get3A_87, %get3A_88] : memref<1x2560xf32, #tpu.memory_space<vmem>>, vector<1x2560xf32>
    %add3A_90 = arith.addf %broadcast_in_dim3A_86, %get3A_89 : vector<1x2560xf32>
    %add3A_91 = vector.broadcast %broadcast_in_dim3A : vector<400x1xf32> to vector<400x2560xf32>
    %add3A_92 = vector.broadcast %add3A_90 : vector<1x2560xf32> to vector<400x2560xf32>
    %add3A_93 = arith.addf %add3A_91, %add3A_92 : vector<400x2560xf32>
    %dot_general3A_94 = arith.constant dense<0.000000e+00> : vector<400x2560xf32>
    %dot_general3A_95 = tpu.matmul %get3A_55, %get3A_82, %dot_general3A_94 {dimension_numbers = #tpu.dot_dimension_numbers<[1], [0], [0], [1], [0, 0, 1, 1], [], []>, transpose_lhs_hint = false} : vector<400x3xf32>, vector<3x2560xf32>, vector<400x2560xf32> -> vector<400x2560xf32>
    %mul3A_96 = arith.constant 2.000000e+00 : f32
    %mul3A_97 = vector.broadcast %mul3A_96 : f32 to vector<400x2560xf32>
    %mul3A_98 = arith.mulf %mul3A_97, %dot_general3A_95 : vector<400x2560xf32>
    %sub3A_99 = arith.subf %add3A_93, %mul3A_98 : vector<400x2560xf32>
    %swap3A_100 = arith.constant 0 : index
    %swap3A_101 = arith.constant 0 : index
    %swap3A_102 = vector.load %arg17[%swap3A_100, %swap3A_101] : memref<400x2560xf32, #tpu.memory_space<vmem>>, vector<400x2560xf32>
    tpu.vector_store %arg17[%swap3A_100, %swap3A_101], %sub3A_99 {strides = array<i32>} : memref<400x2560xf32, #tpu.memory_space<vmem>>, vector<400x2560xf32>,
    %slice3A = vector.extract_strided_slice %get3A_1 {offsets = [0, 13], sizes = [400, 3], strides = [1, 1]} : vector<400x16xf32> to vector<400x3xf32>
    %mul3A_103 = arith.mulf %slice3A, %get3A_55 : vector<400x3xf32>
    %reduce_sum3A_104 = arith.constant dense<0.000000e+00> : vector<400xf32>
    %reduce_sum3A_105 = vector.multi_reduction <add>, %mul3A_103, %reduce_sum3A_104 [1] : vector<400x3xf32> to vector<400xf32>
    %broadcast_in_dim3A_106 = vector.shape_cast %reduce_sum3A_105 : vector<400xf32> to vector<400x1xf32>
    %dot_general3A_107 = arith.constant dense<0.000000e+00> : vector<400x2560xf32>
    %dot_general3A_108 = tpu.matmul %slice3A, %get3A_58, %dot_general3A_107 {dimension_numbers = #tpu.dot_dimension_numbers<[1], [0], [0], [1], [0, 0, 1, 1], [], []>, transpose_lhs_hint = false} : vector<400x3xf32>, vector<3x2560xf32>, vector<400x2560xf32> -> vector<400x2560xf32>
    %sub3A_109 = vector.broadcast %broadcast_in_dim3A_106 : vector<400x1xf32> to vector<400x2560xf32>
    %sub3A_110 = arith.subf %dot_general3A_108, %sub3A_109 : vector<400x2560xf32>
    %swap3A_111 = arith.constant 0 : index
    %swap3A_112 = arith.constant 0 : index
    %swap3A_113 = vector.load %arg18[%swap3A_111, %swap3A_112] : memref<400x2560xf32, #tpu.memory_space<vmem>>, vector<400x2560xf32>
    tpu.vector_store %arg18[%swap3A_111, %swap3A_112], %sub3A_110 {strides = array<i32>} : memref<400x2560xf32, #tpu.memory_space<vmem>>, vector<400x2560xf32>,
    return
  }
  func.func @transform_0(%arg0: i32) -> (i32, i32) {
    %c0_i32 = arith.constant 0 : i32
    %c0_i32_0 = arith.constant 0 : i32
    return %arg0, %c0_i32 : i32, i32
  }
  func.func @transform_1(%arg0: i32) -> (i32, i32) {
    %c0_i32 = arith.constant 0 : i32
    %c0_i32_0 = arith.constant 0 : i32
    return %arg0, %c0_i32 : i32, i32
  }
  func.func @transform_2(%arg0: i32) -> (i32, i32) {
    %c0_i32 = arith.constant 0 : i32
    %c0_i32_0 = arith.constant 0 : i32
    %c0_i32_1 = arith.constant 0 : i32
    return %c0_i32, %c0_i32_0 : i32, i32
  }
  func.func @transform_3(%arg0: i32) -> (i32, i32) {
    %c0_i32 = arith.constant 0 : i32
    %c0_i32_0 = arith.constant 0 : i32
    %c0_i32_1 = arith.constant 0 : i32
    return %c0_i32, %c0_i32_0 : i32, i32
  }
  func.func @transform_4(%arg0: i32) -> (i32, i32) {
    %c0_i32 = arith.constant 0 : i32
    %c0_i32_0 = arith.constant 0 : i32
    %c0_i32_1 = arith.constant 0 : i32
    return %c0_i32, %c0_i32_0 : i32, i32
  }
  func.func @transform_5(%arg0: i32) -> (i32, i32) {
    %c0_i32 = arith.constant 0 : i32
    %c0_i32_0 = arith.constant 0 : i32
    %c0_i32_1 = arith.constant 0 : i32
    return %c0_i32, %c0_i32_0 : i32, i32
  }
  func.func @transform_6(%arg0: i32) -> (i32, i32) {
    %c0_i32 = arith.constant 0 : i32
    %c0_i32_0 = arith.constant 0 : i32
    %c0_i32_1 = arith.constant 0 : i32
    return %c0_i32, %c0_i32_0 : i32, i32
  }
  func.func @transform_7(%arg0: i32) -> (i32, i32) {
    %c0_i32 = arith.constant 0 : i32
    %c0_i32_0 = arith.constant 0 : i32
    %c0_i32_1 = arith.constant 0 : i32
    return %c0_i32, %c0_i32_0 : i32, i32
  }
  func.func @transform_8(%arg0: i32) -> (i32, i32) {
    %c0_i32 = arith.constant 0 : i32
    %c0_i32_0 = arith.constant 0 : i32
    %c0_i32_1 = arith.constant 0 : i32
    return %c0_i32, %c0_i32_0 : i32, i32
  }
  func.func @transform_9(%arg0: i32) -> (i32, i32) {
    %c0_i32 = arith.constant 0 : i32
    %c0_i32_0 = arith.constant 0 : i32
    %c0_i32_1 = arith.constant 0 : i32
    return %c0_i32, %c0_i32_0 : i32, i32
  }
  func.func @transform_10(%arg0: i32) -> (i32, i32) {
    %c0_i32 = arith.constant 0 : i32
    %c0_i32_0 = arith.constant 0 : i32
    %c0_i32_1 = arith.constant 0 : i32
    return %c0_i32, %c0_i32_0 : i32, i32
  }
  func.func @transform_11(%arg0: i32) -> (i32, i32) {
    %c0_i32 = arith.constant 0 : i32
    %c0_i32_0 = arith.constant 0 : i32
    %c0_i32_1 = arith.constant 0 : i32
    return %c0_i32, %c0_i32_0 : i32, i32
  }
  func.func @transform_12(%arg0: i32) -> (i32, i32) {
    %c0_i32 = arith.constant 0 : i32
    %c0_i32_0 = arith.constant 0 : i32
    %c0_i32_1 = arith.constant 0 : i32
    return %c0_i32, %c0_i32_0 : i32, i32
  }
  func.func @transform_13(%arg0: i32) -> (i32, i32) {
    %c0_i32 = arith.constant 0 : i32
    %c0_i32_0 = arith.constant 0 : i32
    %c0_i32_1 = arith.constant 0 : i32
    return %c0_i32, %c0_i32_0 : i32, i32
  }
  func.func @transform_14(%arg0: i32) -> (i32, i32) {
    %c0_i32 = arith.constant 0 : i32
    %c0_i32_0 = arith.constant 0 : i32
    return %arg0, %c0_i32 : i32, i32
  }
  func.func @transform_15(%arg0: i32) -> (i32, i32) {
    %c0_i32 = arith.constant 0 : i32
    %c0_i32_0 = arith.constant 0 : i32
    return %arg0, %c0_i32 : i32, i32
  }
  func.func @transform_16(%arg0: i32) -> (i32, i32) {
    %c0_i32 = arith.constant 0 : i32
    %c0_i32_0 = arith.constant 0 : i32
    return %arg0, %c0_i32 : i32, i32
  }
  func.func @transform_17(%arg0: i32) -> (i32, i32) {
    %c0_i32 = arith.constant 0 : i32
    %c0_i32_0 = arith.constant 0 : i32
    return %arg0, %c0_i32 : i32, i32
  }
}

module attributes {stable_mosaic.version = 14 : i64} {
  func.func @_chem_body(%arg0: memref<2500x128xf32, #tpu.memory_space<vmem>>, %arg1: memref<128x256xf32, #tpu.memory_space<vmem>>, %arg2: memref<1x256xf32, #tpu.memory_space<vmem>>, %arg3: memref<1x256xf32, #tpu.memory_space<vmem>>, %arg4: memref<1x256xf32, #tpu.memory_space<vmem>>, %arg5: memref<256x256xf32, #tpu.memory_space<vmem>>, %arg6: memref<1x256xf32, #tpu.memory_space<vmem>>, %arg7: memref<1x256xf32, #tpu.memory_space<vmem>>, %arg8: memref<1x256xf32, #tpu.memory_space<vmem>>, %arg9: memref<128x256xf32, #tpu.memory_space<vmem>>, %arg10: memref<1x256xf32, #tpu.memory_space<vmem>>, %arg11: memref<2500x256xf32, #tpu.memory_space<vmem>>, %arg12: memref<2500x256xf32, #tpu.memory_space<vmem>>) attributes {dimension_semantics = [], scalar_prefetch = 0 : i64, scratch_operands = 0 : i64, tpu.core_type = #tpu.core_type<tc>} {
    %get3A = arith.constant 0 : index
    %get3A_0 = arith.constant 0 : index
    %get3A_1 = vector.load %arg0[%get3A, %get3A_0] : memref<2500x128xf32, #tpu.memory_space<vmem>>, vector<2500x128xf32>
    %get3A_2 = arith.constant 0 : index
    %get3A_3 = arith.constant 0 : index
    %get3A_4 = vector.load %arg1[%get3A_2, %get3A_3] : memref<128x256xf32, #tpu.memory_space<vmem>>, vector<128x256xf32>
    %dot_general3A = arith.constant dense<0.000000e+00> : vector<2500x256xf32>
    %dot_general3A_5 = tpu.matmul %get3A_1, %get3A_4, %dot_general3A {dimension_numbers = #tpu.dot_dimension_numbers<[1], [0], [0], [1], [0, 0, 1, 1], [], []>, transpose_lhs_hint = false} : vector<2500x128xf32>, vector<128x256xf32>, vector<2500x256xf32> -> vector<2500x256xf32>
    %get3A_6 = arith.constant 0 : index
    %get3A_7 = arith.constant 0 : index
    %get3A_8 = vector.load %arg2[%get3A_6, %get3A_7] : memref<1x256xf32, #tpu.memory_space<vmem>>, vector<1x256xf32>
    %add3A = vector.broadcast %get3A_8 : vector<1x256xf32> to vector<2500x256xf32>
    %add3A_9 = arith.addf %dot_general3A_5, %add3A : vector<2500x256xf32>
    %get3A_10 = arith.constant 0 : index
    %get3A_11 = arith.constant 0 : index
    %get3A_12 = vector.load %arg3[%get3A_10, %get3A_11] : memref<1x256xf32, #tpu.memory_space<vmem>>, vector<1x256xf32>
    %get3A_13 = arith.constant 0 : index
    %get3A_14 = arith.constant 0 : index
    %get3A_15 = vector.load %arg4[%get3A_13, %get3A_14] : memref<1x256xf32, #tpu.memory_space<vmem>>, vector<1x256xf32>
    %sqrt3A = arith.constant 1.000010e+00 : f32
    %sqrt3A_16 = math.sqrt %sqrt3A : f32
    %div3A = vector.broadcast %sqrt3A_16 : f32 to vector<2500x256xf32>
    %div3A_17 = arith.divf %add3A_9, %div3A : vector<2500x256xf32>
    %mul3A = vector.broadcast %get3A_12 : vector<1x256xf32> to vector<2500x256xf32>
    %mul3A_18 = arith.mulf %div3A_17, %mul3A : vector<2500x256xf32>
    %add3A_19 = vector.broadcast %get3A_15 : vector<1x256xf32> to vector<2500x256xf32>
    %add3A_20 = arith.addf %mul3A_18, %add3A_19 : vector<2500x256xf32>
    %logistic3A = arith.negf %add3A_20 : vector<2500x256xf32>
    %logistic3A_21 = math.exp %logistic3A : vector<2500x256xf32>
    %logistic3A_22 = arith.constant 1.000000e+00 : f32
    %logistic3A_23 = vector.broadcast %logistic3A_22 : f32 to vector<2500x256xf32>
    %logistic3A_24 = arith.addf %logistic3A_23, %logistic3A_21 : vector<2500x256xf32>
    %logistic3A_25 = arith.divf %logistic3A_23, %logistic3A_24 : vector<2500x256xf32>
    %mul3A_26 = arith.mulf %add3A_20, %logistic3A_25 : vector<2500x256xf32>
    %get3A_27 = arith.constant 0 : index
    %get3A_28 = arith.constant 0 : index
    %get3A_29 = vector.load %arg5[%get3A_27, %get3A_28] : memref<256x256xf32, #tpu.memory_space<vmem>>, vector<256x256xf32>
    %dot_general3A_30 = arith.constant dense<0.000000e+00> : vector<2500x256xf32>
    %dot_general3A_31 = tpu.matmul %mul3A_26, %get3A_29, %dot_general3A_30 {dimension_numbers = #tpu.dot_dimension_numbers<[1], [0], [0], [1], [0, 0, 1, 1], [], []>, transpose_lhs_hint = false} : vector<2500x256xf32>, vector<256x256xf32>, vector<2500x256xf32> -> vector<2500x256xf32>
    %get3A_32 = arith.constant 0 : index
    %get3A_33 = arith.constant 0 : index
    %get3A_34 = vector.load %arg6[%get3A_32, %get3A_33] : memref<1x256xf32, #tpu.memory_space<vmem>>, vector<1x256xf32>
    %add3A_35 = vector.broadcast %get3A_34 : vector<1x256xf32> to vector<2500x256xf32>
    %add3A_36 = arith.addf %dot_general3A_31, %add3A_35 : vector<2500x256xf32>
    %get3A_37 = arith.constant 0 : index
    %get3A_38 = arith.constant 0 : index
    %get3A_39 = vector.load %arg7[%get3A_37, %get3A_38] : memref<1x256xf32, #tpu.memory_space<vmem>>, vector<1x256xf32>
    %get3A_40 = arith.constant 0 : index
    %get3A_41 = arith.constant 0 : index
    %get3A_42 = vector.load %arg8[%get3A_40, %get3A_41] : memref<1x256xf32, #tpu.memory_space<vmem>>, vector<1x256xf32>
    %sqrt3A_43 = arith.constant 1.000010e+00 : f32
    %sqrt3A_44 = math.sqrt %sqrt3A_43 : f32
    %div3A_45 = vector.broadcast %sqrt3A_44 : f32 to vector<2500x256xf32>
    %div3A_46 = arith.divf %add3A_36, %div3A_45 : vector<2500x256xf32>
    %mul3A_47 = vector.broadcast %get3A_39 : vector<1x256xf32> to vector<2500x256xf32>
    %mul3A_48 = arith.mulf %div3A_46, %mul3A_47 : vector<2500x256xf32>
    %add3A_49 = vector.broadcast %get3A_42 : vector<1x256xf32> to vector<2500x256xf32>
    %add3A_50 = arith.addf %mul3A_48, %add3A_49 : vector<2500x256xf32>
    %swap3A = arith.constant 0 : index
    %swap3A_51 = arith.constant 0 : index
    %swap3A_52 = vector.load %arg11[%swap3A, %swap3A_51] : memref<2500x256xf32, #tpu.memory_space<vmem>>, vector<2500x256xf32>
    tpu.vector_store %arg11[%swap3A, %swap3A_51], %add3A_50 {strides = array<i32>} : memref<2500x256xf32, #tpu.memory_space<vmem>>, vector<2500x256xf32>,
    %get3A_53 = arith.constant 0 : index
    %get3A_54 = arith.constant 0 : index
    %get3A_55 = vector.load %arg9[%get3A_53, %get3A_54] : memref<128x256xf32, #tpu.memory_space<vmem>>, vector<128x256xf32>
    %dot_general3A_56 = arith.constant dense<0.000000e+00> : vector<2500x256xf32>
    %dot_general3A_57 = tpu.matmul %get3A_1, %get3A_55, %dot_general3A_56 {dimension_numbers = #tpu.dot_dimension_numbers<[1], [0], [0], [1], [0, 0, 1, 1], [], []>, transpose_lhs_hint = false} : vector<2500x128xf32>, vector<128x256xf32>, vector<2500x256xf32> -> vector<2500x256xf32>
    %swap3A_58 = arith.constant 0 : index
    %swap3A_59 = arith.constant 0 : index
    %swap3A_60 = vector.load %arg12[%swap3A_58, %swap3A_59] : memref<2500x256xf32, #tpu.memory_space<vmem>>, vector<2500x256xf32>
    tpu.vector_store %arg12[%swap3A_58, %swap3A_59], %dot_general3A_57 {strides = array<i32>} : memref<2500x256xf32, #tpu.memory_space<vmem>>, vector<2500x256xf32>,
    return
  }
}

module attributes {stable_mosaic.version = 14 : i64} {
  func.func @_edge_body(%arg0: i32, %arg1: memref<6400x128xbf16, #tpu.memory_space<vmem>>, %arg2: memref<400x16xf32, #tpu.memory_space<vmem>>, %arg3: memref<400x16xf32, #tpu.memory_space<vmem>>, %arg4: memref<400x256xf32, #tpu.memory_space<vmem>>, %arg5: memref<2x16xf32, #tpu.memory_space<vmem>>, %arg6: memref<160x256xf32, #tpu.memory_space<vmem>>, %arg7: memref<1x256xf32, #tpu.memory_space<vmem>>, %arg8: memref<1x256xf32, #tpu.memory_space<vmem>>, %arg9: memref<1x256xf32, #tpu.memory_space<vmem>>, %arg10: memref<256x512xf32, #tpu.memory_space<vmem>>, %arg11: memref<1x512xf32, #tpu.memory_space<vmem>>, %arg12: memref<1x512xf32, #tpu.memory_space<vmem>>, %arg13: memref<1x512xf32, #tpu.memory_space<vmem>>, %arg14: memref<512x256xf32, #tpu.memory_space<vmem>>, %arg15: memref<1x256xf32, #tpu.memory_space<vmem>>, %arg16: memref<1x256xf32, #tpu.memory_space<vmem>>, %arg17: memref<1x256xf32, #tpu.memory_space<vmem>>, %arg18: memref<256x256xf32, #tpu.memory_space<vmem>>, %arg19: memref<1x256xf32, #tpu.memory_space<vmem>>, %arg20: memref<1x256xf32, #tpu.memory_space<vmem>>, %arg21: memref<1x256xf32, #tpu.memory_space<vmem>>, %arg22: memref<400x256xf32, #tpu.memory_space<vmem>>) attributes {dimension_semantics = [#tpu.dimension_semantics<arbitrary>], iteration_bounds = array<i64: 25>, scalar_prefetch = 0 : i64, scratch_operands = 0 : i64, tpu.core_type = #tpu.core_type<tc>, window_params = [{transform_indices = @transform_0, window_bounds = array<i64: 6400, 128>}, {transform_indices = @transform_1, window_bounds = array<i64: 400, 16>}, {transform_indices = @transform_2, window_bounds = array<i64: 400, 16>}, {transform_indices = @transform_3, window_bounds = array<i64: 400, 256>}, {pipeline_mode = #tpu.pipeline_mode<synchronous>, transform_indices = @transform_4, window_bounds = array<i64: 2, 16>}, {pipeline_mode = #tpu.pipeline_mode<synchronous>, transform_indices = @transform_5, window_bounds = array<i64: 160, 256>}, {pipeline_mode = #tpu.pipeline_mode<synchronous>, transform_indices = @transform_6, window_bounds = array<i64: 1, 256>}, {pipeline_mode = #tpu.pipeline_mode<synchronous>, transform_indices = @transform_7, window_bounds = array<i64: 1, 256>}, {pipeline_mode = #tpu.pipeline_mode<synchronous>, transform_indices = @transform_8, window_bounds = array<i64: 1, 256>}, {pipeline_mode = #tpu.pipeline_mode<synchronous>, transform_indices = @transform_9, window_bounds = array<i64: 256, 512>}, {pipeline_mode = #tpu.pipeline_mode<synchronous>, transform_indices = @transform_10, window_bounds = array<i64: 1, 512>}, {pipeline_mode = #tpu.pipeline_mode<synchronous>, transform_indices = @transform_11, window_bounds = array<i64: 1, 512>}, {pipeline_mode = #tpu.pipeline_mode<synchronous>, transform_indices = @transform_12, window_bounds = array<i64: 1, 512>}, {pipeline_mode = #tpu.pipeline_mode<synchronous>, transform_indices = @transform_13, window_bounds = array<i64: 512, 256>}, {pipeline_mode = #tpu.pipeline_mode<synchronous>, transform_indices = @transform_14, window_bounds = array<i64: 1, 256>}, {pipeline_mode = #tpu.pipeline_mode<synchronous>, transform_indices = @transform_15, window_bounds = array<i64: 1, 256>}, {pipeline_mode = #tpu.pipeline_mode<synchronous>, transform_indices = @transform_16, window_bounds = array<i64: 1, 256>}, {pipeline_mode = #tpu.pipeline_mode<synchronous>, transform_indices = @transform_17, window_bounds = array<i64: 256, 256>}, {pipeline_mode = #tpu.pipeline_mode<synchronous>, transform_indices = @transform_18, window_bounds = array<i64: 1, 256>}, {pipeline_mode = #tpu.pipeline_mode<synchronous>, transform_indices = @transform_19, window_bounds = array<i64: 1, 256>}, {pipeline_mode = #tpu.pipeline_mode<synchronous>, transform_indices = @transform_20, window_bounds = array<i64: 1, 256>}, {transform_indices = @transform_21, window_bounds = array<i64: 400, 256>}]} {
    %get3A = arith.constant 0 : index
    %get3A_0 = arith.constant 0 : index
    %get3A_1 = vector.load %arg2[%get3A, %get3A_0] : memref<400x16xf32, #tpu.memory_space<vmem>>, vector<400x16xf32>
    %max3A = arith.constant 1.000000e-30 : f32
    %max3A_2 = vector.broadcast %max3A : f32 to vector<400x16xf32>
    %max3A_3 = arith.maximumf %get3A_1, %max3A_2 : vector<400x16xf32>
    %sqrt3A = math.sqrt %max3A_3 : vector<400x16xf32>
    %get3A_4 = arith.constant 0 : index
    %get3A_5 = arith.constant 0 : index
    %get3A_6 = vector.load %arg3[%get3A_4, %get3A_5] : memref<400x16xf32, #tpu.memory_space<vmem>>, vector<400x16xf32>
    %div3A = arith.divf %get3A_6, %sqrt3A : vector<400x16xf32>
    %get3A_7 = arith.constant 0 : index
    %get3A_8 = arith.constant 0 : index
    %get3A_9 = vector.load %arg5[%get3A_7, %get3A_8] : memref<2x16xf32, #tpu.memory_space<vmem>>, vector<1x16xf32>
    %reshape3A = vector.shape_cast %get3A_9 : vector<1x16xf32> to vector<1x1x16xf32>
    %get3A_10 = arith.constant 1 : index
    %get3A_11 = arith.constant 0 : index
    %get3A_12 = vector.load %arg5[%get3A_10, %get3A_11] : memref<2x16xf32, #tpu.memory_space<vmem>>, vector<1x16xf32>
    %reshape3A_13 = vector.shape_cast %get3A_12 : vector<1x16xf32> to vector<1x1x16xf32>
    %broadcast_in_dim3A = vector.shape_cast %sqrt3A : vector<400x16xf32> to vector<400x16x1xf32>
    %sub3A = vector.broadcast %broadcast_in_dim3A : vector<400x16x1xf32> to vector<400x16x16xf32>
    %sub3A_14 = vector.broadcast %reshape3A : vector<1x1x16xf32> to vector<400x16x16xf32>
    %sub3A_15 = arith.subf %sub3A, %sub3A_14 : vector<400x16x16xf32>
    %div3A_16 = arith.constant 5.000000e-01 : f32
    %div3A_17 = vector.broadcast %div3A_16 : f32 to vector<400x16x16xf32>
    %div3A_18 = arith.divf %sub3A_15, %div3A_17 : vector<400x16x16xf32>
    %integer_pow3A = arith.mulf %div3A_18, %div3A_18 : vector<400x16x16xf32>
    %neg3A = arith.constant 0.000000e+00 : f32
    %neg3A_19 = vector.broadcast %neg3A : f32 to vector<400x16x16xf32>
    %neg3A_20 = arith.subf %neg3A_19, %integer_pow3A : vector<400x16x16xf32>
    %exp3A = math.exp %neg3A_20 : vector<400x16x16xf32>
    %reshape3A_21 = vector.shape_cast %exp3A : vector<400x16x16xf32> to vector<6400x16xf32>
    %broadcast_in_dim3A_22 = vector.shape_cast %div3A : vector<400x16xf32> to vector<400x16x1xf32>
    %sub3A_23 = vector.broadcast %broadcast_in_dim3A_22 : vector<400x16x1xf32> to vector<400x16x16xf32>
    %sub3A_24 = vector.broadcast %reshape3A_13 : vector<1x1x16xf32> to vector<400x16x16xf32>
    %sub3A_25 = arith.subf %sub3A_23, %sub3A_24 : vector<400x16x16xf32>
    %div3A_26 = arith.constant 1.250000e-01 : f32
    %div3A_27 = vector.broadcast %div3A_26 : f32 to vector<400x16x16xf32>
    %div3A_28 = arith.divf %sub3A_25, %div3A_27 : vector<400x16x16xf32>
    %integer_pow3A_29 = arith.mulf %div3A_28, %div3A_28 : vector<400x16x16xf32>
    %neg3A_30 = arith.constant 0.000000e+00 : f32
    %neg3A_31 = vector.broadcast %neg3A_30 : f32 to vector<400x16x16xf32>
    %neg3A_32 = arith.subf %neg3A_31, %integer_pow3A_29 : vector<400x16x16xf32>
    %exp3A_33 = math.exp %neg3A_32 : vector<400x16x16xf32>
    %reshape3A_34 = vector.shape_cast %exp3A_33 : vector<400x16x16xf32> to vector<6400x16xf32>
    %concatenate3A = tpu.concatenate %reshape3A_21, %reshape3A_34 in 1 : vector<6400x16xf32>, vector<6400x16xf32> -> vector<6400x32xf32>
    %get3A_35 = arith.constant 0 : index
    %get3A_36 = arith.constant 0 : index
    %get3A_37 = vector.load %arg1[%get3A_35, %get3A_36] : memref<6400x128xbf16, #tpu.memory_space<vmem>>, vector<6400x128xbf16>
    %get3A_38 = arith.constant 0 : index
    %get3A_39 = arith.constant 0 : index
    %get3A_40 = vector.load %arg6[%get3A_38, %get3A_39] : memref<160x256xf32, #tpu.memory_space<vmem>>, vector<128x256xf32>
    %convert_element_type3A = arith.truncf %get3A_40 : vector<128x256xf32> to vector<128x256xbf16>
    %dot_general3A = arith.constant dense<0.000000e+00> : vector<6400x256xf32>
    %dot_general3A_41 = tpu.matmul %get3A_37, %convert_element_type3A, %dot_general3A {dimension_numbers = #tpu.dot_dimension_numbers<[1], [0], [0], [1], [0, 0, 1, 1], [], []>, transpose_lhs_hint = false} : vector<6400x128xbf16>, vector<128x256xbf16>, vector<6400x256xf32> -> vector<6400x256xf32>
    %get3A_42 = arith.constant 128 : index
    %get3A_43 = arith.constant 0 : index
    %get3A_44 = vector.load %arg6[%get3A_42, %get3A_43] : memref<160x256xf32, #tpu.memory_space<vmem>>, vector<32x256xf32>
    %dot_general3A_45 = arith.constant dense<0.000000e+00> : vector<6400x256xf32>
    %dot_general3A_46 = tpu.matmul %concatenate3A, %get3A_44, %dot_general3A_45 {dimension_numbers = #tpu.dot_dimension_numbers<[1], [0], [0], [1], [0, 0, 1, 1], [], []>, transpose_lhs_hint = false} : vector<6400x32xf32>, vector<32x256xf32>, vector<6400x256xf32> -> vector<6400x256xf32>
    %add3A = arith.addf %dot_general3A_41, %dot_general3A_46 : vector<6400x256xf32>
    %get3A_47 = arith.constant 0 : index
    %get3A_48 = arith.constant 0 : index
    %get3A_49 = vector.load %arg7[%get3A_47, %get3A_48] : memref<1x256xf32, #tpu.memory_space<vmem>>, vector<1x256xf32>
    %add3A_50 = vector.broadcast %get3A_49 : vector<1x256xf32> to vector<6400x256xf32>
    %add3A_51 = arith.addf %add3A, %add3A_50 : vector<6400x256xf32>
    %get3A_52 = arith.constant 0 : index
    %get3A_53 = arith.constant 0 : index
    %get3A_54 = vector.load %arg8[%get3A_52, %get3A_53] : memref<1x256xf32, #tpu.memory_space<vmem>>, vector<1x256xf32>
    %get3A_55 = arith.constant 0 : index
    %get3A_56 = arith.constant 0 : index
    %get3A_57 = vector.load %arg9[%get3A_55, %get3A_56] : memref<1x256xf32, #tpu.memory_space<vmem>>, vector<1x256xf32>
    %sqrt3A_58 = arith.constant 1.000010e+00 : f32
    %sqrt3A_59 = math.sqrt %sqrt3A_58 : f32
    %div3A_60 = vector.broadcast %sqrt3A_59 : f32 to vector<6400x256xf32>
    %div3A_61 = arith.divf %add3A_51, %div3A_60 : vector<6400x256xf32>
    %mul3A = vector.broadcast %get3A_54 : vector<1x256xf32> to vector<6400x256xf32>
    %mul3A_62 = arith.mulf %div3A_61, %mul3A : vector<6400x256xf32>
    %add3A_63 = vector.broadcast %get3A_57 : vector<1x256xf32> to vector<6400x256xf32>
    %add3A_64 = arith.addf %mul3A_62, %add3A_63 : vector<6400x256xf32>
    %logistic3A = arith.negf %add3A_64 : vector<6400x256xf32>
    %logistic3A_65 = math.exp %logistic3A : vector<6400x256xf32>
    %logistic3A_66 = arith.constant 1.000000e+00 : f32
    %logistic3A_67 = vector.broadcast %logistic3A_66 : f32 to vector<6400x256xf32>
    %logistic3A_68 = arith.addf %logistic3A_67, %logistic3A_65 : vector<6400x256xf32>
    %logistic3A_69 = arith.divf %logistic3A_67, %logistic3A_68 : vector<6400x256xf32>
    %mul3A_70 = arith.mulf %add3A_64, %logistic3A_69 : vector<6400x256xf32>
    %convert_element_type3A_71 = arith.truncf %mul3A_70 : vector<6400x256xf32> to vector<6400x256xbf16>
    %get3A_72 = arith.constant 0 : index
    %get3A_73 = arith.constant 0 : index
    %get3A_74 = vector.load %arg10[%get3A_72, %get3A_73] : memref<256x512xf32, #tpu.memory_space<vmem>>, vector<256x512xf32>
    %convert_element_type3A_75 = arith.truncf %get3A_74 : vector<256x512xf32> to vector<256x512xbf16>
    %dot_general3A_76 = arith.constant dense<0.000000e+00> : vector<6400x512xf32>
    %dot_general3A_77 = tpu.matmul %convert_element_type3A_71, %convert_element_type3A_75, %dot_general3A_76 {dimension_numbers = #tpu.dot_dimension_numbers<[1], [0], [0], [1], [0, 0, 1, 1], [], []>, transpose_lhs_hint = false} : vector<6400x256xbf16>, vector<256x512xbf16>, vector<6400x512xf32> -> vector<6400x512xf32>
    %get3A_78 = arith.constant 0 : index
    %get3A_79 = arith.constant 0 : index
    %get3A_80 = vector.load %arg11[%get3A_78, %get3A_79] : memref<1x512xf32, #tpu.memory_space<vmem>>, vector<1x512xf32>
    %add3A_81 = vector.broadcast %get3A_80 : vector<1x512xf32> to vector<6400x512xf32>
    %add3A_82 = arith.addf %dot_general3A_77, %add3A_81 : vector<6400x512xf32>
    %get3A_83 = arith.constant 0 : index
    %get3A_84 = arith.constant 0 : index
    %get3A_85 = vector.load %arg12[%get3A_83, %get3A_84] : memref<1x512xf32, #tpu.memory_space<vmem>>, vector<1x512xf32>
    %get3A_86 = arith.constant 0 : index
    %get3A_87 = arith.constant 0 : index
    %get3A_88 = vector.load %arg13[%get3A_86, %get3A_87] : memref<1x512xf32, #tpu.memory_space<vmem>>, vector<1x512xf32>
    %sqrt3A_89 = arith.constant 1.000010e+00 : f32
    %sqrt3A_90 = math.sqrt %sqrt3A_89 : f32
    %div3A_91 = vector.broadcast %sqrt3A_90 : f32 to vector<6400x512xf32>
    %div3A_92 = arith.divf %add3A_82, %div3A_91 : vector<6400x512xf32>
    %mul3A_93 = vector.broadcast %get3A_85 : vector<1x512xf32> to vector<6400x512xf32>
    %mul3A_94 = arith.mulf %div3A_92, %mul3A_93 : vector<6400x512xf32>
    %add3A_95 = vector.broadcast %get3A_88 : vector<1x512xf32> to vector<6400x512xf32>
    %add3A_96 = arith.addf %mul3A_94, %add3A_95 : vector<6400x512xf32>
    %slice3A = vector.extract_strided_slice %add3A_96 {offsets = [0, 0], sizes = [6400, 256], strides = [1, 1]} : vector<6400x512xf32> to vector<6400x256xf32>
    %slice3A_97 = vector.extract_strided_slice %add3A_96 {offsets = [0, 256], sizes = [6400, 256], strides = [1, 1]} : vector<6400x512xf32> to vector<6400x256xf32>
    %logistic3A_98 = arith.negf %slice3A : vector<6400x256xf32>
    %logistic3A_99 = math.exp %logistic3A_98 : vector<6400x256xf32>
    %logistic3A_100 = arith.constant 1.000000e+00 : f32
    %logistic3A_101 = vector.broadcast %logistic3A_100 : f32 to vector<6400x256xf32>
    %logistic3A_102 = arith.addf %logistic3A_101, %logistic3A_99 : vector<6400x256xf32>
    %logistic3A_103 = arith.divf %logistic3A_101, %logistic3A_102 : vector<6400x256xf32>
    %custom_jvp_call3A = arith.constant 0.000000e+00 : f32
    %max3A_104 = vector.broadcast %custom_jvp_call3A : f32 to vector<6400x256xf32>
    %max3A_105 = arith.maximumf %slice3A_97, %max3A_104 : vector<6400x256xf32>
    %sub3A_106 = vector.broadcast %custom_jvp_call3A : f32 to vector<6400x256xf32>
    %sub3A_107 = arith.subf %slice3A_97, %sub3A_106 : vector<6400x256xf32>
    %ne3A = arith.cmpf one, %sub3A_107, %sub3A_107 : vector<6400x256xf32>
    %add3A_108 = vector.broadcast %custom_jvp_call3A : f32 to vector<6400x256xf32>
    %add3A_109 = arith.addf %slice3A_97, %add3A_108 : vector<6400x256xf32>
    %abs3A = math.absf %sub3A_107 : vector<6400x256xf32>
    %neg3A_110 = arith.constant 0.000000e+00 : f32
    %neg3A_111 = vector.broadcast %neg3A_110 : f32 to vector<6400x256xf32>
    %neg3A_112 = arith.subf %neg3A_111, %abs3A : vector<6400x256xf32>
    %exp3A_113 = math.exp %neg3A_112 : vector<6400x256xf32>
    %log1p3A = math.log1p %exp3A_113 : vector<6400x256xf32>
    %add3A_114 = arith.addf %max3A_105, %log1p3A : vector<6400x256xf32>
    %select_n3A = arith.select %ne3A, %add3A_109, %add3A_114 : vector<6400x256xi1>, vector<6400x256xf32>
    %mul3A_115 = arith.mulf %logistic3A_103, %select_n3A : vector<6400x256xf32>
    %reshape3A_116 = vector.shape_cast %mul3A_115 : vector<6400x256xf32> to vector<400x16x256xf32>
    %reduce_sum3A = arith.constant dense<0.000000e+00> : vector<400x256xf32>
    %reduce_sum3A_117 = vector.multi_reduction <add>, %reshape3A_116, %reduce_sum3A [1] : vector<400x16x256xf32> to vector<400x256xf32>
    %get3A_118 = arith.constant 0 : index
    %get3A_119 = arith.constant 0 : index
    %get3A_120 = vector.load %arg4[%get3A_118, %get3A_119] : memref<400x256xf32, #tpu.memory_space<vmem>>, vector<400x256xf32>
    %concatenate3A_121 = tpu.concatenate %reduce_sum3A_117, %get3A_120 in 1 : vector<400x256xf32>, vector<400x256xf32> -> vector<400x512xf32>
    %get3A_122 = arith.constant 0 : index
    %get3A_123 = arith.constant 0 : index
    %get3A_124 = vector.load %arg14[%get3A_122, %get3A_123] : memref<512x256xf32, #tpu.memory_space<vmem>>, vector<512x256xf32>
    %dot_general3A_125 = arith.constant dense<0.000000e+00> : vector<400x256xf32>
    %dot_general3A_126 = tpu.matmul %concatenate3A_121, %get3A_124, %dot_general3A_125 {dimension_numbers = #tpu.dot_dimension_numbers<[1], [0], [0], [1], [0, 0, 1, 1], [], []>, transpose_lhs_hint = false} : vector<400x512xf32>, vector<512x256xf32>, vector<400x256xf32> -> vector<400x256xf32>
    %get3A_127 = arith.constant 0 : index
    %get3A_128 = arith.constant 0 : index
    %get3A_129 = vector.load %arg15[%get3A_127, %get3A_128] : memref<1x256xf32, #tpu.memory_space<vmem>>, vector<1x256xf32>
    %add3A_130 = vector.broadcast %get3A_129 : vector<1x256xf32> to vector<400x256xf32>
    %add3A_131 = arith.addf %dot_general3A_126, %add3A_130 : vector<400x256xf32>
    %get3A_132 = arith.constant 0 : index
    %get3A_133 = arith.constant 0 : index
    %get3A_134 = vector.load %arg16[%get3A_132, %get3A_133] : memref<1x256xf32, #tpu.memory_space<vmem>>, vector<1x256xf32>
    %get3A_135 = arith.constant 0 : index
    %get3A_136 = arith.constant 0 : index
    %get3A_137 = vector.load %arg17[%get3A_135, %get3A_136] : memref<1x256xf32, #tpu.memory_space<vmem>>, vector<1x256xf32>
    %sqrt3A_138 = arith.constant 1.000010e+00 : f32
    %sqrt3A_139 = math.sqrt %sqrt3A_138 : f32
    %div3A_140 = vector.broadcast %sqrt3A_139 : f32 to vector<400x256xf32>
    %div3A_141 = arith.divf %add3A_131, %div3A_140 : vector<400x256xf32>
    %mul3A_142 = vector.broadcast %get3A_134 : vector<1x256xf32> to vector<400x256xf32>
    %mul3A_143 = arith.mulf %div3A_141, %mul3A_142 : vector<400x256xf32>
    %add3A_144 = vector.broadcast %get3A_137 : vector<1x256xf32> to vector<400x256xf32>
    %add3A_145 = arith.addf %mul3A_143, %add3A_144 : vector<400x256xf32>
    %logistic3A_146 = arith.negf %add3A_145 : vector<400x256xf32>
    %logistic3A_147 = math.exp %logistic3A_146 : vector<400x256xf32>
    %logistic3A_148 = arith.constant 1.000000e+00 : f32
    %logistic3A_149 = vector.broadcast %logistic3A_148 : f32 to vector<400x256xf32>
    %logistic3A_150 = arith.addf %logistic3A_149, %logistic3A_147 : vector<400x256xf32>
    %logistic3A_151 = arith.divf %logistic3A_149, %logistic3A_150 : vector<400x256xf32>
    %mul3A_152 = arith.mulf %add3A_145, %logistic3A_151 : vector<400x256xf32>
    %get3A_153 = arith.constant 0 : index
    %get3A_154 = arith.constant 0 : index
    %get3A_155 = vector.load %arg18[%get3A_153, %get3A_154] : memref<256x256xf32, #tpu.memory_space<vmem>>, vector<256x256xf32>
    %dot_general3A_156 = arith.constant dense<0.000000e+00> : vector<400x256xf32>
    %dot_general3A_157 = tpu.matmul %mul3A_152, %get3A_155, %dot_general3A_156 {dimension_numbers = #tpu.dot_dimension_numbers<[1], [0], [0], [1], [0, 0, 1, 1], [], []>, transpose_lhs_hint = false} : vector<400x256xf32>, vector<256x256xf32>, vector<400x256xf32> -> vector<400x256xf32>
    %get3A_158 = arith.constant 0 : index
    %get3A_159 = arith.constant 0 : index
    %get3A_160 = vector.load %arg19[%get3A_158, %get3A_159] : memref<1x256xf32, #tpu.memory_space<vmem>>, vector<1x256xf32>
    %add3A_161 = vector.broadcast %get3A_160 : vector<1x256xf32> to vector<400x256xf32>
    %add3A_162 = arith.addf %dot_general3A_157, %add3A_161 : vector<400x256xf32>
    %get3A_163 = arith.constant 0 : index
    %get3A_164 = arith.constant 0 : index
    %get3A_165 = vector.load %arg20[%get3A_163, %get3A_164] : memref<1x256xf32, #tpu.memory_space<vmem>>, vector<1x256xf32>
    %get3A_166 = arith.constant 0 : index
    %get3A_167 = arith.constant 0 : index
    %get3A_168 = vector.load %arg21[%get3A_166, %get3A_167] : memref<1x256xf32, #tpu.memory_space<vmem>>, vector<1x256xf32>
    %sqrt3A_169 = arith.constant 1.000010e+00 : f32
    %sqrt3A_170 = math.sqrt %sqrt3A_169 : f32
    %div3A_171 = vector.broadcast %sqrt3A_170 : f32 to vector<400x256xf32>
    %div3A_172 = arith.divf %add3A_162, %div3A_171 : vector<400x256xf32>
    %mul3A_173 = vector.broadcast %get3A_165 : vector<1x256xf32> to vector<400x256xf32>
    %mul3A_174 = arith.mulf %div3A_172, %mul3A_173 : vector<400x256xf32>
    %add3A_175 = vector.broadcast %get3A_168 : vector<1x256xf32> to vector<400x256xf32>
    %add3A_176 = arith.addf %mul3A_174, %add3A_175 : vector<400x256xf32>
    %swap3A = arith.constant 0 : index
    %swap3A_177 = arith.constant 0 : index
    %swap3A_178 = vector.load %arg22[%swap3A, %swap3A_177] : memref<400x256xf32, #tpu.memory_space<vmem>>, vector<400x256xf32>
    tpu.vector_store %arg22[%swap3A, %swap3A_177], %add3A_176 {strides = array<i32>} : memref<400x256xf32, #tpu.memory_space<vmem>>, vector<400x256xf32>,
    return
  }
  func.func @transform_0(%arg0: i32) -> (i32, i32) {
    %c0_i32 = arith.constant 0 : i32
    %c0_i32_0 = arith.constant 0 : i32
    return %arg0, %c0_i32 : i32, i32
  }
  func.func @transform_1(%arg0: i32) -> (i32, i32) {
    %c0_i32 = arith.constant 0 : i32
    %c0_i32_0 = arith.constant 0 : i32
    return %arg0, %c0_i32 : i32, i32
  }
  func.func @transform_2(%arg0: i32) -> (i32, i32) {
    %c0_i32 = arith.constant 0 : i32
    %c0_i32_0 = arith.constant 0 : i32
    return %arg0, %c0_i32 : i32, i32
  }
  func.func @transform_3(%arg0: i32) -> (i32, i32) {
    %c0_i32 = arith.constant 0 : i32
    %c0_i32_0 = arith.constant 0 : i32
    return %arg0, %c0_i32 : i32, i32
  }
  func.func @transform_4(%arg0: i32) -> (i32, i32) {
    %c0_i32 = arith.constant 0 : i32
    %c0_i32_0 = arith.constant 0 : i32
    %c0_i32_1 = arith.constant 0 : i32
    return %c0_i32, %c0_i32_0 : i32, i32
  }
  func.func @transform_5(%arg0: i32) -> (i32, i32) {
    %c0_i32 = arith.constant 0 : i32
    %c0_i32_0 = arith.constant 0 : i32
    %c0_i32_1 = arith.constant 0 : i32
    return %c0_i32, %c0_i32_0 : i32, i32
  }
  func.func @transform_6(%arg0: i32) -> (i32, i32) {
    %c0_i32 = arith.constant 0 : i32
    %c0_i32_0 = arith.constant 0 : i32
    %c0_i32_1 = arith.constant 0 : i32
    return %c0_i32, %c0_i32_0 : i32, i32
  }
  func.func @transform_7(%arg0: i32) -> (i32, i32) {
    %c0_i32 = arith.constant 0 : i32
    %c0_i32_0 = arith.constant 0 : i32
    %c0_i32_1 = arith.constant 0 : i32
    return %c0_i32, %c0_i32_0 : i32, i32
  }
  func.func @transform_8(%arg0: i32) -> (i32, i32) {
    %c0_i32 = arith.constant 0 : i32
    %c0_i32_0 = arith.constant 0 : i32
    %c0_i32_1 = arith.constant 0 : i32
    return %c0_i32, %c0_i32_0 : i32, i32
  }
  func.func @transform_9(%arg0: i32) -> (i32, i32) {
    %c0_i32 = arith.constant 0 : i32
    %c0_i32_0 = arith.constant 0 : i32
    %c0_i32_1 = arith.constant 0 : i32
    return %c0_i32, %c0_i32_0 : i32, i32
  }
  func.func @transform_10(%arg0: i32) -> (i32, i32) {
    %c0_i32 = arith.constant 0 : i32
    %c0_i32_0 = arith.constant 0 : i32
    %c0_i32_1 = arith.constant 0 : i32
    return %c0_i32, %c0_i32_0 : i32, i32
  }
  func.func @transform_11(%arg0: i32) -> (i32, i32) {
    %c0_i32 = arith.constant 0 : i32
    %c0_i32_0 = arith.constant 0 : i32
    %c0_i32_1 = arith.constant 0 : i32
    return %c0_i32, %c0_i32_0 : i32, i32
  }
  func.func @transform_12(%arg0: i32) -> (i32, i32) {
    %c0_i32 = arith.constant 0 : i32
    %c0_i32_0 = arith.constant 0 : i32
    %c0_i32_1 = arith.constant 0 : i32
    return %c0_i32, %c0_i32_0 : i32, i32
  }
  func.func @transform_13(%arg0: i32) -> (i32, i32) {
    %c0_i32 = arith.constant 0 : i32
    %c0_i32_0 = arith.constant 0 : i32
    %c0_i32_1 = arith.constant 0 : i32
    return %c0_i32, %c0_i32_0 : i32, i32
  }
  func.func @transform_14(%arg0: i32) -> (i32, i32) {
    %c0_i32 = arith.constant 0 : i32
    %c0_i32_0 = arith.constant 0 : i32
    %c0_i32_1 = arith.constant 0 : i32
    return %c0_i32, %c0_i32_0 : i32, i32
  }
  func.func @transform_15(%arg0: i32) -> (i32, i32) {
    %c0_i32 = arith.constant 0 : i32
    %c0_i32_0 = arith.constant 0 : i32
    %c0_i32_1 = arith.constant 0 : i32
    return %c0_i32, %c0_i32_0 : i32, i32
  }
  func.func @transform_16(%arg0: i32) -> (i32, i32) {
    %c0_i32 = arith.constant 0 : i32
    %c0_i32_0 = arith.constant 0 : i32
    %c0_i32_1 = arith.constant 0 : i32
    return %c0_i32, %c0_i32_0 : i32, i32
  }
  func.func @transform_17(%arg0: i32) -> (i32, i32) {
    %c0_i32 = arith.constant 0 : i32
    %c0_i32_0 = arith.constant 0 : i32
    %c0_i32_1 = arith.constant 0 : i32
    return %c0_i32, %c0_i32_0 : i32, i32
  }
  func.func @transform_18(%arg0: i32) -> (i32, i32) {
    %c0_i32 = arith.constant 0 : i32
    %c0_i32_0 = arith.constant 0 : i32
    %c0_i32_1 = arith.constant 0 : i32
    return %c0_i32, %c0_i32_0 : i32, i32
  }
  func.func @transform_19(%arg0: i32) -> (i32, i32) {
    %c0_i32 = arith.constant 0 : i32
    %c0_i32_0 = arith.constant 0 : i32
    %c0_i32_1 = arith.constant 0 : i32
    return %c0_i32, %c0_i32_0 : i32, i32
  }
  func.func @transform_20(%arg0: i32) -> (i32, i32) {
    %c0_i32 = arith.constant 0 : i32
    %c0_i32_0 = arith.constant 0 : i32
    %c0_i32_1 = arith.constant 0 : i32
    return %c0_i32, %c0_i32_0 : i32, i32
  }
  func.func @transform_21(%arg0: i32) -> (i32, i32) {
    %c0_i32 = arith.constant 0 : i32
    %c0_i32_0 = arith.constant 0 : i32
    return %arg0, %c0_i32 : i32, i32
  }
}

</mosaic_0001>

<sc_bundles>
// kernel: gather_offload_async_start.1
scs
__scs_entry_jumppad:
0x0: {  	(pc) =	sbr.rel $0x88, $3  }
0x1: {  	(tag) =	ssettag $0x0;
	lr =	simm.s32 $0x1  }
0x2: {  	[smem:$0x3F7D] =	sst lr;
	_ =	strace $0xD0000000  }
0x3: {  	_ = 	snop  }
0x4: {  	_ = 	snop  }
0x5: {  	_ = 	snop  }
0x6: {  	_ = 	snop  }
0x7: {  	_ = 	snop  }
__scs_overlays_trampoline_lowered:
0x8: {  	[smem:$0x3F8C] =	sst s0  }
0x9: {  	[smem:$0x3F8D] =	sst s1  }
0xa: {  	[smem:$0x3F8E] =	sst s2  }
0xb: {  	[smem:$0x3F8F] =	sst s3  }
0xc: {  	[smem:$0x3F90] =	sst s4  }
0xd: {  	[smem:$0x3F91] =	sst s5  }
0xe: {  	[smem:$0x3F92] =	sst s6  }
0xf: {  	[smem:$0x3F93] =	sst s7  }
0x10: {  	[smem:$0x3F94] =	sst s8  }
0x11: {  	[smem:$0x3F95] =	sst s9;
	s0 =	simm.s32 @!p0 $0x0  }
0x12: {  	s1 =	sld [smem:$0x3F7B];
	s0 =	simm.s32 @p0 $0x1  }
0x13: {  	[smem:$0x3F96] =	sst s0;
	s0 =	simm.s32 @!p1 $0x0  }
0x14: {  	s2 =	sld [smem:$0x3F7A];
	s0 =	simm.s32 @p1 $0x1  }
0x15: {  	[smem:$0x3F97] =	sst s0;
	s0 =	simm.s32 @!p2 $0x0  }
0x16: {  	s3 =	sld [smem:$0x3FDB];
	s0 =	simm.s32 @p2 $0x1  }
0x17: {  	s4 =	simm.s32 $0x1BF5;
	[smem:$0x3F99] =	sst s0  }
0x18: {  	s0 =	sld [smem:$0x3F7C];
	_ =	swait.ge [sflag:s4], $0x0  }
0x19: {  	s7 =	sld [smem:$0x3F7D]  }
0x1a: {  	s8 =	sadd.s32 $0xFFFFE003, lr  }
0x1b: {  	s9 =	sadd.s32 $0xFFFFFEF7, lr;
	s5 =	simm.s32 $0xFFFFFFFF;
	p2 =	slt.u32 s8, $0xFFFFF086  }
0x1c: {  	p1 =	slt.u32 s9, $0xF7A;
	s5 =	simm.s32 @!p2 $0x0  }
0x1d: {  	s5 =	simm.s32 @p1 $0x1;
	p0 =	seq.s32 s7, s2  }
0x1e: {  	s7 =	smul.u32 @!p0 $0xF7A, s2;
	p2 =	seq.s32 @!p0 s5, $0x0  }
0x1f: {  	s9 =	smul.u32 $0xF7A, s1;
	s8 =	simm.s32 @!p0 $0x1BF5;
	p2 =	por !p2, p0  }
0x20: {  	[sflag:s8] =	ssyncset.s32 @!p0 $0xFFFFF086;
	s6 =	sadd.s32 @!p0 s3, s7;
	s7 =	simm.s32 @!p0 $0x108  }
0x21: {  	s3 =	sadd.s32 s3, s9;
	s6 =	sadd.s32 @!p0 $0x88, s6;
	s7 =	simm.s32 @p2 $0x1082  }
0x22: {  	[simem:s7], [sflag:s8] =	dma.local @!p0 [hbm:s6], $0xF7A  }
0x23: {  	s9 =	sor.u32 $0xD0000000, s2;
	s6 =	simm.s32 $0x108;
	_ =	swait.ge @!p0 [sflag:s8], $0x0  }
0x24: {  	s3 =	sadd.s32 $0x88, s3;
	s6 =	simm.s32 @!p1 $0x1082;
	[sflag:s4] =	ssyncset.s32 $0xFFFFF086  }
0x25: {  	[simem:s6], [sflag:s4] =	dma.local [hbm:s3], $0xF7A  }
0x26: {  	[smem:$0x3F7D] =	sst s1;
	(tag) =	ssettag s2;
	_ =	strace s9  }
0x27: {  	s1 =	sld [smem:$0x3F8D]  }
0x28: {  	s2 =	sld [smem:$0x3F8E]  }
0x29: {  	s4 =	sld [smem:$0x3F90]  }
0x2a: {  	p0 =	seq.s32 s5, $0x0;
	s5 =	sld [smem:$0x3F91]  }
0x2b: {  	s6 =	sld [smem:$0x3F92]  }
0x2c: {  	s7 =	sld [smem:$0x3F93]  }
0x2d: {  	s3 =	simm.s32 $0x108;
	s8 =	sld [smem:$0x3F94]  }
0x2e: {  	s3 =	simm.s32 @!p0 $0x1082;
	s9 =	sld [smem:$0x3F95]  }
0x2f: {  	lr =	sadd.s32 s0, s3;
	s0 =	sld [smem:$0x3F8C]  }
0x30: {  	s3 =	sld [smem:$0x3F8F]  }
0x31: {  	[smem:$0x3F98] =	sst s10  }
0x32: {  	s10 =	sld [smem:$0x3F96];
	_ =	sdelay $0x3  }
0x33: {  	p0 =	seq.s32 s10, $0x1;
	s10 =	sld [smem:$0x3F98];
	_ =	sdelay $0x3  }
0x34: {  	[smem:$0x3F98] =	sst s10  }
0x35: {  	s10 =	sld [smem:$0x3F97];
	_ =	sdelay $0x3  }
0x36: {  	p1 =	seq.s32 s10, $0x1;
	s10 =	sld [smem:$0x3F98];
	_ =	sdelay $0x3  }
0x37: {  	[smem:$0x3F98] =	sst s10  }
0x38: {  	s10 =	sld [smem:$0x3F99]  }
0x39: {  	_ = 	snop;
	(pc) =	sbr.ind lr, $3  }
0x3a: {  	_ = 	snop  }
0x3b: {  	_ = 	snop  }
0x3c: {  	p2 =	seq.s32 s10, $0x1;
	s10 =	sld [smem:$0x3F98]  }
0x3d: {  	_ =	shalt  }
0x3e: {  	_ =	shalt  }
0x3f: {  	_ =	shalt  }
0x40: {  	_ =	shalt  }
0x41: {  	_ =	shalt  }
0x42: {  	_ =	shalt  }
0x43: {  	_ =	shalt  }
0x44: {  	_ =	shalt  }
0x45: {  	_ =	shalt  }
0x46: {  	_ =	shalt  }
0x47: {  	_ =	shalt  }
0x48: {  	_ =	shalt  }
0x49: {  	_ =	shalt  }
0x4a: {  	_ =	shalt  }
0x4b: {  	_ =	shalt  }
0x4c: {  	_ =	shalt  }
0x4d: {  	_ =	shalt  }
0x4e: {  	_ =	shalt  }
0x4f: {  	_ =	shalt  }
0x50: {  	_ =	shalt  }
0x51: {  	_ =	shalt  }
0x52: {  	_ =	shalt  }
0x53: {  	_ =	shalt  }
0x54: {  	_ =	shalt  }
0x55: {  	_ =	shalt  }
0x56: {  	_ =	shalt  }
0x57: {  	_ =	shalt  }
0x58: {  	_ =	shalt  }
0x59: {  	_ =	shalt  }
0x5a: {  	_ =	shalt  }
0x5b: {  	_ =	shalt  }
0x5c: {  	_ =	shalt  }
0x5d: {  	_ =	shalt  }
0x5e: {  	_ =	shalt  }
0x5f: {  	_ =	shalt  }
0x60: {  	_ =	shalt  }
0x61: {  	_ =	shalt  }
0x62: {  	_ =	shalt  }
0x63: {  	_ =	shalt  }
0x64: {  	_ =	shalt  }
0x65: {  	_ =	shalt  }
0x66: {  	_ =	shalt  }
0x67: {  	_ =	shalt  }
0x68: {  	_ =	shalt  }
0x69: {  	_ =	shalt  }
0x6a: {  	_ =	shalt  }
0x6b: {  	_ =	shalt  }
0x6c: {  	_ =	shalt  }
0x6d: {  	_ =	shalt  }
0x6e: {  	_ =	shalt  }
0x6f: {  	_ =	shalt  }
0x70: {  	_ =	shalt  }
0x71: {  	_ =	shalt  }
0x72: {  	_ =	shalt  }
0x73: {  	_ =	shalt  }
0x74: {  	_ =	shalt  }
0x75: {  	_ =	shalt  }
0x76: {  	_ =	shalt  }
0x77: {  	_ =	shalt  }
0x78: {  	_ =	shalt  }
0x79: {  	_ =	shalt  }
0x7a: {  	_ =	shalt  }
0x7b: {  	_ =	shalt  }
0x7c: {  	_ =	shalt  }
0x7d: {  	_ =	shalt  }
0x7e: {  	_ =	shalt  }
0x7f: {  	_ =	shalt  }
0x80: {  	_ =	shalt  }
0x81: {  	_ =	shalt  }
0x82: {  	_ =	shalt  }
0x83: {  	_ =	shalt  }
0x84: {  	_ =	shalt  }
0x85: {  	_ =	shalt  }
0x86: {  	_ =	shalt  }
0x87: {  	_ =	shalt  }
.Lfunc_end0:
.L_simem_size_0:
called_computation.3_lowered:
.L_overlay_start_0:
0x88: {  	s2 =	sld [smem:$0x3FD9]  }
0x89: {  	s3 =	sld [smem:$0x3FFE];
	_ =	sdelay $0x1  }
0x8a: {  	s1 =	srdreg.scid  }
0x8b: {  	s0 =	sand.u32 $0x1, s1  }
0x8c: {  	s16 =	sshll.u32 s0, $0xA;
	s2 =	sadd.s32 s3, s2  }
0x8d: {  	s2 =	sadd.s32 s2, s16  }
0x8e: {  	[smem:$0x3FA4] =	sst s2  }
0x8f: {  	_ = 	snop  }
0x90: {  	(tm) =	ssettm $0x1  }
0x91: {  	s17 =	sld [smem:$0x3FFB];
	_ =	sdelay $0x3  }
0x92: {  	_ =	strace s17  }
0x93: {  	s2 =	sld [smem:$0x3FFC];
	_ =	sdelay $0x3  }
0x94: {  	_ =	strace s2  }
0x95: {  	s2 =	sld [smem:$0x3FFD];
	_ =	sdelay $0x3  }
0x96: {  	_ =	strace s2  }
0x97: {  	_ =	strace $0x8FFFFFFF  }
0x98: {  	s18 =	sld [smem:$0x3FDB];
	_ =	sdelay $0x1  }
0x99: {  	s19 =	simm.s32 $_scs_section_size  }
0x9a: {  	s4 =	simm.s32 $_size__tile_overlayer_lowered;
	s5 =	simm.s32 $_tile_overlayer_lowered  }
0x9b: {  	s22 =	simm.s32 $0x1BFF;
	s21 =	sshll.u32 s5, $0x1;
	s2 =	sadd.s32 s19, s18  }
0x9c: {  	s6 =	simm.s32 $0x0;
	s20 =	sshll.u32 s4, $0x1;
	s4 =	sadd.s32 s21, s2  }
0x9d: {  	[timem:s6], [sflag:s22] =	dma.local [hbm:s4], s20  }
0x9e: {  	_ =	swait.ge [sflag:s22], s20  }
0x9f: {  	s3 =	ssub.s32 $0x0, s20;
	[sflag:s22] =	ssyncset.done $0x0  }
0xa0: {  	[sflag:s22] =	ssyncadd.s32 s3;
	_ =	sdelay $0x1  }
0xa1: {  	s23 =	simm.s32 $0x1B8B  }
0xa2: {  	_ =	swait.ge [sflag:s23], $0x1  }
0xa3: {  	[sflag:s23] =	ssyncset.done $0x0  }
0xa4: {  	s25 =	simm.s32 $0x1B8E;
	s24 =	sld [smem:$0x3FFE];
	[sflag:s23] =	ssyncadd.s32 $0xFFFFFFFF  }
0xa5: {  	s26 =	simm.s32 $execute0_lowered;
	[smem:$0x3FD2] =	sst s25  }
0xa6: {  	s4 =	sshll.u32 s26, $0x1;
	_ =	strace $0x80000046;
	[dreg:$0x1] =	wrdreg $0xFFFFFFFF  }
0xa7: {  	s28 =	simm.s32 $_size_execute0_lowered;
	s2 =	sadd.s32 s2, s4;
	[dreg:$0x0] =	wrdreg $0x0  }
0xa8: {  	s4 =	sshll.u32 s28, $0x1;
	[dreg:$0x2] =	wrdreg s2  }
0xa9: {  	[dreg:$0x3] =	wrdreg s4  }
0xaa: {  	[dreg:$0x4] =	wrdreg $0xC0  }
0xab: {  	_ =	task [dreg:s6], $0x5FFFF  }
0xac: {  	[dreg:$0x1] =	wrdreg $0xFFFFFFFF  }
0xad: {  	[dreg:$0x0] =	wrdreg $0x60  }
0xae: {  	[dreg:$0x2] =	wrdreg s24  }
0xaf: {  	[dreg:$0x3] =	wrdreg $0xA  }
0xb0: {  	_ =	task.clear_ibuf [dreg:s6], $0x4FFFF;
	_ =	strace $0x90000046  }
0xb1: {  	s29 =	simm.s32 $0xA;
	_ =	strace $0x80000048  }
0xb2: {  	_ =	swait.ge [sflag:s29], $0x1  }
0xb3: {  	[sflag:s29] =	ssyncadd.s32 $0xFFFFFFFF  }
0xb4: {  	_ =	strace $0x90000048  }
0xb5: {  	_ =	sfence  }
0xb6: {  	s30 =	sld [smem:$0x0];
	_ =	sdelay $0x2  }
0xb7: {  	s31 =	sshll.u32 s1, $0xD;
	s1 =	sshrl.u32 s1, $0x2  }
0xb8: {  	s3 =	sand.u32 $0x4000, s31;
	s1 =	sadd.s32 s1, s30  }
0xb9: {  	s0 =	sor.u32 s3, s0;
	s1 =	sshll.u32 s1, $0x11  }
0xba: {  	s0 =	sor.u32 s1, s0  }
0xbb: {  	s0 =	sadd.s32 $0x8F2B, s0  }
0xbc: {  	[sflag:s0] =	ssyncadd.remote.s32 $0x1  }
0xbd: {  	_ =	sfence.sel $0xFFFF  }
0xbe: {  	[dreg:$0x0] =	wrdreg $0xFFFFFFFF;
	(pc) =	sbr.abs _section_cstart, $3  }
0xbf: {  	[dreg:$0x1] =	wrdreg $0xFFFFFFFF  }
0xc0: {  	_ =	task.clear_ibuf [dreg:s6], $0x2FFFF;
	_ =	strace $0x9FFFFFFF  }
0xc1: {  	(tm) =	ssettm $0x7FFFFFFF  }
tec
execute0_lowered:
.L_overlay_start_1:
0x0: {  	(tag) =	ssettag $0x1  }
0x1: {  	s0 =	srdreg.scid;
	s5 =	rddreg [dreg:$0x0]  }
0x2: {  	s1 =	stileid.u32;
	s6 =	simm.s32 $0x1;
	s9 =	simm.s32 $0x1  }
0x3: {  	s10 =	simm.s32 $0x3;
	s13 =	simm.s32 $0x0;
	s2 =	sshll.u32 s0, $0x6  }
0x4: {  	s12 =	simm.s32 $0x0;
	s3 =	sshll.u32 s1, $0x7;
	s2 =	sand.u32 $0x40, s2  }
0x5: {  	s0 =	rddreg [dreg:$0x1];
	_ =	strace $0x80000047;
	s2 =	sor.u32 s3, s2  }
0x6: {  	s4 =	sadd.s32 $0x7400, s5;
	[sflag:s6] =	ssyncpa.u1 $0x0;
	s8 =	ssub.s32 $0xA00, s2  }
.Ltmp0:
0x7: {  	s3 =	sadd.s32 $0x7600, s5;
	s7 =	sand.u32 $0x7C0, s8;
	(pc) =	sbr.rel .LBB2_1-.Ltmp0, $4  }
0x8: {  	s5 =	sadd.s32 $0x7800, s5;
	s11 =	smov.u32 s2;
	p0 =	sne.s32 s7, $0x0  }
0x9: {  	s8 =	sshrl.u32 s8, $0xB;
	s7 =	simm.s32 $0x2;
	s9 =	simm.s32 @!p0 $0x0  }
0xa: {  	[sflag:s7] =	ssyncpa.u1 $0x0;
	p0 =	por $0x0, $0x0;
	s8 =	sadd.s32 s9, s8  }
0xb: {  	vm0 =	vmmov $0xffff;
	[sflag:s10] =	ssyncpa.u1 $0x0;
	s10 =	simm.s32 $0x0;
	s9 =	sadd.s32 $0x1, s8  }
.LBB2_4:
0xc: {  	v2 =	vnsel vm1, $0x0, v2  }
0xd: {  	vm1 =	vgt.s32 v0, $0x0;
	v2 =	vmin.u32 v2, $0x9FF  }
0xe: {  	v0 =	vnsel vm1, $0x0, v0  }
0xf: {  	v0 =	vmin.u32 v0, $0x9FF  }
0x10: {  	[tilespmem:s15], [sflag:$0x1] =	stream.indirect_vreg.gather [hbm4b:s3+s10], $0x1, v1, vm0, $0x4038;
	[tilespmem:$0x100] =	vst v63  }
0x11: {  	(ifvalue) =	ssetifvalue $0x7FFFFFFF  }
0x12: {  	[tilespmem:s16], [sflag:$0x1] =	stream.indirect_vreg.gather [hbm4b:s3+s10], $0x1, v2, vm0, $0x4038;
	[tilespmem:$0x100] =	vst v63  }
0x13: {  	s29 =	sadd.s32 $0x10, s16;
	(ifvalue) =	ssetifvalue $0x7FFFFFFF  }
0x14: {  	[tilespmem:s29], [sflag:$0x1] =	stream.indirect_vreg.gather [hbm4b:s3+s10], $0x1, v0, vm0, $0x4038;
	[tilespmem:$0x100] =	vst v63  }
0x15: {  	_ =	swait.ge [sflag:s6], $0x40  }
0x16: {  	s30 =	sshrl.u32 s13, $0x3;
	[sflag:s6] =	ssyncset.done $0x0  }
0x17: {  	s31 =	sand.u32 $0x7, s13;
	s15 =	sadd.s32 s5, s30;
	[sflag:s6] =	ssyncadd.s32 $0xFFFFFFC0  }
0x18: {  	[hbm4b:s15+s31] =	stream.linear.scatter [tilespmem:s14], [sflag:$0x3], $0x40, $0x38;
	[tilespmem:$0x100] =	vst v63  }
.LBB2_5:
0x19: {  	s15 =	sadd.s32 $0x800, s11  }
0x1a: {  	p2 =	sgt.s32 s15, $0x9FF  }
0x1b: {  	s15 =	smov.u32 @p2 s2;
	p2 =	sne.s32 s12, s9  }
.Ltmp1:
0x1c: {  	p1 =	slt.u32 s12, $0x2;
	(pc) =	sbr.rel @!p2 .LBB2_6-.Ltmp1, $4  }
0x1d: {  	s14 =	simm.s32 @!p1 $0x3  }
0x1e: {  	s16 =	sadd.s32 $0x1, s12;
	_ =	swait.ge @!p1 [sflag:s14], $0x40  }
0x1f: {  	s13 =	smov.u32 s11;
	p0 =	por !p0, !p0;
	[sflag:s14] =	ssyncset.done @!p1 $0x0  }
0x20: {  	s12 =	smov.u32 s16;
	s11 =	smov.u32 s15;
	[sflag:s14] =	ssyncadd.s32 @!p1 $0xFFFFFFC0  }
.LBB2_1:
0x21: {  	p1 =	sge.u32 s12, s8  }
0x22: {  	s14 =	sxor.u32 @!p1 $0xFFFFFFFF, s12  }
0x23: {  	s31 =	sadd.s32 $0xFFFFFFFF, s12;
	s15 =	sshrl.u32 @!p1 s11, $0x3;
	s14 =	sshll.u32 @!p1 s14, $0x6  }
0x24: {  	s16 =	sand.u32 @!p1 $0x7, s11;
	s15 =	sadd.s32 @!p1 s4, s15;
	s14 =	sand.u32 @!p1 $0x40, s14  }
0x25: {  	[tilespmem:s14], [sflag:$0x2] =	stream.linear.gather @!p1 [hbm4b:s15+s16], $0x40, $0x38;
	[tilespmem:$0x100] =	vst v63  }
0x26: {  	p1 =	sge.u32 s31, s8  }
.Ltmp2:
0x27: {  	_ = 	snop;
	(pc) =	sbr.rel @p1 .LBB2_5-.Ltmp2, $1  }
0x28: {  	_ =	sdelay $0x3  }
0x29: {  	s14 =	simm.s32 $0x1  }
0x2a: {  	_ =	swait.ge [sflag:s7], $0x40;
	s14 =	simm.s32 @!p0 $0x0  }
0x2b: {  	[sflag:s7] =	ssyncset.done $0x0;
	s14 =	sshll.u32 s14, $0x6  }
0x2c: {  	[sflag:s7] =	ssyncadd.s32 $0xFFFFFFC0;
	(ifvalue) =	ssetifvalue $0x7FFFFFFF;
	v0 =	vld.msk [tilespmem:s14+$0x0 ss:$0x1], $0xffff;
	_ =	sdelay $0x4  }
0x2d: {  	s15 =	sadd.s32 $0x10, s14;
	vm1 =	vgt.s32 v0, $0x0  }
0x2e: {  	v2 =	vld.msk [tilespmem:s15+$0x0 ss:$0x1], $0xffff;
	v1 =	vnsel vm1, $0x0, v0  }
0x2f: {  	v1 =	vmin.u32 v1, $0x9FF;
	_ =	sdelay $0x1  }
0x30: {  	s16 =	sshll.u32 s12, $0x6;
	s18 =	simm.s32 $0x20  }
0x31: {  	s16 =	sand.u32 $0x40, s16;
	s17 =	sadd.s32 $0x10, s15;
	s15 =	sor.u32 $0x80, s14  }
0x32: {  	s14 =	sor.u32 $0x80, s16;
	s16 =	sadd.s32 $0x10, s15;
	v0 =	vld.msk [tilespmem:s17+$0x0 ss:$0x1], $0xffff;
	vm1 =	vgt.s32 v2, $0x0;
	(ifvalue) =	ssetifvalue $0x7FFFFFFF  }
.LBB2_3:
0x33: {  	[tilespmem:s15], [sflag:$0x1] =	stream.indirect_vreg.gather [hbm4b:s3+s10], $0x1, v1, vm0, $0x4038;
	[tilespmem:$0x100] =	vst v63  }
0x34: {  	s18 =	sadd.s32 $0x10, s18  }
0x35: {  	v2 =	vnsel vm1, $0x0, v2;
	p1 =	slt.u32 s18, $0x30  }
.Ltmp3:
0x36: {  	s15 =	smov.u32 s16;
	v1 =	vmin.u32 v2, $0x9FF;
	(pc) =	sbr.rel @p1 .LBB2_3-.Ltmp3, $3  }
0x37: {  	_ =	sdelay $0x1  }
0x38: {  	s17 =	sadd.s32 $0x10, s17  }
0x39: {  	vm1 =	vgt.s32 v0, $0x0;
	s16 =	sadd.s32 $0x10, s16;
	v2 =	vmov v0;
	(ifvalue) =	ssetifvalue $0x7FFFFFFF;
	v0 =	vld.msk [tilespmem:s17+$0x0 ss:$0x1], $0xffff  }
.Ltmp4:
0x3a: {  	_ = 	snop;
	(pc) =	sbr.rel .LBB2_4-.Ltmp4, $1  }
0x3b: {  	_ =	sdelay $0x3  }
.LBB2_6:
0x3c: {  	_ =	sfence.sel $0x180000  }
0x3d: {  	s2 =	simm.s32 $0x2;
	[bflag:$0x0] =	sbarrier.arrive $0xFFFF  }
0x3e: {  	s30 =	simm.s32 $0x3;
	[sflag:s2] =	ssyncpa.u1 $0x1  }
0x3f: {  	s31 =	simm.s32 $0x1;
	[sflag:s30] =	ssyncpa.u1 $0x1  }
0x40: {  	[sflag:s31] =	ssyncpa.u1 $0x1  }
0x41: {  	p0 =	sne.s32 s1, $0x0;
	_ =	strace $0x90000047  }
0x42: {  	s0 =	sadd.s32 @!p0 $0x100000, s0;
	[bflag:$0x2] =	sbarrier.arrive $0xFFFF  }
0x43: {  	[sflag:s0] =	ssyncadd.tile.s32 @!p0 $0x1;
	_ =	shalt  }
.Lfunc_end2:
_tile_overlayer_lowered:
.L_overlay_start_2:
0x44: {  	(tag) =	ssettag $0x2  }
0x45: {  	s0 =	rddreg [dreg:$0x0];
	s2 =	stileid.u32  }
0x46: {  	s1 =	rddreg [dreg:$0x1];
	p0 =	sne.s32 s2, $0x0  }
0x47: {  	s3 =	rddreg [dreg:$0x2];
	[bflag:$0x3] =	sbarrier.arrive $0xFFFF;
	s2 =	simm.s32 @!p0 $0x1C01  }
0x48: {  	[timem:s3], [sflag:s2] =	dma.local @!p0 [hbm:s0], s1  }
0x49: {  	s0 =	simm.s32 @!p0 $0x1  }
0x4a: {  	_ =	swait.ge @!p0 [sflag:s0], s1  }
0x4b: {  	s1 =	ssub.s32 @!p0 $0x0, s1;
	[sflag:s0] =	ssyncset.done @!p0 $0x0  }
0x4c: {  	[sflag:s0] =	ssyncadd.s32 @!p0 s1  }
0x4d: {  	[bflag:$0x3] =	sbarrier.arrive $0xFFFF  }
0x4e: {  	_ =	shalt  }

// kernel: gather_offload_async_start
scs
__scs_entry_jumppad:
0x0: {  	(pc) =	sbr.rel $0x88, $3  }
0x1: {  	(tag) =	ssettag $0x0;
	lr =	simm.s32 $0x1  }
0x2: {  	[smem:$0x3F7D] =	sst lr;
	_ =	strace $0xD0000000  }
0x3: {  	_ = 	snop  }
0x4: {  	_ = 	snop  }
0x5: {  	_ = 	snop  }
0x6: {  	_ = 	snop  }
0x7: {  	_ = 	snop  }
__scs_overlays_trampoline_lowered:
0x8: {  	[smem:$0x3F8C] =	sst s0  }
0x9: {  	[smem:$0x3F8D] =	sst s1  }
0xa: {  	[smem:$0x3F8E] =	sst s2  }
0xb: {  	[smem:$0x3F8F] =	sst s3  }
0xc: {  	[smem:$0x3F90] =	sst s4  }
0xd: {  	[smem:$0x3F91] =	sst s5  }
0xe: {  	[smem:$0x3F92] =	sst s6  }
0xf: {  	[smem:$0x3F93] =	sst s7  }
0x10: {  	[smem:$0x3F94] =	sst s8  }
0x11: {  	[smem:$0x3F95] =	sst s9;
	s0 =	simm.s32 @!p0 $0x0  }
0x12: {  	s1 =	sld [smem:$0x3F7B];
	s0 =	simm.s32 @p0 $0x1  }
0x13: {  	[smem:$0x3F96] =	sst s0;
	s0 =	simm.s32 @!p1 $0x0  }
0x14: {  	s2 =	sld [smem:$0x3F7A];
	s0 =	simm.s32 @p1 $0x1  }
0x15: {  	[smem:$0x3F97] =	sst s0;
	s0 =	simm.s32 @!p2 $0x0  }
0x16: {  	s3 =	sld [smem:$0x3FDB];
	s0 =	simm.s32 @p2 $0x1  }
0x17: {  	s4 =	simm.s32 $0x1BF5;
	[smem:$0x3F99] =	sst s0  }
0x18: {  	s0 =	sld [smem:$0x3F7C];
	_ =	swait.ge [sflag:s4], $0x0  }
0x19: {  	s7 =	sld [smem:$0x3F7D]  }
0x1a: {  	s8 =	sadd.s32 $0xFFFFE003, lr  }
0x1b: {  	s9 =	sadd.s32 $0xFFFFFEF7, lr;
	s5 =	simm.s32 $0xFFFFFFFF;
	p2 =	slt.u32 s8, $0xFFFFF086  }
0x1c: {  	p1 =	slt.u32 s9, $0xF7A;
	s5 =	simm.s32 @!p2 $0x0  }
0x1d: {  	s5 =	simm.s32 @p1 $0x1;
	p0 =	seq.s32 s7, s2  }
0x1e: {  	s7 =	smul.u32 @!p0 $0xF7A, s2;
	p2 =	seq.s32 @!p0 s5, $0x0  }
0x1f: {  	s9 =	smul.u32 $0xF7A, s1;
	s8 =	simm.s32 @!p0 $0x1BF5;
	p2 =	por !p2, p0  }
0x20: {  	[sflag:s8] =	ssyncset.s32 @!p0 $0xFFFFF086;
	s6 =	sadd.s32 @!p0 s3, s7;
	s7 =	simm.s32 @!p0 $0x108  }
0x21: {  	s3 =	sadd.s32 s3, s9;
	s6 =	sadd.s32 @!p0 $0x88, s6;
	s7 =	simm.s32 @p2 $0x1082  }
0x22: {  	[simem:s7], [sflag:s8] =	dma.local @!p0 [hbm:s6], $0xF7A  }
0x23: {  	s9 =	sor.u32 $0xD0000000, s2;
	s6 =	simm.s32 $0x108;
	_ =	swait.ge @!p0 [sflag:s8], $0x0  }
0x24: {  	s3 =	sadd.s32 $0x88, s3;
	s6 =	simm.s32 @!p1 $0x1082;
	[sflag:s4] =	ssyncset.s32 $0xFFFFF086  }
0x25: {  	[simem:s6], [sflag:s4] =	dma.local [hbm:s3], $0xF7A  }
0x26: {  	[smem:$0x3F7D] =	sst s1;
	(tag) =	ssettag s2;
	_ =	strace s9  }
0x27: {  	s1 =	sld [smem:$0x3F8D]  }
0x28: {  	s2 =	sld [smem:$0x3F8E]  }
0x29: {  	s4 =	sld [smem:$0x3F90]  }
0x2a: {  	p0 =	seq.s32 s5, $0x0;
	s5 =	sld [smem:$0x3F91]  }
0x2b: {  	s6 =	sld [smem:$0x3F92]  }
0x2c: {  	s7 =	sld [smem:$0x3F93]  }
0x2d: {  	s3 =	simm.s32 $0x108;
	s8 =	sld [smem:$0x3F94]  }
0x2e: {  	s3 =	simm.s32 @!p0 $0x1082;
	s9 =	sld [smem:$0x3F95]  }
0x2f: {  	lr =	sadd.s32 s0, s3;
	s0 =	sld [smem:$0x3F8C]  }
0x30: {  	s3 =	sld [smem:$0x3F8F]  }
0x31: {  	[smem:$0x3F98] =	sst s10  }
0x32: {  	s10 =	sld [smem:$0x3F96];
	_ =	sdelay $0x3  }
0x33: {  	p0 =	seq.s32 s10, $0x1;
	s10 =	sld [smem:$0x3F98];
	_ =	sdelay $0x3  }
0x34: {  	[smem:$0x3F98] =	sst s10  }
0x35: {  	s10 =	sld [smem:$0x3F97];
	_ =	sdelay $0x3  }
0x36: {  	p1 =	seq.s32 s10, $0x1;
	s10 =	sld [smem:$0x3F98];
	_ =	sdelay $0x3  }
0x37: {  	[smem:$0x3F98] =	sst s10  }
0x38: {  	s10 =	sld [smem:$0x3F99]  }
0x39: {  	_ = 	snop;
	(pc) =	sbr.ind lr, $3  }
0x3a: {  	_ = 	snop  }
0x3b: {  	_ = 	snop  }
0x3c: {  	p2 =	seq.s32 s10, $0x1;
	s10 =	sld [smem:$0x3F98]  }
0x3d: {  	_ =	shalt  }
0x3e: {  	_ =	shalt  }
0x3f: {  	_ =	shalt  }
0x40: {  	_ =	shalt  }
0x41: {  	_ =	shalt  }
0x42: {  	_ =	shalt  }
0x43: {  	_ =	shalt  }
0x44: {  	_ =	shalt  }
0x45: {  	_ =	shalt  }
0x46: {  	_ =	shalt  }
0x47: {  	_ =	shalt  }
0x48: {  	_ =	shalt  }
0x49: {  	_ =	shalt  }
0x4a: {  	_ =	shalt  }
0x4b: {  	_ =	shalt  }
0x4c: {  	_ =	shalt  }
0x4d: {  	_ =	shalt  }
0x4e: {  	_ =	shalt  }
0x4f: {  	_ =	shalt  }
0x50: {  	_ =	shalt  }
0x51: {  	_ =	shalt  }
0x52: {  	_ =	shalt  }
0x53: {  	_ =	shalt  }
0x54: {  	_ =	shalt  }
0x55: {  	_ =	shalt  }
0x56: {  	_ =	shalt  }
0x57: {  	_ =	shalt  }
0x58: {  	_ =	shalt  }
0x59: {  	_ =	shalt  }
0x5a: {  	_ =	shalt  }
0x5b: {  	_ =	shalt  }
0x5c: {  	_ =	shalt  }
0x5d: {  	_ =	shalt  }
0x5e: {  	_ =	shalt  }
0x5f: {  	_ =	shalt  }
0x60: {  	_ =	shalt  }
0x61: {  	_ =	shalt  }
0x62: {  	_ =	shalt  }
0x63: {  	_ =	shalt  }
0x64: {  	_ =	shalt  }
0x65: {  	_ =	shalt  }
0x66: {  	_ =	shalt  }
0x67: {  	_ =	shalt  }
0x68: {  	_ =	shalt  }
0x69: {  	_ =	shalt  }
0x6a: {  	_ =	shalt  }
0x6b: {  	_ =	shalt  }
0x6c: {  	_ =	shalt  }
0x6d: {  	_ =	shalt  }
0x6e: {  	_ =	shalt  }
0x6f: {  	_ =	shalt  }
0x70: {  	_ =	shalt  }
0x71: {  	_ =	shalt  }
0x72: {  	_ =	shalt  }
0x73: {  	_ =	shalt  }
0x74: {  	_ =	shalt  }
0x75: {  	_ =	shalt  }
0x76: {  	_ =	shalt  }
0x77: {  	_ =	shalt  }
0x78: {  	_ =	shalt  }
0x79: {  	_ =	shalt  }
0x7a: {  	_ =	shalt  }
0x7b: {  	_ =	shalt  }
0x7c: {  	_ =	shalt  }
0x7d: {  	_ =	shalt  }
0x7e: {  	_ =	shalt  }
0x7f: {  	_ =	shalt  }
0x80: {  	_ =	shalt  }
0x81: {  	_ =	shalt  }
0x82: {  	_ =	shalt  }
0x83: {  	_ =	shalt  }
0x84: {  	_ =	shalt  }
0x85: {  	_ =	shalt  }
0x86: {  	_ =	shalt  }
0x87: {  	_ =	shalt  }
.Lfunc_end0:
.L_simem_size_0:
called_computation.2_lowered:
.L_overlay_start_0:
0x88: {  	s2 =	sld [smem:$0x3FD9]  }
0x89: {  	s3 =	sld [smem:$0x3FFE];
	_ =	sdelay $0x1  }
0x8a: {  	s1 =	srdreg.scid  }
0x8b: {  	s0 =	sand.u32 $0x1, s1  }
0x8c: {  	s15 =	sshll.u32 s0, $0xA;
	s2 =	sadd.s32 s3, s2  }
0x8d: {  	s2 =	sadd.s32 s2, s15  }
0x8e: {  	[smem:$0x3FA4] =	sst s2  }
0x8f: {  	_ = 	snop  }
0x90: {  	s2 =	sld [smem:$0x3FD0];
	_ =	sdelay $0x2  }
0x91: {  	s4 =	simm.s32 $0xB;
	s16 =	simm.s32 $0x10  }
0x92: {  	[smem:s16], [sflag:s4] =	dma.local [hbm:s2], $0x1  }
0x93: {  	_ =	swait.eq [sflag:s4], $0x1  }
0x94: {  	[sflag:s4] =	ssyncset.done $0x0  }
0x95: {  	s17 =	sld [smem:$0x10];
	[sflag:s4] =	ssyncadd.s32 $0xFFFFFFFF  }
0x96: {  	s18 =	sld [smem:$0x11];
	(tm) =	ssettm $0x1  }
0x97: {  	s19 =	sld [smem:$0x3FFB];
	_ =	sdelay $0x3  }
0x98: {  	_ =	strace s19  }
0x99: {  	s2 =	sld [smem:$0x3FFC];
	_ =	sdelay $0x3  }
0x9a: {  	_ =	strace s2  }
0x9b: {  	s2 =	sld [smem:$0x3FFD];
	_ =	sdelay $0x3  }
0x9c: {  	_ =	strace s2  }
0x9d: {  	_ =	strace $0x8FFFFFFF  }
0x9e: {  	s20 =	sld [smem:$0x3FDB];
	_ =	sdelay $0x1  }
0x9f: {  	s5 =	simm.s32 $_scs_section_size  }
0xa0: {  	s6 =	simm.s32 $_size__tile_overlayer_lowered;
	s7 =	simm.s32 $_tile_overlayer_lowered  }
0xa1: {  	s8 =	simm.s32 $0x1BFF;
	s21 =	sshll.u32 s7, $0x1;
	s5 =	sadd.s32 s5, s20  }
0xa2: {  	s22 =	simm.s32 $0x0;
	s6 =	sshll.u32 s6, $0x1;
	s7 =	sadd.s32 s21, s5  }
0xa3: {  	[timem:s22], [sflag:s8] =	dma.local [hbm:s7], s6  }
0xa4: {  	_ =	swait.ge [sflag:s8], s6  }
0xa5: {  	s6 =	ssub.s32 $0x0, s6;
	[sflag:s8] =	ssyncset.done $0x0  }
0xa6: {  	[sflag:s8] =	ssyncadd.s32 s6;
	_ =	sdelay $0x1  }
0xa7: {  	s23 =	simm.s32 $0x1B8B  }
0xa8: {  	_ =	swait.ge [sflag:s23], $0x1  }
0xa9: {  	[sflag:s23] =	ssyncset.done $0x0  }
0xaa: {  	[sflag:s23] =	ssyncadd.s32 $0xFFFFFFFF  }
0xab: {  	s6 =	sld [smem:$0x0]  }
0xac: {  	s7 =	sand.u32 $0xFFFFFFFE, s1  }
0xad: {  	p0 =	sne.s32 s1, s7  }
0xae: {  	s7 =	sshll.u32 @p0 s7, $0xE  }
0xaf: {  	s7 =	sadd.s32 @p0 $0x11B8D, s7;
	s8 =	sshll.u32 @p0 s6, $0x11  }
0xb0: {  	s7 =	sor.u32 @p0 s8, s7  }
0xb1: {  	[sflag:s7] =	ssyncadd.remote.s32 @p0 $0x1;
	_ =	sdelay $0x1  }
0xb2: {  	s7 =	simm.s32 @p0 $0x1B8D  }
0xb3: {  	_ =	swait.eq @p0 [sflag:s7], $0x1  }
0xb4: {  	[sflag:s7] =	ssyncadd.s32 @p0 $0xFFFFFFFF  }
0xb5: {  	s8 =	sshll.u32 @!p0 s1, $0xE  }
0xb6: {  	s8 =	sor.u32 @!p0 $0x4000, s8;
	s7 =	simm.s32 @!p0 $0x1B8D  }
0xb7: {  	s6 =	sshll.u32 @!p0 s6, $0x11;
	s8 =	sadd.s32 @!p0 $0x11B8D, s8;
	_ =	swait.eq @!p0 [sflag:s7], $0x1  }
0xb8: {  	s6 =	sor.u32 @!p0 s6, s8;
	[sflag:s7] =	ssyncadd.s32 @!p0 $0xFFFFFFFF  }
0xb9: {  	s25 =	simm.s32 $0x1B8E;
	s24 =	sld [smem:$0x3FFE];
	[sflag:s6] =	ssyncadd.remote.s32 @!p0 $0x1  }
0xba: {  	s26 =	simm.s32 $execute0_lowered;
	[smem:$0x3FD2] =	sst s25  }
0xbb: {  	s7 =	sshll.u32 s26, $0x1;
	_ =	strace $0x80000049;
	[dreg:$0x1] =	wrdreg $0xFFFFFFFF  }
0xbc: {  	s28 =	simm.s32 $_size_execute0_lowered;
	s5 =	sadd.s32 s5, s7;
	[dreg:$0x0] =	wrdreg $0x0  }
0xbd: {  	s7 =	sshll.u32 s28, $0x1;
	[dreg:$0x2] =	wrdreg s5  }
0xbe: {  	[dreg:$0x3] =	wrdreg s7  }
0xbf: {  	[dreg:$0x4] =	wrdreg $0xC0  }
0xc0: {  	_ =	task [dreg:s22], $0x5FFFF  }
0xc1: {  	[dreg:$0x1] =	wrdreg $0xFFFFFFFF  }
0xc2: {  	[dreg:$0x0] =	wrdreg $0x60  }
0xc3: {  	[dreg:$0x2] =	wrdreg s18  }
0xc4: {  	[dreg:$0x3] =	wrdreg s24  }
0xc5: {  	[dreg:$0x4] =	wrdreg s17  }
0xc6: {  	[dreg:$0x5] =	wrdreg $0x9  }
0xc7: {  	_ =	task.clear_ibuf [dreg:s22], $0x6FFFF;
	_ =	strace $0x90000049  }
0xc8: {  	s29 =	simm.s32 $0x9;
	_ =	strace $0x8000004B  }
0xc9: {  	_ =	swait.ge [sflag:s29], $0x1  }
0xca: {  	[sflag:s29] =	ssyncadd.s32 $0xFFFFFFFF  }
0xcb: {  	_ =	strace $0x9000004B  }
0xcc: {  	_ =	sfence  }
0xcd: {  	s30 =	sld [smem:$0x0];
	_ =	sdelay $0x2  }
0xce: {  	s31 =	sshll.u32 s1, $0xD;
	s1 =	sshrl.u32 s1, $0x2  }
0xcf: {  	s4 =	sand.u32 $0x4000, s31;
	s1 =	sadd.s32 s1, s30  }
0xd0: {  	s0 =	sor.u32 s4, s0;
	s1 =	sshll.u32 s1, $0x11  }
0xd1: {  	s0 =	sor.u32 s1, s0  }
0xd2: {  	s0 =	sadd.s32 $0x8F2B, s0  }
0xd3: {  	[sflag:s0] =	ssyncadd.remote.s32 $0x1  }
0xd4: {  	_ =	sfence.sel $0xFFFF  }
0xd5: {  	[dreg:$0x0] =	wrdreg $0xFFFFFFFF;
	(pc) =	sbr.abs _section_cstart, $3  }
0xd6: {  	[dreg:$0x1] =	wrdreg $0xFFFFFFFF  }
0xd7: {  	_ =	task.clear_ibuf [dreg:s22], $0x2FFFF;
	_ =	strace $0x9FFFFFFF  }
0xd8: {  	(tm) =	ssettm $0x7FFFFFFF  }
0xd9: {  	_ =	shalt  }
tec
execute0_lowered:
.L_overlay_start_1:
0x0: {  	(tag) =	ssettag $0x1  }
0x1: {  	s0 =	srdreg.scid  }
0x2: {  	s1 =	sshll.u32 s0, $0x4  }
0x3: {  	s0 =	stileid.u32;
	s1 =	sand.u32 $0x10, s1  }
0x4: {  	s9 =	rddreg [dreg:$0x1];
	s1 =	sor.u32 s0, s1  }
0x5: {  	s4 =	rddreg [dreg:$0x2];
	s2 =	smin.u32 s1, $0x8  }
0x6: {  	p0 =	slt.u32 s1, $0x8;
	s3 =	sadd.s32 s1, s2;
	s1 =	simm.s32 $0x80  }
0x7: {  	s6 =	simm.s32 $0x1;
	s3 =	sshll.u32 s3, $0x6;
	s1 =	simm.s32 @!p0 $0x40  }
0x8: {  	s7 =	simm.s32 $0x2;
	s10 =	simm.s32 $0x3;
	s1 =	sadd.s32 s1, s3  }
0x9: {  	s13 =	simm.s32 $0x0;
	s12 =	simm.s32 $0x0;
	s5 =	smin.u32 s1, $0xA00  }
.Ltmp0:
0xa: {  	s2 =	rddreg [dreg:$0x0];
	s8 =	ssub.s32 s5, s3;
	(pc) =	sbr.rel .LBB2_1-.Ltmp0, $4  }
0xb: {  	s1 =	rddreg [dreg:$0x3];
	_ =	strace $0x8000004A;
	p0 =	sgt.s32 s8, $0x0  }
0xc: {  	s9 =	sadd.s32 $0x7400, s9;
	[sflag:s6] =	ssyncpa.u1 $0x0;
	s8 =	simm.s32 @!p0 $0x0  }
0xd: {  	s11 =	smov.u32 s3;
	[sflag:s7] =	ssyncpa.u1 $0x0;
	s8 =	sshrl.u32 s8, $0x6  }
0xe: {  	vm0 =	vmmov $0xff;
	vm1 =	vcmask $0x3F20;
	[sflag:s10] =	ssyncpa.u1 $0x0;
	p0 =	por $0x0, $0x0;
	s10 =	sadd.s32 $0x1, s8  }
.LBB2_6:
0xf: {  	[hbm:s17] =	stream.linear.scatter [tilespmem:s14], [sflag:$0x3], $0x400, $0x38;
	[tilespmem:$0x4080] =	vst v63  }
.LBB2_7:
0x10: {  	s13 =	sadd.s32 $0x40, s11  }
0x11: {  	s15 =	smov.u32 s3;
	p2 =	slt.s32 s13, s5  }
0x12: {  	s15 =	smov.u32 @p2 s13;
	p2 =	sne.s32 s12, s10  }
.Ltmp1:
0x13: {  	p1 =	slt.u32 s12, $0x2;
	(pc) =	sbr.rel @!p2 .LBB2_8-.Ltmp1, $4  }
0x14: {  	s14 =	simm.s32 @!p1 $0x3  }
0x15: {  	s16 =	sadd.s32 $0x1, s12;
	_ =	swait.ge @!p1 [sflag:s14], $0x2000  }
0x16: {  	p0 =	por !p0, !p0;
	s13 =	smov.u32 s11;
	[sflag:s14] =	ssyncset.done @!p1 $0x0  }
0x17: {  	s12 =	smov.u32 s16;
	s11 =	smov.u32 s15;
	[sflag:s14] =	ssyncadd.s32 @!p1 $0xFFFFE000  }
.LBB2_1:
0x18: {  	p1 =	sge.u32 s12, s8  }
0x19: {  	s14 =	sxor.u32 @!p1 $0xFFFFFFFF, s12  }
0x1a: {  	s31 =	sadd.s32 $0xFFFFFFFF, s12;
	s15 =	sshrl.u32 @!p1 s11, $0x3;
	s14 =	sshll.u32 @!p1 s14, $0x6  }
0x1b: {  	s16 =	sand.u32 @!p1 $0x7, s11;
	s15 =	sadd.s32 @!p1 s9, s15;
	s14 =	sand.u32 @!p1 $0x40, s14  }
0x1c: {  	[tilespmem:s14], [sflag:$0x2] =	stream.linear.gather @!p1 [hbm4b:s15+s16], $0x40, $0x38;
	[tilespmem:$0x4080] =	vst v63  }
0x1d: {  	p1 =	sge.u32 s31, s8  }
.Ltmp2:
0x1e: {  	_ = 	snop;
	(pc) =	sbr.rel @p1 .LBB2_7-.Ltmp2, $1  }
0x1f: {  	_ =	sdelay $0x3  }
0x20: {  	s14 =	simm.s32 $0x1  }
0x21: {  	_ =	swait.ge [sflag:s7], $0x40;
	s14 =	simm.s32 @!p0 $0x0  }
0x22: {  	[sflag:s7] =	ssyncset.done $0x0;
	s16 =	sshll.u32 s14, $0x6  }
0x23: {  	[sflag:s7] =	ssyncadd.s32 $0xFFFFFFC0;
	s15 =	sadd.s32 $0x0, s16  }
0x24: {  	v0 =	vld.msk [tilespmem:s15+$0x0 ss:$0x1], $0xffff;
	_ =	sdelay $0x4  }
0x25: {  	vm2 =	vgt.s32 v0, $0x0  }
0x26: {  	v0 =	vnsel vm2, $0x0, v0  }
0x27: {  	v0 =	vmin.u32 v0, $0x9FF  }
0x28: {  	v0 =	vshll.u32 v0, $0x4;
	_ =	sdelay $0x2  }
0x29: {  	s14 =	sshll.u32 s14, $0xD  }
0x2a: {  	s14 =	sor.u32 $0x80, s14  }
0x2b: {  	[tilespmem:s14], [sflag:$0x1] =	stream.indirect_vreg.gather [hbm:s2], $0x80, v0, vm0, $0x38;
	[tilespmem:$0x4080] =	vst v63  }
0x2c: {  	s17 =	sadd.s32 $0x10, s16;
	s15 =	sadd.s32 $0x400, s14  }
0x2d: {  	[tilespmem:s15], [sflag:$0x1] =	stream.indirect_vreg.gather [hbm:s2], $0x80, v0, vm1, $0x38;
	[tilespmem:$0x4080] =	vst v63  }
0x2e: {  	s18 =	simm.s32 $0x80;
	v0 =	vld.msk [tilespmem:s17+$0x0 ss:$0x1], $0xffff;
	s17 =	smov.u32 s14  }
.LBB2_3:
0x2f: {  	p1 =	sne.s32 s18, $0xC0;
	_ =	sdelay $0x4  }
0x30: {  	vm2 =	vgt.s32 v0, $0x0  }
0x31: {  	v0 =	vnsel vm2, $0x0, v0  }
0x32: {  	v0 =	vmin.u32 v0, $0x9FF  }
0x33: {  	v0 =	vshll.u32 v0, $0x4;
	_ =	sdelay $0x3  }
.Ltmp3:
0x34: {  	s19 =	sshra.s32 s18, $0x2;
	s17 =	sadd.s32 $0x800, s17;
	(pc) =	sbr.rel @p1 .LBB2_3-.Ltmp3, $4  }
0x35: {  	[tilespmem:s17], [sflag:$0x1] =	stream.indirect_vreg.gather [hbm:s2], $0x80, v0, vm0, $0x38;
	[tilespmem:$0x4080] =	vst v63  }
0x36: {  	s19 =	sadd.s32 s19, s16;
	s20 =	sadd.s32 $0x400, s17  }
0x37: {  	[tilespmem:s20], [sflag:$0x1] =	stream.indirect_vreg.gather [hbm:s2], $0x80, v0, vm1, $0x38;
	[tilespmem:$0x4080] =	vst v63  }
0x38: {  	s18 =	sadd.s32 $0x40, s18;
	v0 =	vld.msk [tilespmem:s19+$0x0 ss:$0x1], $0xffff  }
0x39: {  	_ =	sdelay $0x3  }
0x3a: {  	vm2 =	vgt.s32 v0, $0x0  }
0x3b: {  	v0 =	vnsel vm2, $0x0, v0  }
0x3c: {  	v0 =	vmin.u32 v0, $0x9FF  }
0x3d: {  	v0 =	vshll.u32 v0, $0x4;
	_ =	sdelay $0x3  }
0x3e: {  	s16 =	sadd.s32 $0x800, s17  }
0x3f: {  	[tilespmem:s16], [sflag:$0x1] =	stream.indirect_vreg.gather [hbm:s2], $0x80, v0, vm0, $0x38;
	[tilespmem:$0x4080] =	vst v63  }
0x40: {  	s16 =	sadd.s32 $0x400, s16  }
0x41: {  	[tilespmem:s16], [sflag:$0x1] =	stream.indirect_vreg.gather [hbm:s2], $0x80, v0, vm1, $0x38;
	[tilespmem:$0x4080] =	vst v63  }
0x42: {  	s13 =	sshll.u32 s13, $0x4;
	_ =	swait.ge [sflag:s6], $0x2000  }
0x43: {  	s13 =	sadd.s32 s13, s4;
	[sflag:s6] =	ssyncset.done $0x0  }
0x44: {  	s17 =	sadd.s32 $0x0, s13;
	s16 =	simm.s32 $0x80;
	[sflag:s6] =	ssyncadd.s32 $0xFFFFE000  }
.LBB2_5:
0x45: {  	[hbm:s17] =	stream.linear.scatter [tilespmem:s14], [sflag:$0x3], $0x400, $0x38;
	[tilespmem:$0x4080] =	vst v63  }
0x46: {  	s17 =	smov.u32 s16;
	s14 =	smov.u32 s15;
	p1 =	sne.s32 s16, $0x380  }
.Ltmp4:
0x47: {  	s16 =	sadd.s32 $0x80, s16;
	(pc) =	sbr.rel @p1 .LBB2_5-.Ltmp4, $2  }
0x48: {  	_ =	sdelay $0x2  }
0x49: {  	s15 =	sadd.s32 $0x400, s15;
	s17 =	sadd.s32 s17, s13  }
.Ltmp5:
0x4a: {  	_ = 	snop;
	(pc) =	sbr.rel .LBB2_6-.Ltmp5, $1  }
0x4b: {  	_ =	sdelay $0x3  }
.LBB2_8:
0x4c: {  	_ =	sfence.sel $0x180000  }
0x4d: {  	s2 =	simm.s32 $0x2;
	[bflag:$0x0] =	sbarrier.arrive $0xFFFF  }
0x4e: {  	s30 =	simm.s32 $0x3;
	[sflag:s2] =	ssyncpa.u1 $0x1  }
0x4f: {  	s31 =	simm.s32 $0x1;
	[sflag:s30] =	ssyncpa.u1 $0x1  }
0x50: {  	[sflag:s31] =	ssyncpa.u1 $0x1  }
0x51: {  	p0 =	sne.s32 s0, $0x0;
	_ =	strace $0x9000004A  }
0x52: {  	s0 =	sadd.s32 @!p0 $0x100000, s1;
	[bflag:$0x2] =	sbarrier.arrive $0xFFFF  }
0x53: {  	[sflag:s0] =	ssyncadd.tile.s32 @!p0 $0x1;
	_ =	shalt  }
.Lfunc_end2:
_tile_overlayer_lowered:
.L_overlay_start_2:
0x54: {  	(tag) =	ssettag $0x2  }
0x55: {  	s0 =	rddreg [dreg:$0x0];
	s2 =	stileid.u32  }
0x56: {  	s1 =	rddreg [dreg:$0x1];
	p0 =	sne.s32 s2, $0x0  }
0x57: {  	s3 =	rddreg [dreg:$0x2];
	[bflag:$0x3] =	sbarrier.arrive $0xFFFF;
	s2 =	simm.s32 @!p0 $0x1C01  }
0x58: {  	[timem:s3], [sflag:s2] =	dma.local @!p0 [hbm:s0], s1  }
0x59: {  	s0 =	simm.s32 @!p0 $0x1  }
0x5a: {  	_ =	swait.ge @!p0 [sflag:s0], s1  }
0x5b: {  	s1 =	ssub.s32 @!p0 $0x0, s1;
	[sflag:s0] =	ssyncset.done @!p0 $0x0  }
0x5c: {  	[sflag:s0] =	ssyncadd.s32 @!p0 s1  }
0x5d: {  	[bflag:$0x3] =	sbarrier.arrive $0xFFFF  }
0x5e: {  	_ =	shalt  }

// kernel: kernel.10.cloned.1.call-start
scs
__scs_entry_jumppad:
0x0: {  	(pc) =	sbr.rel $0x88, $3  }
0x1: {  	(tag) =	ssettag $0x0;
	lr =	simm.s32 $0x1  }
0x2: {  	[smem:$0x3F7D] =	sst lr;
	_ =	strace $0xD0000000  }
0x3: {  	_ = 	snop  }
0x4: {  	_ = 	snop  }
0x5: {  	_ = 	snop  }
0x6: {  	_ = 	snop  }
0x7: {  	_ = 	snop  }
__scs_overlays_trampoline_lowered:
0x8: {  	[smem:$0x3F8C] =	sst s0  }
0x9: {  	[smem:$0x3F8D] =	sst s1  }
0xa: {  	[smem:$0x3F8E] =	sst s2  }
0xb: {  	[smem:$0x3F8F] =	sst s3  }
0xc: {  	[smem:$0x3F90] =	sst s4  }
0xd: {  	[smem:$0x3F91] =	sst s5  }
0xe: {  	[smem:$0x3F92] =	sst s6  }
0xf: {  	[smem:$0x3F93] =	sst s7  }
0x10: {  	[smem:$0x3F94] =	sst s8  }
0x11: {  	[smem:$0x3F95] =	sst s9;
	s0 =	simm.s32 @!p0 $0x0  }
0x12: {  	s1 =	sld [smem:$0x3F7B];
	s0 =	simm.s32 @p0 $0x1  }
0x13: {  	[smem:$0x3F96] =	sst s0;
	s0 =	simm.s32 @!p1 $0x0  }
0x14: {  	s2 =	sld [smem:$0x3F7A];
	s0 =	simm.s32 @p1 $0x1  }
0x15: {  	[smem:$0x3F97] =	sst s0;
	s0 =	simm.s32 @!p2 $0x0  }
0x16: {  	s3 =	sld [smem:$0x3FDB];
	s0 =	simm.s32 @p2 $0x1  }
0x17: {  	s4 =	simm.s32 $0x1BF5;
	[smem:$0x3F99] =	sst s0  }
0x18: {  	s0 =	sld [smem:$0x3F7C];
	_ =	swait.ge [sflag:s4], $0x0  }
0x19: {  	s7 =	sld [smem:$0x3F7D]  }
0x1a: {  	s8 =	sadd.s32 $0xFFFFE003, lr  }
0x1b: {  	s9 =	sadd.s32 $0xFFFFFEF7, lr;
	s5 =	simm.s32 $0xFFFFFFFF;
	p2 =	slt.u32 s8, $0xFFFFF086  }
0x1c: {  	p1 =	slt.u32 s9, $0xF7A;
	s5 =	simm.s32 @!p2 $0x0  }
0x1d: {  	s5 =	simm.s32 @p1 $0x1;
	p0 =	seq.s32 s7, s2  }
0x1e: {  	s7 =	smul.u32 @!p0 $0xF7A, s2;
	p2 =	seq.s32 @!p0 s5, $0x0  }
0x1f: {  	s9 =	smul.u32 $0xF7A, s1;
	s8 =	simm.s32 @!p0 $0x1BF5;
	p2 =	por !p2, p0  }
0x20: {  	[sflag:s8] =	ssyncset.s32 @!p0 $0xFFFFF086;
	s6 =	sadd.s32 @!p0 s3, s7;
	s7 =	simm.s32 @!p0 $0x108  }
0x21: {  	s3 =	sadd.s32 s3, s9;
	s6 =	sadd.s32 @!p0 $0x88, s6;
	s7 =	simm.s32 @p2 $0x1082  }
0x22: {  	[simem:s7], [sflag:s8] =	dma.local @!p0 [hbm:s6], $0xF7A  }
0x23: {  	s9 =	sor.u32 $0xD0000000, s2;
	s6 =	simm.s32 $0x108;
	_ =	swait.ge @!p0 [sflag:s8], $0x0  }
0x24: {  	s3 =	sadd.s32 $0x88, s3;
	s6 =	simm.s32 @!p1 $0x1082;
	[sflag:s4] =	ssyncset.s32 $0xFFFFF086  }
0x25: {  	[simem:s6], [sflag:s4] =	dma.local [hbm:s3], $0xF7A  }
0x26: {  	[smem:$0x3F7D] =	sst s1;
	(tag) =	ssettag s2;
	_ =	strace s9  }
0x27: {  	s1 =	sld [smem:$0x3F8D]  }
0x28: {  	s2 =	sld [smem:$0x3F8E]  }
0x29: {  	s4 =	sld [smem:$0x3F90]  }
0x2a: {  	p0 =	seq.s32 s5, $0x0;
	s5 =	sld [smem:$0x3F91]  }
0x2b: {  	s6 =	sld [smem:$0x3F92]  }
0x2c: {  	s7 =	sld [smem:$0x3F93]  }
0x2d: {  	s3 =	simm.s32 $0x108;
	s8 =	sld [smem:$0x3F94]  }
0x2e: {  	s3 =	simm.s32 @!p0 $0x1082;
	s9 =	sld [smem:$0x3F95]  }
0x2f: {  	lr =	sadd.s32 s0, s3;
	s0 =	sld [smem:$0x3F8C]  }
0x30: {  	s3 =	sld [smem:$0x3F8F]  }
0x31: {  	[smem:$0x3F98] =	sst s10  }
0x32: {  	s10 =	sld [smem:$0x3F96];
	_ =	sdelay $0x3  }
0x33: {  	p0 =	seq.s32 s10, $0x1;
	s10 =	sld [smem:$0x3F98];
	_ =	sdelay $0x3  }
0x34: {  	[smem:$0x3F98] =	sst s10  }
0x35: {  	s10 =	sld [smem:$0x3F97];
	_ =	sdelay $0x3  }
0x36: {  	p1 =	seq.s32 s10, $0x1;
	s10 =	sld [smem:$0x3F98];
	_ =	sdelay $0x3  }
0x37: {  	[smem:$0x3F98] =	sst s10  }
0x38: {  	s10 =	sld [smem:$0x3F99]  }
0x39: {  	_ = 	snop;
	(pc) =	sbr.ind lr, $3  }
0x3a: {  	_ = 	snop  }
0x3b: {  	_ = 	snop  }
0x3c: {  	p2 =	seq.s32 s10, $0x1;
	s10 =	sld [smem:$0x3F98]  }
0x3d: {  	_ =	shalt  }
0x3e: {  	_ =	shalt  }
0x3f: {  	_ =	shalt  }
0x40: {  	_ =	shalt  }
0x41: {  	_ =	shalt  }
0x42: {  	_ =	shalt  }
0x43: {  	_ =	shalt  }
0x44: {  	_ =	shalt  }
0x45: {  	_ =	shalt  }
0x46: {  	_ =	shalt  }
0x47: {  	_ =	shalt  }
0x48: {  	_ =	shalt  }
0x49: {  	_ =	shalt  }
0x4a: {  	_ =	shalt  }
0x4b: {  	_ =	shalt  }
0x4c: {  	_ =	shalt  }
0x4d: {  	_ =	shalt  }
0x4e: {  	_ =	shalt  }
0x4f: {  	_ =	shalt  }
0x50: {  	_ =	shalt  }
0x51: {  	_ =	shalt  }
0x52: {  	_ =	shalt  }
0x53: {  	_ =	shalt  }
0x54: {  	_ =	shalt  }
0x55: {  	_ =	shalt  }
0x56: {  	_ =	shalt  }
0x57: {  	_ =	shalt  }
0x58: {  	_ =	shalt  }
0x59: {  	_ =	shalt  }
0x5a: {  	_ =	shalt  }
0x5b: {  	_ =	shalt  }
0x5c: {  	_ =	shalt  }
0x5d: {  	_ =	shalt  }
0x5e: {  	_ =	shalt  }
0x5f: {  	_ =	shalt  }
0x60: {  	_ =	shalt  }
0x61: {  	_ =	shalt  }
0x62: {  	_ =	shalt  }
0x63: {  	_ =	shalt  }
0x64: {  	_ =	shalt  }
0x65: {  	_ =	shalt  }
0x66: {  	_ =	shalt  }
0x67: {  	_ =	shalt  }
0x68: {  	_ =	shalt  }
0x69: {  	_ =	shalt  }
0x6a: {  	_ =	shalt  }
0x6b: {  	_ =	shalt  }
0x6c: {  	_ =	shalt  }
0x6d: {  	_ =	shalt  }
0x6e: {  	_ =	shalt  }
0x6f: {  	_ =	shalt  }
0x70: {  	_ =	shalt  }
0x71: {  	_ =	shalt  }
0x72: {  	_ =	shalt  }
0x73: {  	_ =	shalt  }
0x74: {  	_ =	shalt  }
0x75: {  	_ =	shalt  }
0x76: {  	_ =	shalt  }
0x77: {  	_ =	shalt  }
0x78: {  	_ =	shalt  }
0x79: {  	_ =	shalt  }
0x7a: {  	_ =	shalt  }
0x7b: {  	_ =	shalt  }
0x7c: {  	_ =	shalt  }
0x7d: {  	_ =	shalt  }
0x7e: {  	_ =	shalt  }
0x7f: {  	_ =	shalt  }
0x80: {  	_ =	shalt  }
0x81: {  	_ =	shalt  }
0x82: {  	_ =	shalt  }
0x83: {  	_ =	shalt  }
0x84: {  	_ =	shalt  }
0x85: {  	_ =	shalt  }
0x86: {  	_ =	shalt  }
0x87: {  	_ =	shalt  }
.Lfunc_end0:
.L_simem_size_0:
called_computation.5_lowered:
.L_overlay_start_0:
0x88: {  	s2 =	sld [smem:$0x3FD9]  }
0x89: {  	s3 =	sld [smem:$0x3FFE];
	_ =	sdelay $0x1  }
0x8a: {  	s1 =	srdreg.scid  }
0x8b: {  	s0 =	sand.u32 $0x1, s1  }
0x8c: {  	s14 =	sshll.u32 s0, $0xA;
	s2 =	sadd.s32 s3, s2  }
0x8d: {  	s2 =	sadd.s32 s2, s14  }
0x8e: {  	[smem:$0x3FA4] =	sst s2  }
0x8f: {  	_ = 	snop  }
0x90: {  	s2 =	sld [smem:$0x3FD0];
	_ =	sdelay $0x2  }
0x91: {  	s15 =	simm.s32 $0xB;
	s4 =	simm.s32 $0x10  }
0x92: {  	[smem:s4], [sflag:s15] =	dma.local [hbm:s2], $0x1  }
0x93: {  	_ =	swait.eq [sflag:s15], $0x1  }
0x94: {  	[sflag:s15] =	ssyncset.done $0x0  }
0x95: {  	[sflag:s15] =	ssyncadd.s32 $0xFFFFFFFF  }
0x96: {  	s16 =	sld [smem:$0x11];
	(tm) =	ssettm $0x1  }
0x97: {  	s17 =	sld [smem:$0x3FFB];
	_ =	sdelay $0x3  }
0x98: {  	_ =	strace s17  }
0x99: {  	s3 =	sld [smem:$0x3FFC];
	_ =	sdelay $0x3  }
0x9a: {  	_ =	strace s3  }
0x9b: {  	s3 =	sld [smem:$0x3FFD];
	_ =	sdelay $0x3  }
0x9c: {  	_ =	strace s3  }
0x9d: {  	_ =	strace $0x8FFFFFFF  }
0x9e: {  	s18 =	sld [smem:$0x3FDB];
	_ =	sdelay $0x1  }
0x9f: {  	s19 =	simm.s32 $_scs_section_size  }
0xa0: {  	s5 =	simm.s32 $_size__tile_overlayer_lowered;
	s6 =	simm.s32 $_tile_overlayer_lowered  }
0xa1: {  	s22 =	simm.s32 $0x1BFF;
	s21 =	sshll.u32 s6, $0x1;
	s3 =	sadd.s32 s19, s18  }
0xa2: {  	s7 =	simm.s32 $0x0;
	s20 =	sshll.u32 s5, $0x1;
	s5 =	sadd.s32 s21, s3  }
0xa3: {  	[timem:s7], [sflag:s22] =	dma.local [hbm:s5], s20  }
0xa4: {  	_ =	swait.ge [sflag:s22], s20  }
0xa5: {  	s4 =	ssub.s32 $0x0, s20;
	[sflag:s22] =	ssyncset.done $0x0  }
0xa6: {  	[sflag:s22] =	ssyncadd.s32 s4;
	_ =	sdelay $0x1  }
0xa7: {  	s23 =	simm.s32 $0x1B8B  }
0xa8: {  	_ =	swait.ge [sflag:s23], $0x1  }
0xa9: {  	[sflag:s23] =	ssyncset.done $0x0  }
0xaa: {  	s25 =	simm.s32 $0x1B8E;
	s24 =	sld [smem:$0x3FFE];
	[sflag:s23] =	ssyncadd.s32 $0xFFFFFFFF  }
0xab: {  	s26 =	simm.s32 $execute0_lowered;
	[smem:$0x3FD2] =	sst s25  }
0xac: {  	s5 =	sshll.u32 s26, $0x1;
	_ =	strace $0x8000004F;
	[dreg:$0x1] =	wrdreg $0xFFFFFFFF  }
0xad: {  	s28 =	simm.s32 $_size_execute0_lowered;
	s3 =	sadd.s32 s3, s5;
	[dreg:$0x0] =	wrdreg $0x0  }
0xae: {  	s5 =	sshll.u32 s28, $0x1;
	[dreg:$0x2] =	wrdreg s3  }
0xaf: {  	[dreg:$0x3] =	wrdreg s5  }
0xb0: {  	[dreg:$0x4] =	wrdreg $0xC0  }
0xb1: {  	_ =	task [dreg:s7], $0x5FFFF  }
0xb2: {  	[dreg:$0x1] =	wrdreg $0xFFFFFFFF  }
0xb3: {  	[dreg:$0x0] =	wrdreg $0x60  }
0xb4: {  	[dreg:$0x2] =	wrdreg s16  }
0xb5: {  	[dreg:$0x3] =	wrdreg s24  }
0xb6: {  	[dreg:$0x4] =	wrdreg $0x9  }
0xb7: {  	_ =	task.clear_ibuf [dreg:s7], $0x5FFFF;
	_ =	strace $0x9000004F  }
0xb8: {  	s29 =	simm.s32 $0x9;
	_ =	strace $0x80000051  }
0xb9: {  	_ =	swait.ge [sflag:s29], $0x1  }
0xba: {  	[sflag:s29] =	ssyncadd.s32 $0xFFFFFFFF  }
0xbb: {  	_ =	strace $0x90000051  }
0xbc: {  	_ =	sfence  }
0xbd: {  	s30 =	sld [smem:$0x0];
	_ =	sdelay $0x2  }
0xbe: {  	s31 =	sshll.u32 s1, $0xD;
	s1 =	sshrl.u32 s1, $0x2  }
0xbf: {  	s3 =	sand.u32 $0x4000, s31;
	s1 =	sadd.s32 s1, s30  }
0xc0: {  	s0 =	sor.u32 s3, s0;
	s1 =	sshll.u32 s1, $0x11  }
0xc1: {  	s0 =	sor.u32 s1, s0  }
0xc2: {  	s0 =	sadd.s32 $0x8F2B, s0  }
0xc3: {  	[sflag:s0] =	ssyncadd.remote.s32 $0x1  }
0xc4: {  	_ =	sfence.sel $0xFFFF  }
0xc5: {  	[dreg:$0x0] =	wrdreg $0xFFFFFFFF;
	(pc) =	sbr.abs _section_cstart, $3  }
0xc6: {  	[dreg:$0x1] =	wrdreg $0xFFFFFFFF  }
0xc7: {  	_ =	task.clear_ibuf [dreg:s7], $0x2FFFF;
	_ =	strace $0x9FFFFFFF  }
0xc8: {  	(tm) =	ssettm $0x7FFFFFFF  }
0xc9: {  	_ =	shalt  }
tec
execute0_lowered:
.L_overlay_start_1:
0x0: {  	(tag) =	ssettag $0x1  }
0x1: {  	s1 =	rddreg [dreg:$0x0]  }
0x2: {  	s3 =	rddreg [dreg:$0x1]  }
0x3: {  	s0 =	rddreg [dreg:$0x2];
	s2 =	simm.s32 $0x0;
	s4 =	srdreg.scid  }
0x4: {  	s11 =	stileid.u32;
	[smem:$0x7FF] =	sst s2  }
0x5: {  	s7 =	sand.u32 $0x1, s4;
	s6 =	sadd.s32 $0x621C00, s3;
	s8 =	sadd.s32 $0x7400, s3  }
0x6: {  	s10 =	sshll.u32 s11, $0x8;
	s31 =	sshll.u32 s11, $0xB;
	p0 =	sne.s32 s11, $0x0  }
0x7: {  	s11 =	simm.s32 $0x0;
	_ =	strace $0x80000050;
	s4 =	ssub.s32 $0x2, s7  }
0x8: {  	s5 =	sshll.u32 s7, $0x7;
	s7 =	sshll.u32 s7, $0xA;
	s26 =	sshrl.u32 s4, $0x1  }
0x9: {  	s28 =	sor.u32 $0x27000, s5;
	s10 =	sor.u32 s5, s10;
	s9 =	ssub.s32 s4, s26  }
0xa: {  	s29 =	sshrl.u32 s28, $0x3;
	s12 =	sshll.u32 s28, $0x3;
	s30 =	sshrl.u32 s10, $0x3  }
0xb: {  	s10 =	simm.s32 $0x1;
	s3 =	sadd.s32 s6, s29;
	s4 =	sadd.s32 s8, s12  }
0xc: {  	s5 =	smax.u32 s9, $0x1;
	s6 =	sadd.s32 s30, s6;
	s8 =	sadd.s32 s31, s8  }
0xd: {  	s9 =	simm.s32 $0x80;
	s7 =	sadd.s32 s7, s8;
	s8 =	simm.s32 $0x2  }
.LBB2_1:
0xe: {  	s12 =	sadd.s32 $0x0, s6  }
0xf: {  	[tilespmem:s2], [sflag:$0x2] =	stream.linear.gather [hbm4b:s12+s2], $0x80, $0x38;
	[tilespmem:$0x2080] =	vst v63  }
0x10: {  	_ =	swait.ge [sflag:s8], $0x80  }
0x11: {  	[sflag:s8] =	ssyncset.done $0x0  }
0x12: {  	[sflag:s8] =	ssyncadd.s32 $0xFFFFFF80  }
0x13: {  	[tilespmem:s9], [sflag:$0x1] =	stream.indirect.gather [hbm4b:s1+s9], $0x40, s2, s9, $0xb8;
	[tilespmem:$0x2080] =	vst v63  }
0x14: {  	_ =	swait.ge [sflag:s10], $0x2000  }
0x15: {  	[sflag:s10] =	ssyncset.done $0x0  }
0x16: {  	[sflag:s10] =	ssyncadd.s32 $0xFFFFE000  }
0x17: {  	[hbm4b:s7+s2] =	stream.linear.scatter [tilespmem:s9], [sflag:$0x2], $0x2000, $0x38;
	[tilespmem:$0x2080] =	vst v63  }
0x18: {  	s13 =	simm.s32 $0x200;
	_ =	swait.ge [sflag:s8], $0x2000  }
0x19: {  	s14 =	simm.s32 $0x400;
	s12 =	sadd.s32 $0x8000, s7;
	[sflag:s8] =	ssyncset.done $0x0  }
.LBB2_2:
0x1a: {  	s15 =	sadd.s32 s13, s6  }
0x1b: {  	[sflag:s8] =	ssyncadd.s32 $0xFFFFE000;
	s13 =	smov.u32 s14;
	s16 =	sadd.s32 $0x200, s14  }
0x1c: {  	[tilespmem:s2], [sflag:$0x2] =	stream.linear.gather [hbm4b:s15+s2], $0x80, $0x38;
	[tilespmem:$0x2080] =	vst v63  }
0x1d: {  	p1 =	sne.s32 s14, $0x4C00;
	_ =	swait.ge [sflag:s8], $0x80  }
0x1e: {  	[sflag:s8] =	ssyncset.done $0x0  }
0x1f: {  	[sflag:s8] =	ssyncadd.s32 $0xFFFFFF80  }
0x20: {  	[tilespmem:s9], [sflag:$0x1] =	stream.indirect.gather [hbm4b:s1+s9], $0x40, s2, s9, $0xb8;
	[tilespmem:$0x2080] =	vst v63  }
0x21: {  	_ =	swait.ge [sflag:s10], $0x2000  }
.Ltmp0:
0x22: {  	[sflag:s10] =	ssyncset.done $0x0;
	(pc) =	sbr.rel @p1 .LBB2_2-.Ltmp0, $4  }
0x23: {  	[sflag:s10] =	ssyncadd.s32 $0xFFFFE000  }
0x24: {  	[hbm4b:s12+s2] =	stream.linear.scatter [tilespmem:s9], [sflag:$0x2], $0x2000, $0x38;
	[tilespmem:$0x2080] =	vst v63  }
0x25: {  	_ =	swait.ge [sflag:s8], $0x2000  }
0x26: {  	s14 =	smov.u32 s16;
	s12 =	sadd.s32 $0x8000, s12;
	[sflag:s8] =	ssyncset.done $0x0  }
0x27: {  	s13 =	sadd.s32 s13, s6;
	[sflag:s8] =	ssyncadd.s32 $0xFFFFE000  }
0x28: {  	[tilespmem:s2], [sflag:$0x2] =	stream.linear.gather [hbm4b:s13+s2], $0x80, $0x38;
	[tilespmem:$0x2080] =	vst v63  }
0x29: {  	_ =	swait.ge [sflag:s8], $0x80  }
0x2a: {  	[sflag:s8] =	ssyncset.done $0x0  }
0x2b: {  	[sflag:s8] =	ssyncadd.s32 $0xFFFFFF80  }
0x2c: {  	[tilespmem:s9], [sflag:$0x1] =	stream.indirect.gather [hbm4b:s1+s9], $0x40, s2, s9, $0xb8;
	[tilespmem:$0x2080] =	vst v63  }
0x2d: {  	_ =	swait.ge [sflag:s10], $0x2000  }
0x2e: {  	[sflag:s10] =	ssyncset.done $0x0  }
0x2f: {  	[sflag:s10] =	ssyncadd.s32 $0xFFFFE000  }
0x30: {  	[hbm4b:s12+s2] =	stream.linear.scatter [tilespmem:s9], [sflag:$0x2], $0x2000, $0x38;
	[tilespmem:$0x2080] =	vst v63  }
0x31: {  	_ =	swait.ge [sflag:s8], $0x2000  }
0x32: {  	[sflag:s8] =	ssyncset.done $0x0  }
0x33: {  	s13 =	simm.s32 @!p0 $0x2;
	s12 =	simm.s32 @!p0 $0x0;
	[sflag:s8] =	ssyncadd.s32 $0xFFFFE000  }
0x34: {  	[tilespmem:s12], [sflag:$0x2] =	stream.linear.gather @!p0 [hbm4b:s3+s12], $0x80, $0x38;
	[tilespmem:$0x2080] =	vst v63  }
0x35: {  	_ =	swait.ge @!p0 [sflag:s13], $0x80  }
0x36: {  	[sflag:s13] =	ssyncset.done @!p0 $0x0  }
0x37: {  	s14 =	simm.s32 @!p0 $0x80;
	s15 =	simm.s32 @!p0 $0x1;
	[sflag:s13] =	ssyncadd.s32 @!p0 $0xFFFFFF80  }
0x38: {  	[tilespmem:s14], [sflag:$0x1] =	stream.indirect.gather @!p0 [hbm4b:s1+s14], $0x40, s12, s14, $0xb8;
	[tilespmem:$0x2080] =	vst v63  }
0x39: {  	s11 =	sadd.s32 $0x1, s11;
	_ =	swait.ge @!p0 [sflag:s15], $0x2000  }
0x3a: {  	p1 =	sne.s32 s11, s5;
	[sflag:s15] =	ssyncset.done @!p0 $0x0  }
.Ltmp1:
0x3b: {  	[sflag:s15] =	ssyncadd.s32 @!p0 $0xFFFFE000;
	(pc) =	sbr.rel @p1 .LBB2_1-.Ltmp1, $4  }
0x3c: {  	[hbm4b:s4+s12] =	stream.linear.scatter @!p0 [tilespmem:s14], [sflag:$0x2], $0x2000, $0x38;
	[tilespmem:$0x2080] =	vst v63  }
0x3d: {  	_ =	swait.ge @!p0 [sflag:s13], $0x2000  }
0x3e: {  	[sflag:s13] =	ssyncset.done @!p0 $0x0  }
0x3f: {  	[sflag:s13] =	ssyncadd.s32 @!p0 $0xFFFFE000  }
0x40: {  	_ =	sfence.sel $0x180000  }
0x41: {  	[bflag:$0x0] =	sbarrier.arrive $0xFFFF  }
0x42: {  	_ =	strace $0x90000050  }
0x43: {  	s0 =	sadd.s32 @!p0 $0x100000, s0;
	[bflag:$0x2] =	sbarrier.arrive $0xFFFF  }
0x44: {  	[sflag:s0] =	ssyncadd.tile.s32 @!p0 $0x1;
	_ =	shalt  }
.Lfunc_end2:
_tile_overlayer_lowered:
.L_overlay_start_2:
0x45: {  	(tag) =	ssettag $0x2  }
0x46: {  	s0 =	rddreg [dreg:$0x0];
	s2 =	stileid.u32  }
0x47: {  	s1 =	rddreg [dreg:$0x1];
	p0 =	sne.s32 s2, $0x0  }
0x48: {  	s3 =	rddreg [dreg:$0x2];
	[bflag:$0x3] =	sbarrier.arrive $0xFFFF;
	s2 =	simm.s32 @!p0 $0x1C02  }
0x49: {  	[timem:s3], [sflag:s2] =	dma.local @!p0 [hbm:s0], s1  }
0x4a: {  	s0 =	simm.s32 @!p0 $0x2  }
0x4b: {  	_ =	swait.ge @!p0 [sflag:s0], s1  }
0x4c: {  	s1 =	ssub.s32 @!p0 $0x0, s1;
	[sflag:s0] =	ssyncset.done @!p0 $0x0  }
0x4d: {  	[sflag:s0] =	ssyncadd.s32 @!p0 s1  }
0x4e: {  	[bflag:$0x3] =	sbarrier.arrive $0xFFFF  }
0x4f: {  	_ =	shalt  }

// kernel: kernel.7.cloned.1.call-start
scs
__scs_entry_jumppad:
0x0: {  	(pc) =	sbr.rel $0x88, $3  }
0x1: {  	(tag) =	ssettag $0x0;
	lr =	simm.s32 $0x1  }
0x2: {  	[smem:$0x3F7D] =	sst lr;
	_ =	strace $0xD0000000  }
0x3: {  	_ = 	snop  }
0x4: {  	_ = 	snop  }
0x5: {  	_ = 	snop  }
0x6: {  	_ = 	snop  }
0x7: {  	_ = 	snop  }
__scs_overlays_trampoline_lowered:
0x8: {  	[smem:$0x3F8C] =	sst s0  }
0x9: {  	[smem:$0x3F8D] =	sst s1  }
0xa: {  	[smem:$0x3F8E] =	sst s2  }
0xb: {  	[smem:$0x3F8F] =	sst s3  }
0xc: {  	[smem:$0x3F90] =	sst s4  }
0xd: {  	[smem:$0x3F91] =	sst s5  }
0xe: {  	[smem:$0x3F92] =	sst s6  }
0xf: {  	[smem:$0x3F93] =	sst s7  }
0x10: {  	[smem:$0x3F94] =	sst s8  }
0x11: {  	[smem:$0x3F95] =	sst s9;
	s0 =	simm.s32 @!p0 $0x0  }
0x12: {  	s1 =	sld [smem:$0x3F7B];
	s0 =	simm.s32 @p0 $0x1  }
0x13: {  	[smem:$0x3F96] =	sst s0;
	s0 =	simm.s32 @!p1 $0x0  }
0x14: {  	s2 =	sld [smem:$0x3F7A];
	s0 =	simm.s32 @p1 $0x1  }
0x15: {  	[smem:$0x3F97] =	sst s0;
	s0 =	simm.s32 @!p2 $0x0  }
0x16: {  	s3 =	sld [smem:$0x3FDB];
	s0 =	simm.s32 @p2 $0x1  }
0x17: {  	s4 =	simm.s32 $0x1BF5;
	[smem:$0x3F99] =	sst s0  }
0x18: {  	s0 =	sld [smem:$0x3F7C];
	_ =	swait.ge [sflag:s4], $0x0  }
0x19: {  	s7 =	sld [smem:$0x3F7D]  }
0x1a: {  	s8 =	sadd.s32 $0xFFFFE003, lr  }
0x1b: {  	s9 =	sadd.s32 $0xFFFFFEF7, lr;
	s5 =	simm.s32 $0xFFFFFFFF;
	p2 =	slt.u32 s8, $0xFFFFF086  }
0x1c: {  	p1 =	slt.u32 s9, $0xF7A;
	s5 =	simm.s32 @!p2 $0x0  }
0x1d: {  	s5 =	simm.s32 @p1 $0x1;
	p0 =	seq.s32 s7, s2  }
0x1e: {  	s7 =	smul.u32 @!p0 $0xF7A, s2;
	p2 =	seq.s32 @!p0 s5, $0x0  }
0x1f: {  	s9 =	smul.u32 $0xF7A, s1;
	s8 =	simm.s32 @!p0 $0x1BF5;
	p2 =	por !p2, p0  }
0x20: {  	[sflag:s8] =	ssyncset.s32 @!p0 $0xFFFFF086;
	s6 =	sadd.s32 @!p0 s3, s7;
	s7 =	simm.s32 @!p0 $0x108  }
0x21: {  	s3 =	sadd.s32 s3, s9;
	s6 =	sadd.s32 @!p0 $0x88, s6;
	s7 =	simm.s32 @p2 $0x1082  }
0x22: {  	[simem:s7], [sflag:s8] =	dma.local @!p0 [hbm:s6], $0xF7A  }
0x23: {  	s9 =	sor.u32 $0xD0000000, s2;
	s6 =	simm.s32 $0x108;
	_ =	swait.ge @!p0 [sflag:s8], $0x0  }
0x24: {  	s3 =	sadd.s32 $0x88, s3;
	s6 =	simm.s32 @!p1 $0x1082;
	[sflag:s4] =	ssyncset.s32 $0xFFFFF086  }
0x25: {  	[simem:s6], [sflag:s4] =	dma.local [hbm:s3], $0xF7A  }
0x26: {  	[smem:$0x3F7D] =	sst s1;
	(tag) =	ssettag s2;
	_ =	strace s9  }
0x27: {  	s1 =	sld [smem:$0x3F8D]  }
0x28: {  	s2 =	sld [smem:$0x3F8E]  }
0x29: {  	s4 =	sld [smem:$0x3F90]  }
0x2a: {  	p0 =	seq.s32 s5, $0x0;
	s5 =	sld [smem:$0x3F91]  }
0x2b: {  	s6 =	sld [smem:$0x3F92]  }
0x2c: {  	s7 =	sld [smem:$0x3F93]  }
0x2d: {  	s3 =	simm.s32 $0x108;
	s8 =	sld [smem:$0x3F94]  }
0x2e: {  	s3 =	simm.s32 @!p0 $0x1082;
	s9 =	sld [smem:$0x3F95]  }
0x2f: {  	lr =	sadd.s32 s0, s3;
	s0 =	sld [smem:$0x3F8C]  }
0x30: {  	s3 =	sld [smem:$0x3F8F]  }
0x31: {  	[smem:$0x3F98] =	sst s10  }
0x32: {  	s10 =	sld [smem:$0x3F96];
	_ =	sdelay $0x3  }
0x33: {  	p0 =	seq.s32 s10, $0x1;
	s10 =	sld [smem:$0x3F98];
	_ =	sdelay $0x3  }
0x34: {  	[smem:$0x3F98] =	sst s10  }
0x35: {  	s10 =	sld [smem:$0x3F97];
	_ =	sdelay $0x3  }
0x36: {  	p1 =	seq.s32 s10, $0x1;
	s10 =	sld [smem:$0x3F98];
	_ =	sdelay $0x3  }
0x37: {  	[smem:$0x3F98] =	sst s10  }
0x38: {  	s10 =	sld [smem:$0x3F99]  }
0x39: {  	_ = 	snop;
	(pc) =	sbr.ind lr, $3  }
0x3a: {  	_ = 	snop  }
0x3b: {  	_ = 	snop  }
0x3c: {  	p2 =	seq.s32 s10, $0x1;
	s10 =	sld [smem:$0x3F98]  }
0x3d: {  	_ =	shalt  }
0x3e: {  	_ =	shalt  }
0x3f: {  	_ =	shalt  }
0x40: {  	_ =	shalt  }
0x41: {  	_ =	shalt  }
0x42: {  	_ =	shalt  }
0x43: {  	_ =	shalt  }
0x44: {  	_ =	shalt  }
0x45: {  	_ =	shalt  }
0x46: {  	_ =	shalt  }
0x47: {  	_ =	shalt  }
0x48: {  	_ =	shalt  }
0x49: {  	_ =	shalt  }
0x4a: {  	_ =	shalt  }
0x4b: {  	_ =	shalt  }
0x4c: {  	_ =	shalt  }
0x4d: {  	_ =	shalt  }
0x4e: {  	_ =	shalt  }
0x4f: {  	_ =	shalt  }
0x50: {  	_ =	shalt  }
0x51: {  	_ =	shalt  }
0x52: {  	_ =	shalt  }
0x53: {  	_ =	shalt  }
0x54: {  	_ =	shalt  }
0x55: {  	_ =	shalt  }
0x56: {  	_ =	shalt  }
0x57: {  	_ =	shalt  }
0x58: {  	_ =	shalt  }
0x59: {  	_ =	shalt  }
0x5a: {  	_ =	shalt  }
0x5b: {  	_ =	shalt  }
0x5c: {  	_ =	shalt  }
0x5d: {  	_ =	shalt  }
0x5e: {  	_ =	shalt  }
0x5f: {  	_ =	shalt  }
0x60: {  	_ =	shalt  }
0x61: {  	_ =	shalt  }
0x62: {  	_ =	shalt  }
0x63: {  	_ =	shalt  }
0x64: {  	_ =	shalt  }
0x65: {  	_ =	shalt  }
0x66: {  	_ =	shalt  }
0x67: {  	_ =	shalt  }
0x68: {  	_ =	shalt  }
0x69: {  	_ =	shalt  }
0x6a: {  	_ =	shalt  }
0x6b: {  	_ =	shalt  }
0x6c: {  	_ =	shalt  }
0x6d: {  	_ =	shalt  }
0x6e: {  	_ =	shalt  }
0x6f: {  	_ =	shalt  }
0x70: {  	_ =	shalt  }
0x71: {  	_ =	shalt  }
0x72: {  	_ =	shalt  }
0x73: {  	_ =	shalt  }
0x74: {  	_ =	shalt  }
0x75: {  	_ =	shalt  }
0x76: {  	_ =	shalt  }
0x77: {  	_ =	shalt  }
0x78: {  	_ =	shalt  }
0x79: {  	_ =	shalt  }
0x7a: {  	_ =	shalt  }
0x7b: {  	_ =	shalt  }
0x7c: {  	_ =	shalt  }
0x7d: {  	_ =	shalt  }
0x7e: {  	_ =	shalt  }
0x7f: {  	_ =	shalt  }
0x80: {  	_ =	shalt  }
0x81: {  	_ =	shalt  }
0x82: {  	_ =	shalt  }
0x83: {  	_ =	shalt  }
0x84: {  	_ =	shalt  }
0x85: {  	_ =	shalt  }
0x86: {  	_ =	shalt  }
0x87: {  	_ =	shalt  }
.Lfunc_end0:
.L_simem_size_0:
called_computation.4_lowered:
.L_overlay_start_0:
0x88: {  	s2 =	sld [smem:$0x3FD9]  }
0x89: {  	s3 =	sld [smem:$0x3FFE];
	_ =	sdelay $0x1  }
0x8a: {  	s1 =	srdreg.scid  }
0x8b: {  	s0 =	sand.u32 $0x1, s1  }
0x8c: {  	s16 =	sshll.u32 s0, $0xA;
	s2 =	sadd.s32 s3, s2  }
0x8d: {  	s2 =	sadd.s32 s2, s16  }
0x8e: {  	[smem:$0x3FA4] =	sst s2  }
0x8f: {  	_ = 	snop  }
0x90: {  	(tm) =	ssettm $0x1  }
0x91: {  	s17 =	sld [smem:$0x3FFB];
	_ =	sdelay $0x3  }
0x92: {  	_ =	strace s17  }
0x93: {  	s2 =	sld [smem:$0x3FFC];
	_ =	sdelay $0x3  }
0x94: {  	_ =	strace s2  }
0x95: {  	s2 =	sld [smem:$0x3FFD];
	_ =	sdelay $0x3  }
0x96: {  	_ =	strace s2  }
0x97: {  	_ =	strace $0x8FFFFFFF  }
0x98: {  	s18 =	sld [smem:$0x3FDB];
	_ =	sdelay $0x1  }
0x99: {  	s19 =	simm.s32 $_scs_section_size  }
0x9a: {  	s4 =	simm.s32 $_size__tile_overlayer_lowered;
	s5 =	simm.s32 $_tile_overlayer_lowered  }
0x9b: {  	s22 =	simm.s32 $0x1BFF;
	s21 =	sshll.u32 s5, $0x1;
	s2 =	sadd.s32 s19, s18  }
0x9c: {  	s6 =	simm.s32 $0x0;
	s20 =	sshll.u32 s4, $0x1;
	s4 =	sadd.s32 s21, s2  }
0x9d: {  	[timem:s6], [sflag:s22] =	dma.local [hbm:s4], s20  }
0x9e: {  	_ =	swait.ge [sflag:s22], s20  }
0x9f: {  	s3 =	ssub.s32 $0x0, s20;
	[sflag:s22] =	ssyncset.done $0x0  }
0xa0: {  	[sflag:s22] =	ssyncadd.s32 s3;
	_ =	sdelay $0x1  }
0xa1: {  	s23 =	simm.s32 $0x1B8B  }
0xa2: {  	_ =	swait.ge [sflag:s23], $0x1  }
0xa3: {  	[sflag:s23] =	ssyncset.done $0x0  }
0xa4: {  	s25 =	simm.s32 $0x1B8E;
	s24 =	sld [smem:$0x3FFE];
	[sflag:s23] =	ssyncadd.s32 $0xFFFFFFFF  }
0xa5: {  	s26 =	simm.s32 $execute0_lowered;
	[smem:$0x3FD2] =	sst s25  }
0xa6: {  	s4 =	sshll.u32 s26, $0x1;
	_ =	strace $0x8000004C;
	[dreg:$0x1] =	wrdreg $0xFFFFFFFF  }
0xa7: {  	s28 =	simm.s32 $_size_execute0_lowered;
	s2 =	sadd.s32 s2, s4;
	[dreg:$0x0] =	wrdreg $0x0  }
0xa8: {  	s4 =	sshll.u32 s28, $0x1;
	[dreg:$0x2] =	wrdreg s2  }
0xa9: {  	[dreg:$0x3] =	wrdreg s4  }
0xaa: {  	[dreg:$0x4] =	wrdreg $0xC0  }
0xab: {  	_ =	task [dreg:s6], $0x5FFFF  }
0xac: {  	[dreg:$0x1] =	wrdreg $0xFFFFFFFF  }
0xad: {  	[dreg:$0x0] =	wrdreg $0x60  }
0xae: {  	[dreg:$0x2] =	wrdreg s24  }
0xaf: {  	[dreg:$0x3] =	wrdreg $0x9  }
0xb0: {  	_ =	task.clear_ibuf [dreg:s6], $0x4FFFF;
	_ =	strace $0x9000004C  }
0xb1: {  	s29 =	simm.s32 $0x9;
	_ =	strace $0x8000004E  }
0xb2: {  	_ =	swait.ge [sflag:s29], $0x1  }
0xb3: {  	[sflag:s29] =	ssyncadd.s32 $0xFFFFFFFF  }
0xb4: {  	_ =	strace $0x9000004E  }
0xb5: {  	_ =	sfence  }
0xb6: {  	s30 =	sld [smem:$0x0];
	_ =	sdelay $0x2  }
0xb7: {  	s31 =	sshll.u32 s1, $0xD;
	s1 =	sshrl.u32 s1, $0x2  }
0xb8: {  	s3 =	sand.u32 $0x4000, s31;
	s1 =	sadd.s32 s1, s30  }
0xb9: {  	s0 =	sor.u32 s3, s0;
	s1 =	sshll.u32 s1, $0x11  }
0xba: {  	s0 =	sor.u32 s1, s0  }
0xbb: {  	s0 =	sadd.s32 $0x8F2B, s0  }
0xbc: {  	[sflag:s0] =	ssyncadd.remote.s32 $0x1  }
0xbd: {  	_ =	sfence.sel $0xFFFF  }
0xbe: {  	[dreg:$0x0] =	wrdreg $0xFFFFFFFF;
	(pc) =	sbr.abs _section_cstart, $3  }
0xbf: {  	[dreg:$0x1] =	wrdreg $0xFFFFFFFF  }
0xc0: {  	_ =	task.clear_ibuf [dreg:s6], $0x2FFFF;
	_ =	strace $0x9FFFFFFF  }
0xc1: {  	(tm) =	ssettm $0x7FFFFFFF  }
tec
execute0_lowered:
.L_overlay_start_1:
0x0: {  	(tag) =	ssettag $0x1  }
0x1: {  	s0 =	rddreg [dreg:$0x0]  }
0x2: {  	s1 =	simm.s32 $0x0;
	v0 =	vimm.s32 $0xEFCDAB89;
	s2 =	srdreg.scid;
	s4 =	stileid.u32  }
0x3: {  	v1 =	vimm.s32 $0x67452301;
	v2 =	vimm.s32 $0xDCFE98BA;
	v3 =	vimm.s32 $0x54761032;
	s17 =	simm.s32 $0x1;
	s18 =	simm.s32 $0x2;
	s19 =	simm.s32 $0x3  }
0x4: {  	v4 =	vimm.s32 $0xBA98FEDC;
	v5 =	vimm.s32 $0x32107654;
	s23 =	simm.s32 $0xF000;
	s21 =	simm.s32 $0x8;
	s29 =	simm.s32 $0xF040  }
0x5: {  	v6 =	vimm.s32 $0xFEDCBA98;
	v7 =	vimm.s32 $0x76543210;
	s24 =	simm.s32 $0x4;
	s28 =	simm.s32 $0x7;
	[smem:$0x7FF] =	sst s1;
	v0 =	vunpack.c.l.s4.s8 v0  }
0x6: {  	s3 =	sadd.s32 $0x314800, s0;
	s2 =	sand.u32 $0x1, s2;
	s6 =	sshll.u32 s4, $0x1;
	v1 =	vunpack.c.l.s4.s8 v1;
	v2 =	vunpack.c.l.s4.s8 v2;
	v3 =	vunpack.c.l.s4.s8 v3  }
0x7: {  	s4 =	sadd.s32 $0x7400, s0;
	s7 =	sadd.s32 $0x621C00, s0;
	v4 =	vunpack.c.l.s4.s8 v4;
	v5 =	vunpack.c.l.s4.s8 v5;
	v6 =	vunpack.c.l.s4.s8 v6;
	s6 =	sor.u32 s2, s6  }
0x8: {  	s5 =	sadd.s32 $0x92F000, s0;
	s8 =	sadd.s32 $0x626C00, s0;
	v7 =	vunpack.c.l.s4.s8 v7;
	s10 =	smul.u32 $0x500, s6;
	v2 =	vunpack.c.0.s8.s32 v2;
	v3 =	vunpack.c.0.s8.s32 v3  }
0x9: {  	s9 =	sadd.s32 $0x62BC00, s0;
	_ =	strace $0x8000004D;
	s2 =	ssub.s32 $0x2, s2;
	v0 =	vunpack.c.0.s8.s32 v0;
	v4 =	vunpack.c.0.s8.s32 v4;
	v5 =	vunpack.c.0.s8.s32 v5  }
.Ltmp0:
0xa: {  	v1 =	vunpack.c.0.s8.s32 v1;
	s11 =	sshrl.u32 s2, $0x1;
	s26 =	sadd.s32 s3, s10;
	v2 =	vcombine.low v3, v2;
	v3 =	vunpack.c.0.s8.s32 v6;
	(pc) =	sbr.rel .LBB2_1-.Ltmp0, $4  }
0xb: {  	s13 =	sor.u32 $0x40, s6;
	s30 =	sadd.s32 s4, s10;
	v4 =	vcombine.low v5, v4;
	v5 =	vunpack.c.0.s8.s32 v7;
	[dreg:$0x2] =	wrdreg s26  }
0xc: {  	s25 =	ssub.s32 s2, s11;
	s31 =	sadd.s32 s5, s10;
	v1 =	vcombine.low v1, v0;
	v0 =	vlaneseq.u32;
	[dreg:$0x3] =	wrdreg s30;
	v6 =	vand.u32 $0xF, v3  }
0xd: {  	s2 =	simm.s32 $0x0;
	s0 =	smax.u32 s25, $0x1;
	[dreg:$0x4] =	wrdreg s31;
	v3 =	vand.u32 $0xF, v4;
	v4 =	vcombine.low v6, v5;
	v5 =	vmul.u32 $0x2, v0  }
0xe: {  	s25 =	simm.s32 $0x5;
	[dreg:$0x5] =	wrdreg s0;
	s26 =	simm.s32 $0x6;
	v1 =	vand.u32 $0xF, v1;
	v2 =	vand.u32 $0xF, v2  }
.LBB2_23:
0xf: {  	s2 =	rddreg [dreg:$0x6]  }
0x10: {  	s0 =	rddreg [dreg:$0x5];
	s2 =	sadd.s32 $0x1, s2  }
0x11: {  	p0 =	sne.s32 s2, s0  }
.Ltmp1:
0x12: {  	_ = 	snop;
	(pc) =	sbr.rel @!p0 .LBB2_24-.Ltmp1, $1  }
0x13: {  	_ =	sdelay $0x3  }
.LBB2_1:
0x14: {  	s0 =	rddreg [dreg:$0x2]  }
0x15: {  	[tilespmem:s1], [sflag:$0x1] =	stream.linear.gather [hbm4b:s0+s1], $0x2800, $0x38;
	[tilespmem:$0xF0C0] =	vst v63  }
.Ltmp2:
0x16: {  	[dreg:$0x6] =	wrdreg s2;
	(pc) =	sbr.rel .LBB2_2-.Ltmp2, $4  }
0x17: {  	s16 =	rddreg [dreg:$0x3];
	s20 =	simm.s32 $0x2800  }
0x18: {  	[tilespmem:s20], [sflag:$0x2] =	stream.linear.gather [hbm4b:s16+s1], $0x2800, $0x38;
	[tilespmem:$0xF0C0] =	vst v63  }
0x19: {  	s22 =	rddreg [dreg:$0x4];
	s31 =	simm.s32 $0x5000;
	s30 =	simm.s32 $0x0  }
0x1a: {  	[tilespmem:s31], [sflag:$0x3] =	stream.linear.gather [hbm4b:s22+s1], $0x2800, $0x38;
	[tilespmem:$0xF0C0] =	vst v63  }
.LBB2_22:
0x1b: {  	s30 =	sadd.s32 $0x1, s30  }
0x1c: {  	p0 =	sne.s32 s30, $0x28  }
.Ltmp3:
0x1d: {  	_ = 	snop;
	(pc) =	sbr.rel @!p0 .LBB2_23-.Ltmp3, $1  }
0x1e: {  	_ =	sdelay $0x3  }
.LBB2_2:
0x1f: {  	s0 =	sshll.u32 s30, $0x6  }
0x20: {  	s2 =	sor.u32 s6, s0  }
0x21: {  	s31 =	sor.u32 $0x20, s2  }
0x22: {  	p0 =	sgt.u32 s31, $0x9C3  }
0x23: {  	s10 =	smul.u32 @!p0 $0x500, s31  }
0x24: {  	p1 =	sgt.u32 s2, $0x9C3  }
0x25: {  	s12 =	simm.s32 @!p0 $0x0;
	s14 =	simm.s32 @!p0 $0x7800;
	s11 =	sadd.s32 @!p0 s3, s10  }
0x26: {  	[tilespmem:s14], [sflag:$0x4] =	stream.linear.gather @!p0 [hbm4b:s11+s12], $0x2800, $0x38;
	[tilespmem:$0xF0C0] =	vst v63  }
.Ltmp4:
0x27: {  	_ = 	snop;
	(pc) =	sbr.rel @p1 .LBB2_12-.Ltmp4, $4  }
0x28: {  	s11 =	sadd.s32 @!p0 s4, s10;
	s14 =	simm.s32 @!p0 $0xA000  }
0x29: {  	[tilespmem:s14], [sflag:$0x5] =	stream.linear.gather @!p0 [hbm4b:s11+s12], $0x2800, $0x38;
	[tilespmem:$0xF0C0] =	vst v63  }
0x2a: {  	s10 =	sadd.s32 @!p0 s5, s10;
	s11 =	simm.s32 @!p0 $0xC800  }
0x2b: {  	[tilespmem:s11], [sflag:$0x6] =	stream.linear.gather @!p0 [hbm4b:s10+s12], $0x2800, $0x38;
	[tilespmem:$0xF0C0] =	vst v63  }
0x2c: {  	_ =	swait.ge [sflag:s17], $0x2800  }
0x2d: {  	[sflag:s17] =	ssyncset.done $0x0  }
0x2e: {  	[sflag:s17] =	ssyncadd.s32 $0xFFFFD800  }
0x2f: {  	_ =	swait.ge [sflag:s18], $0x2800  }
0x30: {  	[sflag:s18] =	ssyncset.done $0x0  }
0x31: {  	[sflag:s18] =	ssyncadd.s32 $0xFFFFD800  }
0x32: {  	_ =	swait.ge [sflag:s19], $0x2800  }
0x33: {  	s15 =	simm.s32 $0x0;
	[sflag:s19] =	ssyncset.done $0x0  }
0x34: {  	s16 =	simm.s32 $0x20;
	s10 =	simm.s32 $0x2800;
	[sflag:s19] =	ssyncadd.s32 $0xFFFFD800  }
.LBB2_4:
0x35: {  	v13 =	vld [tilespmem:s16+$0xFFFFFFE0]  }
0x36: {  	v8 =	vld [tilespmem:s16+$0xFFFFFFF0]  }
0x37: {  	v6 =	vld [tilespmem:s16+$0x0]  }
0x38: {  	v7 =	vld [tilespmem:s16+$0x10]  }
0x39: {  	s11 =	smul.u32 $0xA00, s15;
	v10 =	vimm.f32 $+Inf  }
0x3a: {  	v9 =	vimm.s32 $0xA00;
	s12 =	simm.s32 $0x3;
	s14 =	simm.s32 $0x7;
	s20 =	sadd.s32 $0x40, s16;
	v12 =	vimm.f32 $+Inf;
	v11 =	vimm.s32 $0xA00  }
.LBB2_5:
0x3b: {  	v14 =	vld [tilespmem:s20+$0xFFFFFFE0];
	vm0 =	vlt.f32 v13, v10;
	s22 =	sadd.s32 $0xFFFFFFFE, s12;
	vm1 =	vlt.f32 v8, v12;
	s29 =	smov.u32 s14;
	p1 =	seq.s32 s14, $0x9F  }
.Ltmp5:
0x3c: {  	s14 =	sadd.s32 $0x4, s14;
	s23 =	sadd.s32 $0xFFFFFFFD, s12;
	v10 =	vsel vm0, v13, v10;
	v12 =	vsel vm1, v8, v12;
	v8 =	vld [tilespmem:s20+$0xFFFFFFF0];
	v9 =	vsel vm1, s22, v9;
	(pc) =	sbr.rel @!p1 .LBB2_5-.Ltmp5, $4  }
0x3d: {  	v11 =	vsel vm0, s23, v11;
	v13 =	vmovc v6;
	vm0 =	vlt.f32 v6, v10;
	vm1 =	vlt.f32 v7, v12;
	v6 =	vld [tilespmem:s20+$0x0]  }
0x3e: {  	s22 =	sadd.s32 $0xFFFFFFFF, s12;
	v10 =	vsel vm0, v13, v10;
	v12 =	vsel vm1, v7, v12;
	v7 =	vld [tilespmem:s20+$0x10];
	v9 =	vsel vm1, s12, v9;
	s12 =	smov.u32 s29  }
0x3f: {  	v11 =	vsel vm0, s22, v11  }
0x40: {  	s20 =	sadd.s32 $0x40, s20;
	v13 =	vmov v14  }
0x41: {  	vm0 =	vlt.f32 v13, v10;
	vm1 =	vlt.f32 v8, v12  }
0x42: {  	s14 =	sadd.s32 $0xFFFFFFFE, s12;
	s20 =	sadd.s32 $0xFFFFFFFD, s12;
	s29 =	sadd.s32 $0x5000, s11;
	v10 =	vsel vm0, v13, v10;
	v8 =	vsel vm1, v8, v12  }
0x43: {  	v9 =	vsel vm1, s14, v9;
	v11 =	vsel vm0, s20, v11;
	v13 =	vmov s29  }
0x44: {  	v12 =	vimm.f32 $0.0e+00;
	vm14 =	vlt.f32 v6, v10;
	vm15 =	vlt.f32 v7, v8  }
0x45: {  	s23 =	sadd.s32 $0xFFFFFFFF, s12;
	v6 =	vsel vm14, v6, v10;
	v7 =	vsel vm15, v7, v8;
	v8 =	vsel vm15, s12, v9  }
0x46: {  	s11 =	simm.s32 $0x0;
	v10 =	vsel vm14, s23, v11;
	v11 =	vimm.s32 $0x0;
	v9 =	vimm.f32 $0.0e+00;
	s12 =	simm.s32 $0x0  }
.LBB2_7:
0x47: {  	v14 =	vshll.u32 v10, $0x4;
	v15 =	vshll.u32 v8, $0x4  }
0x48: {  	vm0 =	veq.f32 v7, v6;
	vm1 =	vlt.s32 v15, v14  }
0x49: {  	vm2 =	vlt.f32 v7, v6;
	vm0 =	vmand vm0, vm1  }
0x4a: {  	vm0 =	vmor vm2, vm0  }
0x4b: {  	v14 =	vsel vm0, v15, v14  }
0x4c: {  	v15 =	vsel vm0, v7, v6;
	v14 =	vor.u32 v0, v14  }
0x4d: {  	v16 =	vperm.xlane v15, v1;
	v17 =	vperm.xlane v14, v1;
	_ =	sdelay $0x1  }
0x4e: {  	vm0 =	veq.f32 v16, v15;
	vm1 =	vlt.s32 v17, v14  }
0x4f: {  	vm2 =	vlt.f32 v16, v15;
	vm0 =	vmand vm0, vm1  }
0x50: {  	vm0 =	vmor vm2, vm0  }
0x51: {  	v15 =	vsel vm0, v16, v15;
	v14 =	vsel vm0, v17, v14  }
0x52: {  	v16 =	vperm.xlane v15, v2;
	v17 =	vperm.xlane v14, v2;
	_ =	sdelay $0x1  }
0x53: {  	vm0 =	veq.f32 v16, v15;
	vm1 =	vlt.s32 v17, v14  }
0x54: {  	vm2 =	vlt.f32 v16, v15;
	vm0 =	vmand vm0, vm1  }
0x55: {  	vm0 =	vmor vm2, vm0  }
0x56: {  	v15 =	vsel vm0, v16, v15;
	v14 =	vsel vm0, v17, v14  }
0x57: {  	v16 =	vperm.xlane v15, v3;
	v17 =	vperm.xlane v14, v3;
	_ =	sdelay $0x1  }
0x58: {  	vm0 =	veq.f32 v16, v15;
	vm1 =	vlt.s32 v17, v14  }
0x59: {  	vm2 =	vlt.f32 v16, v15;
	vm0 =	vmand vm0, vm1  }
0x5a: {  	vm0 =	vmor vm2, vm0  }
0x5b: {  	v15 =	vsel vm0, v16, v15;
	v14 =	vsel vm0, v17, v14  }
0x5c: {  	v16 =	vperm.xlane v15, v4;
	v17 =	vperm.xlane v14, v4;
	_ =	sdelay $0x1  }
0x5d: {  	vm0 =	veq.f32 v16, v15;
	vm1 =	vlt.s32 v17, v14  }
0x5e: {  	vm2 =	vlt.f32 v16, v15;
	vm0 =	vmand vm0, vm1  }
0x5f: {  	vm0 =	vmor vm2, vm0  }
0x60: {  	v14 =	vsel vm0, v17, v14  }
0x61: {  	(v2sf) =	vpush v14, $0x0;
	_ =	sdelay $0xe  }
0x62: {  	s14 =	spop (v2sf)  }
0x63: {  	s20 =	sand.u32 $0x1F, s14  }
0x64: {  	s20 =	smul.u32 $0x140, s20;
	_ =	sdelay $0x1  }
0x65: {  	s22 =	sand.u32 $0xFFFFFFF0, s14;
	s20 =	sshrl.u32 s20, $0x2  }
0x66: {  	v17 =	vld.idx.msk [tilespmem:v13+s22+$0x0 ss:$0x1], $0xffff;
	s20 =	sadd.s32 s20, s10  }
0x67: {  	v23 =	vld [tilespmem:s20+$0x0]  }
0x68: {  	v18 =	vmov s11;
	s23 =	sshrl.u32 s14, $0x4  }
0x69: {  	v18 =	vshll.u32 v18, $0x1;
	s29 =	sand.u32 $0x1, s23  }
0x6a: {  	v18 =	vor.u32 v5, v18;
	v15 =	vsel vm0, v16, v15;
	v20 =	vmov s29  }
0x6b: {  	v19 =	vshra.s32 v14, $0x4;
	v16 =	vperm.xlane v17, v14;
	v17 =	vor.u32 v20, v18  }
0x6c: {  	v21 =	vimm.s32 $0xA00;
	s23 =	simm.s32 $0x10;
	s20 =	sadd.s32 $0x10, s20;
	vm0 =	vgt.s32 v17, v19;
	vm1 =	veq.f32 v23, v15  }
0x6d: {  	v24 =	vmov s23;
	v22 =	vld [tilespmem:s20+$0x0];
	vm2 =	vgt.f32 v23, v15;
	vm0 =	vmand vm0, vm1  }
0x6e: {  	s22 =	simm.s32 $0x20;
	v24 =	vshll.u32 v24, $0x1;
	v18 =	vimm.f32 $+Inf;
	vm0 =	vmor vm2, vm0  }
.LBB2_8:
0x6f: {  	v25 =	vmov s22;
	v24 =	vor.u32 v5, v24;
	v26 =	vnsel vm0, $0x7F800000, v23;
	p1 =	sne.s32 s22, $0x40  }
.Ltmp6:
0x70: {  	vm1 =	vlt.s32 v17, v21;
	v24 =	vor.u32 v20, v24;
	vm0 =	veq.f32 v26, v18;
	(pc) =	sbr.rel @p1 .LBB2_8-.Ltmp6, $4  }
0x71: {  	vm3 =	vlt.f32 v26, v18;
	vm2 =	vgt.s32 v24, v19;
	vm0 =	vmand vm1, vm0  }
0x72: {  	s20 =	sadd.s32 $0x10, s20;
	vm1 =	vgt.f32 v22, v15;
	vm4 =	veq.f32 v22, v15;
	vm0 =	vmor vm3, vm0;
	v23 =	vmovc v22  }
0x73: {  	s22 =	sadd.s32 $0x10, s22;
	v22 =	vld [tilespmem:s20+$0x0];
	vm2 =	vmand vm2, vm4;
	v18 =	vsel vm0, v26, v18;
	v21 =	vsel vm0, v17, v21;
	v17 =	vmovc v24  }
0x74: {  	v24 =	vshll.u32 v25, $0x1;
	vm0 =	vmor vm1, vm2  }
0x75: {  	_ = 	snop  }
0x76: {  	v24 =	vor.u32 v5, v24;
	v23 =	vnsel vm0, $0x7F800000, v23  }
0x77: {  	vm1 =	vlt.s32 v17, v21;
	v20 =	vor.u32 v20, v24;
	vm0 =	veq.f32 v23, v18  }
0x78: {  	vm3 =	vlt.f32 v23, v18;
	vm2 =	vgt.s32 v20, v19;
	vm4 =	veq.f32 v22, v15  }
0x79: {  	vm0 =	vmand vm1, vm0;
	vm8 =	vgt.f32 v22, v15;
	vm2 =	vmand vm2, vm4  }
0x7a: {  	vm0 =	vmor vm3, vm0;
	vm1 =	vmor vm8, vm2  }
0x7b: {  	v57 =	vsel vm0, v23, v18;
	v58 =	vsel vm0, v17, v21;
	v59 =	vnsel vm1, $0x7F800000, v22  }
0x7c: {  	vm10 =	vlt.s32 v20, v58;
	vm9 =	veq.f32 v59, v57  }
0x7d: {  	vm11 =	vlt.f32 v59, v57;
	vm0 =	vmand vm10, vm9  }
0x7e: {  	vm0 =	vmor vm11, vm0  }
0x7f: {  	v18 =	vsel vm0, v59, v57;
	v17 =	vsel vm0, v20, v58  }
0x80: {  	v19 =	vperm.xlane v18, v1;
	v20 =	vperm.xlane v17, v1;
	_ =	sdelay $0x1  }
0x81: {  	vm12 =	veq.f32 v19, v18;
	vm13 =	vlt.s32 v20, v17  }
0x82: {  	vm14 =	vlt.f32 v19, v18;
	vm0 =	vmand vm12, vm13  }
0x83: {  	vm0 =	vmor vm14, vm0  }
0x84: {  	v18 =	vsel vm0, v19, v18;
	v17 =	vsel vm0, v20, v17  }
0x85: {  	v19 =	vperm.xlane v18, v2;
	v20 =	vperm.xlane v17, v2;
	_ =	sdelay $0x1  }
0x86: {  	vm15 =	veq.f32 v19, v18;
	vm4 =	vlt.s32 v20, v17  }
0x87: {  	vm5 =	vlt.f32 v19, v18;
	vm0 =	vmand vm15, vm4  }
0x88: {  	vm0 =	vmor vm5, vm0  }
0x89: {  	v18 =	vsel vm0, v19, v18;
	v17 =	vsel vm0, v20, v17  }
0x8a: {  	v19 =	vperm.xlane v18, v3;
	v20 =	vperm.xlane v17, v3;
	_ =	sdelay $0x1  }
0x8b: {  	vm6 =	veq.f32 v19, v18;
	vm7 =	vlt.s32 v20, v17  }
0x8c: {  	vm8 =	vlt.f32 v19, v18;
	vm0 =	vmand vm6, vm7  }
0x8d: {  	vm0 =	vmor vm8, vm0  }
0x8e: {  	v60 =	vmov s12;
	v18 =	vsel vm0, v19, v18;
	v17 =	vsel vm0, v20, v17  }
0x8f: {  	s14 =	sand.u32 $0xF, s14;
	vm9 =	veq.s32 v60, v0;
	v61 =	vperm.xlane v18, v4;
	v62 =	vperm.xlane v17, v4  }
0x90: {  	s12 =	sadd.s32 $0x1, s12;
	v11 =	vsel vm9, v14, v11;
	v14 =	vmov s14  }
0x91: {  	s29 =	sadd.s32 $0x1, s29;
	p1 =	sne.s32 s12, $0x10;
	vm13 =	veq.s32 v14, v0;
	vm11 =	veq.f32 v61, v18;
	vm12 =	vlt.s32 v62, v17  }
.Ltmp7:
0x92: {  	v14 =	vmov s29;
	vm10 =	vlt.f32 v61, v18;
	vm2 =	vmand vm11, vm12;
	(pc) =	sbr.rel @p1 .LBB2_7-.Ltmp7, $4  }
0x93: {  	v12 =	vsel vm9, v15, v12;
	v14 =	vnsel vm13, $0x0, v14;
	vm1 =	vmor vm10, vm2  }
0x94: {  	v9 =	vsel vm9, v16, v9;
	vm14 =	veq.s32 v14, $0x1;
	v15 =	vsel vm1, v61, v18  }
0x95: {  	vm15 =	veq.s32 v14, $0x2;
	v63 =	vsel vm1, v62, v17;
	v6 =	vsel vm14, v15, v6  }
0x96: {  	v10 =	vsel vm14, v63, v10;
	v7 =	vsel vm15, v15, v7;
	v8 =	vsel vm15, v63, v8  }
0x97: {  	s11 =	sshll.u32 s15, $0x4;
	s15 =	sadd.s32 $0x1, s15  }
0x98: {  	p1 =	sne.s32 s15, $0x4  }
.Ltmp8:
0x99: {  	_ = 	snop;
	(pc) =	sbr.rel @p1 .LBB2_4-.Ltmp8, $4  }
0x9a: {  	_ = 	snop  }
0x9b: {  	[tilespmem:s11+$0xF000] =	vst v11  }
0x9c: {  	[tilespmem:s11+$0xF040] =	vst v12  }
0x9d: {  	s16 =	sadd.s32 $0xA00, s16;
	s10 =	sadd.s32 $0xA00, s10;
	[tilespmem:s11+$0xF080] =	vst v9  }
0x9e: {  	s2 =	sshll.u32 s2, $0x3  }
0x9f: {  	s23 =	simm.s32 $0xF000;
	s10 =	sadd.s32 s7, s2  }
0xa0: {  	[hbm4b:s10+s1] =	stream.linear.scatter [tilespmem:s23], [sflag:$0x8], $0x40, $0x38;
	[tilespmem:$0xF0C0] =	vst v63  }
0xa1: {  	_ =	swait.ge [sflag:s21], $0x40  }
0xa2: {  	[sflag:s21] =	ssyncset.done $0x0  }
0xa3: {  	s29 =	simm.s32 $0xF040;
	s20 =	sadd.s32 s8, s2;
	[sflag:s21] =	ssyncadd.s32 $0xFFFFFFC0  }
0xa4: {  	[hbm4b:s20+s1] =	stream.linear.scatter [tilespmem:s29], [sflag:$0x8], $0x40, $0x38;
	[tilespmem:$0xF0C0] =	vst v63  }
0xa5: {  	_ =	swait.ge [sflag:s21], $0x40  }
0xa6: {  	[sflag:s21] =	ssyncset.done $0x0  }
0xa7: {  	s22 =	simm.s32 $0xF080;
	s2 =	sadd.s32 s9, s2;
	[sflag:s21] =	ssyncadd.s32 $0xFFFFFFC0  }
0xa8: {  	[hbm4b:s2+s1] =	stream.linear.scatter [tilespmem:s22], [sflag:$0x8], $0x40, $0x38;
	[tilespmem:$0xF0C0] =	vst v63  }
0xa9: {  	_ =	swait.ge [sflag:s21], $0x40  }
0xaa: {  	[sflag:s21] =	ssyncset.done $0x0  }
0xab: {  	[sflag:s21] =	ssyncadd.s32 $0xFFFFFFC0  }
.LBB2_12:
0xac: {  	s0 =	sadd.s32 s13, s0  }
0xad: {  	p1 =	sgt.u32 s0, $0x9C3  }
0xae: {  	s0 =	smul.u32 @!p1 $0x500, s0;
	_ =	sdelay $0x1  }
0xaf: {  	s10 =	simm.s32 @!p1 $0x0;
	s2 =	sadd.s32 @!p1 s3, s0  }
0xb0: {  	[tilespmem:s10], [sflag:$0x1] =	stream.linear.gather @!p1 [hbm4b:s2+s10], $0x2800, $0x38;
	[tilespmem:$0xF0C0] =	vst v63  }
.Ltmp9:
0xb1: {  	_ = 	snop;
	(pc) =	sbr.rel @p0 .LBB2_22-.Ltmp9, $4  }
0xb2: {  	s11 =	simm.s32 @!p1 $0x2800;
	s2 =	sadd.s32 @!p1 s4, s0  }
0xb3: {  	[tilespmem:s11], [sflag:$0x2] =	stream.linear.gather @!p1 [hbm4b:s2+s10], $0x2800, $0x38;
	[tilespmem:$0xF0C0] =	vst v63  }
0xb4: {  	s0 =	sadd.s32 @!p1 s5, s0;
	s2 =	simm.s32 @!p1 $0x5000  }
0xb5: {  	[tilespmem:s2], [sflag:$0x3] =	stream.linear.gather @!p1 [hbm4b:s0+s10], $0x2800, $0x38;
	[tilespmem:$0xF0C0] =	vst v63  }
0xb6: {  	_ =	swait.ge [sflag:s24], $0x2800  }
0xb7: {  	[sflag:s24] =	ssyncset.done $0x0  }
0xb8: {  	[sflag:s24] =	ssyncadd.s32 $0xFFFFD800  }
0xb9: {  	_ =	swait.ge [sflag:s25], $0x2800  }
0xba: {  	[sflag:s25] =	ssyncset.done $0x0  }
0xbb: {  	[sflag:s25] =	ssyncadd.s32 $0xFFFFD800  }
0xbc: {  	_ =	swait.ge [sflag:s26], $0x2800  }
0xbd: {  	s0 =	simm.s32 $0x0;
	[sflag:s26] =	ssyncset.done $0x0  }
0xbe: {  	s2 =	simm.s32 $0x7820;
	s10 =	simm.s32 $0xA000;
	[sflag:s26] =	ssyncadd.s32 $0xFFFFD800  }
.LBB2_14:
0xbf: {  	v13 =	vld [tilespmem:s2+$0xFFFFFFE0]  }
0xc0: {  	v8 =	vld [tilespmem:s2+$0xFFFFFFF0]  }
0xc1: {  	v6 =	vld [tilespmem:s2+$0x0]  }
0xc2: {  	v7 =	vld [tilespmem:s2+$0x10]  }
0xc3: {  	s11 =	smul.u32 $0xA00, s0;
	v10 =	vimm.f32 $+Inf  }
0xc4: {  	v9 =	vimm.s32 $0xA00;
	s12 =	simm.s32 $0x3;
	s14 =	simm.s32 $0x7;
	s15 =	sadd.s32 $0x40, s2;
	v12 =	vimm.f32 $+Inf;
	v11 =	vimm.s32 $0xA00  }
.LBB2_15:
0xc5: {  	v14 =	vld [tilespmem:s15+$0xFFFFFFE0];
	vm0 =	vlt.f32 v13, v10;
	s16 =	sadd.s32 $0xFFFFFFFE, s12;
	vm1 =	vlt.f32 v8, v12;
	s20 =	smov.u32 s14;
	p0 =	seq.s32 s14, $0x9F  }
.Ltmp10:
0xc6: {  	s14 =	sadd.s32 $0x4, s14;
	s22 =	sadd.s32 $0xFFFFFFFD, s12;
	v10 =	vsel vm0, v13, v10;
	v12 =	vsel vm1, v8, v12;
	v8 =	vld [tilespmem:s15+$0xFFFFFFF0];
	v9 =	vsel vm1, s16, v9;
	(pc) =	sbr.rel @!p0 .LBB2_15-.Ltmp10, $4  }
0xc7: {  	v11 =	vsel vm0, s22, v11;
	v13 =	vmovc v6;
	vm0 =	vlt.f32 v6, v10;
	vm1 =	vlt.f32 v7, v12;
	v6 =	vld [tilespmem:s15+$0x0]  }
0xc8: {  	s16 =	sadd.s32 $0xFFFFFFFF, s12;
	v10 =	vsel vm0, v13, v10;
	v12 =	vsel vm1, v7, v12;
	v7 =	vld [tilespmem:s15+$0x10];
	v9 =	vsel vm1, s12, v9;
	s12 =	smov.u32 s20  }
0xc9: {  	v11 =	vsel vm0, s16, v11  }
0xca: {  	s15 =	sadd.s32 $0x40, s15;
	v13 =	vmov v14  }
0xcb: {  	vm0 =	vlt.f32 v13, v10;
	vm1 =	vlt.f32 v8, v12  }
0xcc: {  	s14 =	sadd.s32 $0xFFFFFFFE, s12;
	s15 =	sadd.s32 $0xFFFFFFFD, s12;
	s22 =	sadd.s32 $0xC800, s11;
	v10 =	vsel vm0, v13, v10;
	v8 =	vsel vm1, v8, v12  }
0xcd: {  	v9 =	vsel vm1, s14, v9;
	v11 =	vsel vm0, s15, v11;
	v13 =	vmov s22  }
0xce: {  	v12 =	vimm.f32 $0.0e+00;
	vm14 =	vlt.f32 v6, v10;
	vm15 =	vlt.f32 v7, v8  }
0xcf: {  	s20 =	sadd.s32 $0xFFFFFFFF, s12;
	v6 =	vsel vm14, v6, v10;
	v7 =	vsel vm15, v7, v8;
	v8 =	vsel vm15, s12, v9  }
0xd0: {  	s11 =	simm.s32 $0x0;
	v10 =	vsel vm14, s20, v11;
	v11 =	vimm.s32 $0x0;
	v9 =	vimm.f32 $0.0e+00;
	s12 =	simm.s32 $0x0  }
.LBB2_17:
0xd1: {  	v14 =	vshll.u32 v10, $0x4;
	v15 =	vshll.u32 v8, $0x4  }
0xd2: {  	vm0 =	veq.f32 v7, v6;
	vm1 =	vlt.s32 v15, v14  }
0xd3: {  	vm2 =	vlt.f32 v7, v6;
	vm0 =	vmand vm0, vm1  }
0xd4: {  	vm0 =	vmor vm2, vm0  }
0xd5: {  	v14 =	vsel vm0, v15, v14  }
0xd6: {  	v15 =	vsel vm0, v7, v6;
	v14 =	vor.u32 v0, v14  }
0xd7: {  	v16 =	vperm.xlane v15, v1;
	v17 =	vperm.xlane v14, v1;
	_ =	sdelay $0x1  }
0xd8: {  	vm0 =	veq.f32 v16, v15;
	vm1 =	vlt.s32 v17, v14  }
0xd9: {  	vm2 =	vlt.f32 v16, v15;
	vm0 =	vmand vm0, vm1  }
0xda: {  	vm0 =	vmor vm2, vm0  }
0xdb: {  	v15 =	vsel vm0, v16, v15;
	v14 =	vsel vm0, v17, v14  }
0xdc: {  	v16 =	vperm.xlane v15, v2;
	v17 =	vperm.xlane v14, v2;
	_ =	sdelay $0x1  }
0xdd: {  	vm0 =	veq.f32 v16, v15;
	vm1 =	vlt.s32 v17, v14  }
0xde: {  	vm2 =	vlt.f32 v16, v15;
	vm0 =	vmand vm0, vm1  }
0xdf: {  	vm0 =	vmor vm2, vm0  }
0xe0: {  	v15 =	vsel vm0, v16, v15;
	v14 =	vsel vm0, v17, v14  }
0xe1: {  	v16 =	vperm.xlane v15, v3;
	v17 =	vperm.xlane v14, v3;
	_ =	sdelay $0x1  }
0xe2: {  	vm0 =	veq.f32 v16, v15;
	vm1 =	vlt.s32 v17, v14  }
0xe3: {  	vm2 =	vlt.f32 v16, v15;
	vm0 =	vmand vm0, vm1  }
0xe4: {  	vm0 =	vmor vm2, vm0  }
0xe5: {  	v15 =	vsel vm0, v16, v15;
	v14 =	vsel vm0, v17, v14  }
0xe6: {  	v16 =	vperm.xlane v15, v4;
	v17 =	vperm.xlane v14, v4;
	_ =	sdelay $0x1  }
0xe7: {  	vm0 =	veq.f32 v16, v15;
	vm1 =	vlt.s32 v17, v14  }
0xe8: {  	vm2 =	vlt.f32 v16, v15;
	vm0 =	vmand vm0, vm1  }
0xe9: {  	vm0 =	vmor vm2, vm0  }
0xea: {  	v14 =	vsel vm0, v17, v14  }
0xeb: {  	(v2sf) =	vpush v14, $0x0;
	_ =	sdelay $0xe  }
0xec: {  	s14 =	spop (v2sf)  }
0xed: {  	s15 =	sand.u32 $0x1F, s14  }
0xee: {  	s15 =	smul.u32 $0x140, s15;
	_ =	sdelay $0x1  }
0xef: {  	s16 =	sand.u32 $0xFFFFFFF0, s14;
	s15 =	sshrl.u32 s15, $0x2  }
0xf0: {  	v17 =	vld.idx.msk [tilespmem:v13+s16+$0x0 ss:$0x1], $0xffff;
	s16 =	sadd.s32 s15, s10  }
0xf1: {  	v23 =	vld [tilespmem:s16+$0x0]  }
0xf2: {  	v18 =	vmov s11;
	s22 =	sshrl.u32 s14, $0x4  }
0xf3: {  	v18 =	vshll.u32 v18, $0x1;
	s15 =	sand.u32 $0x1, s22  }
0xf4: {  	v18 =	vor.u32 v5, v18;
	v15 =	vsel vm0, v16, v15;
	v20 =	vmov s15  }
0xf5: {  	v19 =	vshra.s32 v14, $0x4;
	v16 =	vperm.xlane v17, v14;
	v17 =	vor.u32 v20, v18  }
0xf6: {  	s20 =	simm.s32 $0x10;
	v21 =	vimm.s32 $0xA00;
	s16 =	sadd.s32 $0x10, s16;
	vm0 =	vgt.s32 v17, v19;
	vm1 =	veq.f32 v23, v15  }
0xf7: {  	v24 =	vmov s20;
	v22 =	vld [tilespmem:s16+$0x0];
	vm2 =	vgt.f32 v23, v15;
	vm0 =	vmand vm0, vm1  }
0xf8: {  	s20 =	simm.s32 $0x20;
	v24 =	vshll.u32 v24, $0x1;
	v18 =	vimm.f32 $+Inf;
	vm0 =	vmor vm2, vm0  }
.LBB2_18:
0xf9: {  	v25 =	vmov s20;
	v24 =	vor.u32 v5, v24;
	v26 =	vnsel vm0, $0x7F800000, v23;
	p0 =	sne.s32 s20, $0x40  }
.Ltmp11:
0xfa: {  	vm1 =	vlt.s32 v17, v21;
	v24 =	vor.u32 v20, v24;
	vm0 =	veq.f32 v26, v18;
	(pc) =	sbr.rel @p0 .LBB2_18-.Ltmp11, $4  }
0xfb: {  	vm3 =	vlt.f32 v26, v18;
	vm2 =	vgt.s32 v24, v19;
	vm0 =	vmand vm1, vm0  }
0xfc: {  	s16 =	sadd.s32 $0x10, s16;
	vm1 =	vgt.f32 v22, v15;
	vm4 =	veq.f32 v22, v15;
	vm0 =	vmor vm3, vm0;
	v23 =	vmovc v22  }
0xfd: {  	s20 =	sadd.s32 $0x10, s20;
	v22 =	vld [tilespmem:s16+$0x0];
	vm2 =	vmand vm2, vm4;
	v18 =	vsel vm0, v26, v18;
	v21 =	vsel vm0, v17, v21;
	v17 =	vmovc v24  }
0xfe: {  	v24 =	vshll.u32 v25, $0x1;
	vm0 =	vmor vm1, vm2  }
0xff: {  	_ = 	snop  }
0x100: {  	v24 =	vor.u32 v5, v24;
	v23 =	vnsel vm0, $0x7F800000, v23  }
0x101: {  	vm1 =	vlt.s32 v17, v21;
	v20 =	vor.u32 v20, v24;
	vm0 =	veq.f32 v23, v18  }
0x102: {  	vm3 =	vlt.f32 v23, v18;
	vm2 =	vgt.s32 v20, v19;
	vm4 =	veq.f32 v22, v15  }
0x103: {  	vm0 =	vmand vm1, vm0;
	vm8 =	vgt.f32 v22, v15;
	vm2 =	vmand vm2, vm4  }
0x104: {  	vm0 =	vmor vm3, vm0;
	vm1 =	vmor vm8, vm2  }
0x105: {  	v57 =	vsel vm0, v23, v18;
	v58 =	vsel vm0, v17, v21;
	v59 =	vnsel vm1, $0x7F800000, v22  }
0x106: {  	vm10 =	vlt.s32 v20, v58;
	vm9 =	veq.f32 v59, v57  }
0x107: {  	vm11 =	vlt.f32 v59, v57;
	vm0 =	vmand vm10, vm9  }
0x108: {  	vm0 =	vmor vm11, vm0  }
0x109: {  	v18 =	vsel vm0, v59, v57;
	v17 =	vsel vm0, v20, v58  }
0x10a: {  	v19 =	vperm.xlane v18, v1;
	v20 =	vperm.xlane v17, v1;
	_ =	sdelay $0x1  }
0x10b: {  	vm12 =	veq.f32 v19, v18;
	vm13 =	vlt.s32 v20, v17  }
0x10c: {  	vm14 =	vlt.f32 v19, v18;
	vm0 =	vmand vm12, vm13  }
0x10d: {  	vm0 =	vmor vm14, vm0  }
0x10e: {  	v18 =	vsel vm0, v19, v18;
	v17 =	vsel vm0, v20, v17  }
0x10f: {  	v19 =	vperm.xlane v18, v2;
	v20 =	vperm.xlane v17, v2;
	_ =	sdelay $0x1  }
0x110: {  	vm15 =	veq.f32 v19, v18;
	vm4 =	vlt.s32 v20, v17  }
0x111: {  	vm5 =	vlt.f32 v19, v18;
	vm0 =	vmand vm15, vm4  }
0x112: {  	vm0 =	vmor vm5, vm0  }
0x113: {  	v18 =	vsel vm0, v19, v18;
	v17 =	vsel vm0, v20, v17  }
0x114: {  	v19 =	vperm.xlane v18, v3;
	v20 =	vperm.xlane v17, v3;
	_ =	sdelay $0x1  }
0x115: {  	vm6 =	veq.f32 v19, v18;
	vm7 =	vlt.s32 v20, v17  }
0x116: {  	vm8 =	vlt.f32 v19, v18;
	vm0 =	vmand vm6, vm7  }
0x117: {  	vm0 =	vmor vm8, vm0  }
0x118: {  	v60 =	vmov s12;
	v18 =	vsel vm0, v19, v18;
	v17 =	vsel vm0, v20, v17  }
0x119: {  	s14 =	sand.u32 $0xF, s14;
	vm9 =	veq.s32 v60, v0;
	v61 =	vperm.xlane v18, v4;
	v62 =	vperm.xlane v17, v4  }
0x11a: {  	s12 =	sadd.s32 $0x1, s12;
	v11 =	vsel vm9, v14, v11;
	v14 =	vmov s14  }
0x11b: {  	s22 =	sadd.s32 $0x1, s15;
	p0 =	sne.s32 s12, $0x10;
	vm13 =	veq.s32 v14, v0;
	vm11 =	veq.f32 v61, v18;
	vm12 =	vlt.s32 v62, v17  }
.Ltmp12:
0x11c: {  	v14 =	vmov s22;
	vm10 =	vlt.f32 v61, v18;
	vm2 =	vmand vm11, vm12;
	(pc) =	sbr.rel @p0 .LBB2_17-.Ltmp12, $4  }
0x11d: {  	v12 =	vsel vm9, v15, v12;
	v14 =	vnsel vm13, $0x0, v14;
	vm1 =	vmor vm10, vm2  }
0x11e: {  	v9 =	vsel vm9, v16, v9;
	vm14 =	veq.s32 v14, $0x1;
	v15 =	vsel vm1, v61, v18  }
0x11f: {  	vm15 =	veq.s32 v14, $0x2;
	v63 =	vsel vm1, v62, v17;
	v6 =	vsel vm14, v15, v6  }
0x120: {  	v10 =	vsel vm14, v63, v10;
	v7 =	vsel vm15, v15, v7;
	v8 =	vsel vm15, v63, v8  }
0x121: {  	s11 =	sshll.u32 s0, $0x4;
	s0 =	sadd.s32 $0x1, s0  }
0x122: {  	p0 =	sne.s32 s0, $0x4  }
.Ltmp13:
0x123: {  	_ = 	snop;
	(pc) =	sbr.rel @p0 .LBB2_14-.Ltmp13, $4  }
0x124: {  	_ = 	snop  }
0x125: {  	[tilespmem:s11+$0xF000] =	vst v11  }
0x126: {  	[tilespmem:s11+$0xF040] =	vst v12  }
0x127: {  	s2 =	sadd.s32 $0xA00, s2;
	s10 =	sadd.s32 $0xA00, s10;
	[tilespmem:s11+$0xF080] =	vst v9  }
0x128: {  	s0 =	sshll.u32 s31, $0x3  }
0x129: {  	s2 =	sadd.s32 s7, s0  }
0x12a: {  	[hbm4b:s2+s1] =	stream.linear.scatter [tilespmem:s23], [sflag:$0x8], $0x40, $0x38;
	[tilespmem:$0xF0C0] =	vst v63  }
0x12b: {  	_ =	swait.ge [sflag:s21], $0x40  }
0x12c: {  	[sflag:s21] =	ssyncset.done $0x0  }
0x12d: {  	s22 =	sadd.s32 s8, s0;
	[sflag:s21] =	ssyncadd.s32 $0xFFFFFFC0  }
0x12e: {  	[hbm4b:s22+s1] =	stream.linear.scatter [tilespmem:s29], [sflag:$0x8], $0x40, $0x38;
	[tilespmem:$0xF0C0] =	vst v63  }
0x12f: {  	_ =	swait.ge [sflag:s21], $0x40  }
0x130: {  	s31 =	simm.s32 $0xF080;
	[sflag:s21] =	ssyncset.done $0x0  }
.Ltmp14:
0x131: {  	s0 =	sadd.s32 s9, s0;
	[sflag:s21] =	ssyncadd.s32 $0xFFFFFFC0;
	(pc) =	sbr.rel .LBB2_22-.Ltmp14, $4  }
0x132: {  	[hbm4b:s0+s1] =	stream.linear.scatter [tilespmem:s31], [sflag:$0x7], $0x40, $0x38;
	[tilespmem:$0xF0C0] =	vst v63  }
0x133: {  	_ =	swait.ge [sflag:s28], $0x40  }
0x134: {  	[sflag:s28] =	ssyncset.done $0x0  }
0x135: {  	[sflag:s28] =	ssyncadd.s32 $0xFFFFFFC0  }
.LBB2_24:
0x136: {  	_ =	sfence.sel $0x180000  }
0x137: {  	[bflag:$0x0] =	sbarrier.arrive $0xFFFF  }
0x138: {  	_ =	strace $0x9000004D  }
0x139: {  	s0 =	stileid.u32;
	[bflag:$0x2] =	sbarrier.arrive $0xFFFF  }
0x13a: {  	p0 =	sne.s32 s0, $0x0;
	s0 =	rddreg [dreg:$0x1]  }
0x13b: {  	s0 =	sadd.s32 @!p0 $0x100000, s0  }
0x13c: {  	[sflag:s0] =	ssyncadd.tile.s32 @!p0 $0x1;
	_ =	shalt  }
.Lfunc_end2:
_tile_overlayer_lowered:
.L_overlay_start_2:
0x13d: {  	(tag) =	ssettag $0x2  }
0x13e: {  	s0 =	rddreg [dreg:$0x0];
	s2 =	stileid.u32  }
0x13f: {  	s1 =	rddreg [dreg:$0x1];
	p0 =	sne.s32 s2, $0x0  }
0x140: {  	s3 =	rddreg [dreg:$0x2];
	[bflag:$0x3] =	sbarrier.arrive $0xFFFF;
	s2 =	simm.s32 @!p0 $0x1C07  }
0x141: {  	[timem:s3], [sflag:s2] =	dma.local @!p0 [hbm:s0], s1  }
0x142: {  	s0 =	simm.s32 @!p0 $0x7  }
0x143: {  	_ =	swait.ge @!p0 [sflag:s0], s1  }
0x144: {  	s1 =	ssub.s32 @!p0 $0x0, s1;
	[sflag:s0] =	ssyncset.done @!p0 $0x0  }
0x145: {  	[sflag:s0] =	ssyncadd.s32 @!p0 s1  }
0x146: {  	[bflag:$0x3] =	sbarrier.arrive $0xFFFF  }
0x147: {  	_ =	shalt  }

// kernel: sparse-core-data-format-call.1.cloned.1.call-start
scs
called_computation.1_lowered:
.L_overlay_start_0:
0x0: {  	s1 =	sld [smem:$0x3FD9]  }
0x1: {  	s2 =	sld [smem:$0x3FFE];
	_ =	sdelay $0x1  }
0x2: {  	s3 =	srdreg.scid  }
0x3: {  	s0 =	sand.u32 $0x1, s3  }
0x4: {  	s17 =	sshll.u32 s0, $0xA;
	s1 =	sadd.s32 s2, s1  }
0x5: {  	s1 =	sadd.s32 s1, s17  }
0x6: {  	[smem:$0x3FA4] =	sst s1  }
0x7: {  	_ = 	snop  }
0x8: {  	(tm) =	ssettm $0x1  }
0x9: {  	s18 =	sld [smem:$0x3FFB];
	_ =	sdelay $0x3  }
0xa: {  	_ =	strace s18  }
0xb: {  	s1 =	sld [smem:$0x3FFC];
	_ =	sdelay $0x3  }
0xc: {  	_ =	strace s1  }
0xd: {  	s1 =	sld [smem:$0x3FFD];
	_ =	sdelay $0x3  }
0xe: {  	_ =	strace s1  }
0xf: {  	_ =	strace $0x8FFFFFFF  }
0x10: {  	s19 =	sld [smem:$0x3FDB];
	_ =	sdelay $0x1  }
0x11: {  	s20 =	simm.s32 $_scs_section_size  }
0x12: {  	s4 =	simm.s32 $_size__tile_overlayer_lowered;
	s5 =	simm.s32 $_tile_overlayer_lowered  }
0x13: {  	s23 =	simm.s32 $0x1BFF;
	s22 =	sshll.u32 s5, $0x1;
	s1 =	sadd.s32 s20, s19  }
0x14: {  	s6 =	simm.s32 $0x0;
	s21 =	sshll.u32 s4, $0x1;
	s4 =	sadd.s32 s22, s1  }
0x15: {  	[timem:s6], [sflag:s23] =	dma.local [hbm:s4], s21  }
0x16: {  	_ =	swait.ge [sflag:s23], s21  }
0x17: {  	s2 =	ssub.s32 $0x0, s21;
	[sflag:s23] =	ssyncset.done $0x0  }
0x18: {  	[sflag:s23] =	ssyncadd.s32 s2;
	_ =	sdelay $0x1  }
0x19: {  	s24 =	simm.s32 $0x1B8B  }
0x1a: {  	_ =	swait.ge [sflag:s24], $0x1  }
0x1b: {  	[sflag:s24] =	ssyncset.done $0x0  }
0x1c: {  	s26 =	simm.s32 $0x1B8E;
	s25 =	sld [smem:$0x3FFE];
	[sflag:s24] =	ssyncadd.s32 $0xFFFFFFFF  }
0x1d: {  	s27 =	simm.s32 $execute0_lowered;
	[smem:$0x3FD2] =	sst s26  }
0x1e: {  	s4 =	sshll.u32 s27, $0x1;
	_ =	strace $0x80000052;
	[dreg:$0x1] =	wrdreg $0xFFFFFFFF  }
0x1f: {  	s28 =	simm.s32 $_size_execute0_lowered;
	s1 =	sadd.s32 s1, s4;
	[dreg:$0x0] =	wrdreg $0x0  }
0x20: {  	s4 =	sshll.u32 s28, $0x1;
	[dreg:$0x2] =	wrdreg s1  }
0x21: {  	[dreg:$0x3] =	wrdreg s4  }
0x22: {  	[dreg:$0x4] =	wrdreg $0xC0  }
0x23: {  	_ =	task [dreg:s6], $0x5FFFF  }
0x24: {  	[dreg:$0x1] =	wrdreg $0xFFFFFFFF  }
0x25: {  	[dreg:$0x0] =	wrdreg $0x60  }
0x26: {  	[dreg:$0x2] =	wrdreg s25  }
0x27: {  	[dreg:$0x3] =	wrdreg $0x9  }
0x28: {  	_ =	task.clear_ibuf [dreg:s6], $0x4FFFF;
	_ =	strace $0x90000052  }
0x29: {  	s29 =	simm.s32 $0x9;
	_ =	strace $0x80000054  }
0x2a: {  	_ =	swait.ge [sflag:s29], $0x1  }
0x2b: {  	[sflag:s29] =	ssyncadd.s32 $0xFFFFFFFF  }
0x2c: {  	_ =	strace $0x90000054  }
0x2d: {  	_ =	sfence  }
0x2e: {  	s30 =	sld [smem:$0x0];
	_ =	sdelay $0x2  }
0x2f: {  	s31 =	sshll.u32 s3, $0xD;
	s3 =	sshrl.u32 s3, $0x2  }
0x30: {  	s2 =	sand.u32 $0x4000, s31;
	s1 =	sadd.s32 s3, s30  }
0x31: {  	s0 =	sor.u32 s2, s0;
	s1 =	sshll.u32 s1, $0x11  }
0x32: {  	s0 =	sor.u32 s1, s0  }
0x33: {  	s0 =	sadd.s32 $0x8F2B, s0  }
0x34: {  	[sflag:s0] =	ssyncadd.remote.s32 $0x1  }
0x35: {  	_ =	sfence.sel $0xFFFF  }
0x36: {  	[dreg:$0x0] =	wrdreg $0xFFFFFFFF;
	(pc) =	sbr.abs _section_cstart, $3  }
0x37: {  	[dreg:$0x1] =	wrdreg $0xFFFFFFFF  }
0x38: {  	_ =	task.clear_ibuf [dreg:s6], $0x2FFFF;
	_ =	strace $0x9FFFFFFF  }
0x39: {  	(tm) =	ssettm $0x7FFFFFFF  }
tec
execute0_lowered:
.L_overlay_start_1:
0x0: {  	(tag) =	ssettag $0x1  }
0x1: {  	s0 =	srdreg.scid  }
0x2: {  	s1 =	sshll.u32 s0, $0x4  }
0x3: {  	s4 =	rddreg [dreg:$0x0];
	s0 =	stileid.u32;
	s1 =	sand.u32 $0x10, s1  }
0x4: {  	s7 =	simm.s32 $0x1;
	s8 =	simm.s32 $0x2;
	s2 =	sor.u32 s0, s1  }
0x5: {  	s11 =	simm.s32 $0x0;
	s10 =	simm.s32 $0x0;
	s2 =	sshll.u32 s2, $0x7  }
0x6: {  	s3 =	sadd.s32 $0x3B0C00, s4;
	s4 =	sadd.s32 $0x7400, s4;
	s6 =	ssub.s32 $0x27100, s2  }
.Ltmp0:
0x7: {  	s1 =	rddreg [dreg:$0x1];
	s5 =	sand.u32 $0xF80, s6;
	(pc) =	sbr.rel .LBB1_1-.Ltmp0, $4  }
0x8: {  	_ =	strace $0x80000053;
	s9 =	smov.u32 s2;
	p0 =	sne.s32 s5, $0x0  }
0x9: {  	s6 =	sshrl.u32 s6, $0xC;
	s5 =	simm.s32 $0x1;
	s7 =	simm.s32 @!p0 $0x0  }
0xa: {  	[sflag:s5] =	ssyncpa.u1 $0x0;
	p0 =	por $0x0, $0x0;
	s6 =	sadd.s32 s7, s6  }
0xb: {  	[sflag:s8] =	ssyncpa.u1 $0x0;
	s8 =	simm.s32 $0x138800;
	s7 =	sadd.s32 $0x1, s6  }
.LBB1_4:
0xc: {  	s14 =	sshll.u32 s11, $0x3  }
0xd: {  	s30 =	sand.u32 $0x7F, s11;
	s14 =	sand.u32 $0xFFFFFC00, s14  }
0xe: {  	s11 =	sor.u32 s30, s14  }
0xf: {  	s15 =	smulhi.u32 $0xD1B71759, s11;
	_ =	sdelay $0x1  }
0x10: {  	s14 =	smulhi.u32 $0xD1B71759, s14;
	s15 =	sshrl.u32 s15, $0x11  }
0x11: {  	s15 =	smul.u32 $0x27100, s15  }
0x12: {  	s14 =	sshrl.u32 s14, $0x11  }
0x13: {  	s14 =	sand.u32 $0x3F, s14;
	s11 =	ssub.s32 s11, s15  }
0x14: {  	[tilespmem:s13+$0x810 ss:$0x81] =	vst.msk $0xffff, v2;
	s14 =	smul.u32 $0x4E20, s14;
	s15 =	sshrl.u32 s11, $0x3;
	s11 =	sand.u32 $0x7, s11  }
0x15: {  	[tilespmem:s13+$0x1020 ss:$0x81] =	vst.msk $0xffff, v0;
	s15 =	sadd.s32 s4, s15;
	s11 =	sshll.u32 s11, $0x12  }
0x16: {  	[tilespmem:s13+$0x0 ss:$0x81] =	vst.msk $0xffff, v1;
	s31 =	sadd.s32 s14, s15;
	s11 =	sor.u32 $0x400, s11  }
0x17: {  	[hbm4b:s31+s11] =	stream.strided.scatter [tilespmem:s12], [sflag:$0x2], $0x2000, s8, s11, $0x20;
	[tilespmem:$0x8080] =	vst v63  }
.LBB1_5:
0x18: {  	s13 =	sadd.s32 $0x1000, s9  }
0x19: {  	p2 =	sgt.s32 s13, $0x270FF  }
0x1a: {  	s13 =	smov.u32 @p2 s2;
	p2 =	sne.s32 s10, s7  }
.Ltmp1:
0x1b: {  	p1 =	slt.u32 s10, $0x2;
	(pc) =	sbr.rel @!p2 .LBB1_6-.Ltmp1, $4  }
0x1c: {  	s12 =	simm.s32 @!p1 $0x2  }
0x1d: {  	s14 =	sadd.s32 $0x1, s10;
	_ =	swait.ge @!p1 [sflag:s12], $0x2000  }
0x1e: {  	s11 =	smov.u32 s9;
	p0 =	por !p0, !p0;
	[sflag:s12] =	ssyncset.done @!p1 $0x0  }
0x1f: {  	s10 =	smov.u32 s14;
	s9 =	smov.u32 s13;
	[sflag:s12] =	ssyncadd.s32 @!p1 $0xFFFFE000  }
.LBB1_1:
0x20: {  	p1 =	sge.u32 s10, s6  }
0x21: {  	s12 =	sand.u32 @!p1 $0x1FFFFFF, s9  }
0x22: {  	s13 =	smulhi.u32 @!p1 $0x1A36E2F, s12;
	_ =	sdelay $0x1  }
0x23: {  	s13 =	sshrl.u32 @!p1 s13, $0xA  }
0x24: {  	s13 =	smul.u32 @!p1 $0x27100, s13;
	_ =	sdelay $0x1  }
0x25: {  	s31 =	sadd.s32 $0xFFFFFFFF, s10;
	s14 =	sxor.u32 @!p1 $0xFFFFFFFF, s10;
	s12 =	ssub.s32 @!p1 s12, s13  }
0x26: {  	s15 =	simm.s32 @!p1 $0x80;
	s14 =	sshll.u32 @!p1 s14, $0xD;
	s12 =	sshll.u32 @!p1 s12, $0x4  }
0x27: {  	s13 =	sand.u32 @!p1 $0x2000, s14;
	s14 =	simm.s32 @!p1 $0x40;
	s12 =	sadd.s32 @!p1 s3, s12  }
0x28: {  	[tilespmem:s13], [sflag:$0x1] =	stream.strided.gather @!p1 [hbm4b:s12+s14], $0x2000, s15, s14, $0x38;
	[tilespmem:$0x8080] =	vst v63  }
0x29: {  	p1 =	sge.u32 s31, s6  }
.Ltmp2:
0x2a: {  	_ = 	snop;
	(pc) =	sbr.rel @p1 .LBB1_5-.Ltmp2, $1  }
0x2b: {  	_ =	sdelay $0x3  }
0x2c: {  	s12 =	simm.s32 $0x1  }
0x2d: {  	_ =	swait.ge [sflag:s5], $0x2000;
	s12 =	simm.s32 @!p0 $0x0  }
0x2e: {  	[sflag:s5] =	ssyncset.done $0x0;
	s13 =	sshll.u32 s12, $0xD  }
0x2f: {  	[sflag:s5] =	ssyncadd.s32 $0xFFFFE000;
	s16 =	sor.u32 $0x20, s13  }
0x30: {  	s12 =	smul.u32 $0x8100, s12;
	v3 =	vld [tilespmem:s16+$0x10]  }
0x31: {  	s30 =	sand.u32 $0x1, s10;
	v2 =	vld [tilespmem:s16+$0xFFFFFFF0]  }
0x32: {  	s13 =	smul.u32 $0x8100, s30;
	s12 =	sshrl.u32 s12, $0x2;
	v0 =	vld [tilespmem:s16+$0x0]  }
0x33: {  	v1 =	vld [tilespmem:s16+$0xFFFFFFE0];
	s14 =	sor.u32 $0x4000, s12  }
0x34: {  	s31 =	sshrl.u32 s13, $0x2;
	s13 =	sadd.s32 $0x0, s14  }
0x35: {  	s15 =	simm.s32 $0x4;
	s16 =	sadd.s32 $0x40, s16;
	s12 =	sor.u32 $0x4000, s31;
	[tilespmem:s13+$0x1830 ss:$0x81] =	vst.msk $0xffff, v3  }
.LBB1_3:
0x36: {  	v3 =	vld [tilespmem:s16+$0x10];
	p1 =	sne.s32 s15, $0x1FC;
	[tilespmem:s13+$0x810 ss:$0x81] =	vst.msk $0xffff, v2;
	s17 =	smov.u32 s15;
	s15 =	sadd.s32 $0x4, s15  }
.Ltmp3:
0x37: {  	v2 =	vld [tilespmem:s16+$0xFFFFFFF0];
	[tilespmem:s13+$0x1020 ss:$0x81] =	vst.msk $0xffff, v0;
	(pc) =	sbr.rel @p1 .LBB1_3-.Ltmp3, $4  }
0x38: {  	v0 =	vld [tilespmem:s16+$0x0];
	[tilespmem:s13+$0x0 ss:$0x81] =	vst.msk $0xffff, v1  }
0x39: {  	s13 =	sshra.s32 s17, $0x2;
	v1 =	vld [tilespmem:s16+$0xFFFFFFE0]  }
0x3a: {  	s13 =	sadd.s32 s13, s14  }
0x3b: {  	s16 =	sadd.s32 $0x40, s16;
	[tilespmem:s13+$0x1830 ss:$0x81] =	vst.msk $0xffff, v3  }
.Ltmp4:
0x3c: {  	_ = 	snop;
	(pc) =	sbr.rel .LBB1_4-.Ltmp4, $1  }
0x3d: {  	_ =	sdelay $0x3  }
.LBB1_6:
0x3e: {  	_ =	sfence.sel $0x180000  }
0x3f: {  	s2 =	simm.s32 $0x1;
	[bflag:$0x0] =	sbarrier.arrive $0xFFFF  }
0x40: {  	s31 =	simm.s32 $0x2;
	[sflag:s2] =	ssyncpa.u1 $0x1  }
0x41: {  	[sflag:s31] =	ssyncpa.u1 $0x1  }
0x42: {  	p0 =	sne.s32 s0, $0x0;
	_ =	strace $0x90000053  }
0x43: {  	s0 =	sadd.s32 @!p0 $0x100000, s1;
	[bflag:$0x2] =	sbarrier.arrive $0xFFFF  }
0x44: {  	[sflag:s0] =	ssyncadd.tile.s32 @!p0 $0x1;
	_ =	shalt  }
.Lfunc_end1:
_tile_overlayer_lowered:
.L_overlay_start_2:
0x45: {  	(tag) =	ssettag $0x2  }
0x46: {  	s0 =	rddreg [dreg:$0x0];
	s2 =	stileid.u32  }
0x47: {  	s1 =	rddreg [dreg:$0x1];
	p0 =	sne.s32 s2, $0x0  }
0x48: {  	s3 =	rddreg [dreg:$0x2];
	[bflag:$0x3] =	sbarrier.arrive $0xFFFF;
	s2 =	simm.s32 @!p0 $0x1C01  }
0x49: {  	[timem:s3], [sflag:s2] =	dma.local @!p0 [hbm:s0], s1  }
0x4a: {  	s0 =	simm.s32 @!p0 $0x1  }
0x4b: {  	_ =	swait.ge @!p0 [sflag:s0], s1  }
0x4c: {  	s1 =	ssub.s32 @!p0 $0x0, s1;
	[sflag:s0] =	ssyncset.done @!p0 $0x0  }
0x4d: {  	[sflag:s0] =	ssyncadd.s32 @!p0 s1  }
0x4e: {  	[bflag:$0x3] =	sbarrier.arrive $0xFFFF  }
0x4f: {  	_ =	shalt  }

// kernel: sparse-core-data-format-call.cloned.1.call-start
scs
called_computation_lowered:
.L_overlay_start_0:
0x0: {  	s1 =	sld [smem:$0x3FD9]  }
0x1: {  	s2 =	sld [smem:$0x3FFE];
	_ =	sdelay $0x1  }
0x2: {  	s3 =	srdreg.scid  }
0x3: {  	s0 =	sand.u32 $0x1, s3  }
0x4: {  	s17 =	sshll.u32 s0, $0xA;
	s1 =	sadd.s32 s2, s1  }
0x5: {  	s1 =	sadd.s32 s1, s17  }
0x6: {  	[smem:$0x3FA4] =	sst s1  }
0x7: {  	_ = 	snop  }
0x8: {  	(tm) =	ssettm $0x1  }
0x9: {  	s18 =	sld [smem:$0x3FFB];
	_ =	sdelay $0x3  }
0xa: {  	_ =	strace s18  }
0xb: {  	s1 =	sld [smem:$0x3FFC];
	_ =	sdelay $0x3  }
0xc: {  	_ =	strace s1  }
0xd: {  	s1 =	sld [smem:$0x3FFD];
	_ =	sdelay $0x3  }
0xe: {  	_ =	strace s1  }
0xf: {  	_ =	strace $0x8FFFFFFF  }
0x10: {  	s19 =	sld [smem:$0x3FDB];
	_ =	sdelay $0x1  }
0x11: {  	s20 =	simm.s32 $_scs_section_size  }
0x12: {  	s4 =	simm.s32 $_size__tile_overlayer_lowered;
	s5 =	simm.s32 $_tile_overlayer_lowered  }
0x13: {  	s23 =	simm.s32 $0x1BFF;
	s22 =	sshll.u32 s5, $0x1;
	s1 =	sadd.s32 s20, s19  }
0x14: {  	s6 =	simm.s32 $0x0;
	s21 =	sshll.u32 s4, $0x1;
	s4 =	sadd.s32 s22, s1  }
0x15: {  	[timem:s6], [sflag:s23] =	dma.local [hbm:s4], s21  }
0x16: {  	_ =	swait.ge [sflag:s23], s21  }
0x17: {  	s2 =	ssub.s32 $0x0, s21;
	[sflag:s23] =	ssyncset.done $0x0  }
0x18: {  	[sflag:s23] =	ssyncadd.s32 s2;
	_ =	sdelay $0x1  }
0x19: {  	s24 =	simm.s32 $0x1B8B  }
0x1a: {  	_ =	swait.ge [sflag:s24], $0x1  }
0x1b: {  	[sflag:s24] =	ssyncset.done $0x0  }
0x1c: {  	s26 =	simm.s32 $0x1B8E;
	s25 =	sld [smem:$0x3FFE];
	[sflag:s24] =	ssyncadd.s32 $0xFFFFFFFF  }
0x1d: {  	s27 =	simm.s32 $execute0_lowered;
	[smem:$0x3FD2] =	sst s26  }
0x1e: {  	s4 =	sshll.u32 s27, $0x1;
	_ =	strace $0x80000055;
	[dreg:$0x1] =	wrdreg $0xFFFFFFFF  }
0x1f: {  	s28 =	simm.s32 $_size_execute0_lowered;
	s1 =	sadd.s32 s1, s4;
	[dreg:$0x0] =	wrdreg $0x0  }
0x20: {  	s4 =	sshll.u32 s28, $0x1;
	[dreg:$0x2] =	wrdreg s1  }
0x21: {  	[dreg:$0x3] =	wrdreg s4  }
0x22: {  	[dreg:$0x4] =	wrdreg $0xC0  }
0x23: {  	_ =	task [dreg:s6], $0x5FFFF  }
0x24: {  	[dreg:$0x1] =	wrdreg $0xFFFFFFFF  }
0x25: {  	[dreg:$0x0] =	wrdreg $0x60  }
0x26: {  	[dreg:$0x2] =	wrdreg s25  }
0x27: {  	[dreg:$0x3] =	wrdreg $0x9  }
0x28: {  	_ =	task.clear_ibuf [dreg:s6], $0x4FFFF;
	_ =	strace $0x90000055  }
0x29: {  	s29 =	simm.s32 $0x9;
	_ =	strace $0x80000057  }
0x2a: {  	_ =	swait.ge [sflag:s29], $0x1  }
0x2b: {  	[sflag:s29] =	ssyncadd.s32 $0xFFFFFFFF  }
0x2c: {  	_ =	strace $0x90000057  }
0x2d: {  	_ =	sfence  }
0x2e: {  	s30 =	sld [smem:$0x0];
	_ =	sdelay $0x2  }
0x2f: {  	s31 =	sshll.u32 s3, $0xD;
	s3 =	sshrl.u32 s3, $0x2  }
0x30: {  	s2 =	sand.u32 $0x4000, s31;
	s1 =	sadd.s32 s3, s30  }
0x31: {  	s0 =	sor.u32 s2, s0;
	s1 =	sshll.u32 s1, $0x11  }
0x32: {  	s0 =	sor.u32 s1, s0  }
0x33: {  	s0 =	sadd.s32 $0x8F2B, s0  }
0x34: {  	[sflag:s0] =	ssyncadd.remote.s32 $0x1  }
0x35: {  	_ =	sfence.sel $0xFFFF  }
0x36: {  	[dreg:$0x0] =	wrdreg $0xFFFFFFFF;
	(pc) =	sbr.abs _section_cstart, $3  }
0x37: {  	[dreg:$0x1] =	wrdreg $0xFFFFFFFF  }
0x38: {  	_ =	task.clear_ibuf [dreg:s6], $0x2FFFF;
	_ =	strace $0x9FFFFFFF  }
0x39: {  	(tm) =	ssettm $0x7FFFFFFF  }
tec
execute0_lowered:
.L_overlay_start_1:
0x0: {  	(tag) =	ssettag $0x1  }
0x1: {  	s0 =	srdreg.scid  }
0x2: {  	s5 =	rddreg [dreg:$0x0];
	s1 =	sshll.u32 s0, $0x4  }
0x3: {  	s4 =	simm.s32 $0x1;
	s0 =	stileid.u32;
	s1 =	sand.u32 $0x10, s1  }
0x4: {  	s8 =	simm.s32 $0x2;
	s12 =	simm.s32 $0x0;
	s2 =	sor.u32 s0, s1  }
0x5: {  	s11 =	simm.s32 $0x0;
	s9 =	simm.s32 $0x0;
	s2 =	sshll.u32 s2, $0x7  }
0x6: {  	s10 =	simm.s32 $0x0;
	s3 =	sadd.s32 $0x3B0C00, s5;
	s6 =	ssub.s32 $0x27100, s2  }
.Ltmp0:
0x7: {  	s1 =	rddreg [dreg:$0x1];
	s7 =	sand.u32 $0xF80, s6;
	(pc) =	sbr.rel .LBB1_1-.Ltmp0, $4  }
0x8: {  	_ =	strace $0x80000056;
	p0 =	sne.s32 s7, $0x0;
	s7 =	simm.s32 $0x1  }
0x9: {  	[sflag:s4] =	ssyncpa.u1 $0x0;
	s6 =	sshrl.u32 s6, $0xC;
	s7 =	simm.s32 @!p0 $0x0  }
0xa: {  	s5 =	sadd.s32 $0x7400, s5;
	[sflag:s8] =	ssyncpa.u1 $0x0;
	s6 =	sadd.s32 s7, s6  }
0xb: {  	s8 =	smov.u32 s2;
	p0 =	por $0x0, $0x0;
	s7 =	sadd.s32 $0x1, s6  }
.LBB1_4:
0xc: {  	s12 =	sshll.u32 s12, $0x7;
	s18 =	sshll.u32 s11, $0x3  }
0xd: {  	v5 =	vld [tilespmem:s16+$0xFFFFFFD0];
	[tilespmem:s15+$0x2040 ss:$0x81] =	vst.msk $0xffff, v4;
	s19 =	sand.u32 $0xFFFFFC00, s12;
	s18 =	sand.u32 $0xFFFFFC00, s18  }
0xe: {  	v58 =	vld [tilespmem:s16+$0xFFFFFFE0];
	[tilespmem:s15+$0x2850 ss:$0x81] =	vst.msk $0xffff, v3;
	s12 =	sand.u32 $0x380, s12;
	s18 =	sadd.s32 s18, s19  }
0xf: {  	s17 =	sshra.s32 s17, $0x2;
	v59 =	vld [tilespmem:s16+$0xFFFFFFF0];
	[tilespmem:s15+$0x3060 ss:$0x81] =	vst.msk $0xffff, v2;
	s12 =	sor.u32 s12, s18  }
0x10: {  	v60 =	vld [tilespmem:s16+$0x0];
	[tilespmem:s15+$0x0 ss:$0x81] =	vst.msk $0xffff, v0;
	s14 =	sadd.s32 s17, s14;
	s12 =	sshrl.u32 s12, $0x7  }
0x11: {  	v61 =	vld [tilespmem:s16+$0x10];
	[tilespmem:s14+$0x3870 ss:$0x81] =	vst.msk $0xffff, v1;
	s28 =	smulhi.u32 $0x1A36E2F, s12  }
0x12: {  	v62 =	vld [tilespmem:s16+$0x20];
	[tilespmem:s14+$0x810 ss:$0x81] =	vst.msk $0xffff, v5  }
0x13: {  	v63 =	vld [tilespmem:s16+$0xFFFFFFC0];
	[tilespmem:s14+$0x1020 ss:$0x81] =	vst.msk $0xffff, v58;
	s15 =	sshrl.u32 s28, $0xA  }
0x14: {  	[tilespmem:s14+$0x1830 ss:$0x81] =	vst.msk $0xffff, v59;
	s15 =	smul.u32 $0x27100, s15  }
0x15: {  	s29 =	sshrl.u32 s11, $0x3;
	[tilespmem:s14+$0x2040 ss:$0x81] =	vst.msk $0xffff, v60  }
0x16: {  	s30 =	sand.u32 $0xF, s29;
	[tilespmem:s14+$0x2850 ss:$0x81] =	vst.msk $0xffff, v61;
	s12 =	ssub.s32 s12, s15  }
0x17: {  	[tilespmem:s14+$0x3060 ss:$0x81] =	vst.msk $0xffff, v62;
	s15 =	sadd.s32 s5, s30;
	s12 =	sshll.u32 s12, $0x4  }
0x18: {  	s31 =	sand.u32 $0x7, s11;
	[tilespmem:s14+$0x0 ss:$0x81] =	vst.msk $0xffff, v63;
	s12 =	sadd.s32 s12, s15  }
0x19: {  	[hbm4b:s12+s31] =	stream.linear.scatter [tilespmem:s13], [sflag:$0x2], $0x4000, $0x20;
	[tilespmem:$0x10100] =	vst v63  }
.LBB1_5:
0x1a: {  	s13 =	sadd.s32 $0x1000, s8  }
0x1b: {  	s11 =	sadd.s32 $0x80, s9;
	s15 =	smov.u32 s9;
	p2 =	sgt.s32 s13, $0x270FF  }
0x1c: {  	s15 =	smov.u32 @p2 s11  }
0x1d: {  	s13 =	smov.u32 @p2 s2;
	p2 =	sgt.s32 s15, $0x7F  }
0x1e: {  	s15 =	simm.s32 @p2 $0x0;
	p2 =	sne.s32 s10, s7  }
.Ltmp1:
0x1f: {  	p1 =	slt.u32 s10, $0x2;
	(pc) =	sbr.rel @!p2 .LBB1_6-.Ltmp1, $4  }
0x20: {  	s14 =	simm.s32 @!p1 $0x2  }
0x21: {  	s12 =	smov.u32 s8;
	p0 =	por !p0, !p0;
	_ =	swait.ge @!p1 [sflag:s14], $0x4000  }
0x22: {  	s11 =	smov.u32 s9;
	[sflag:s14] =	ssyncset.done @!p1 $0x0;
	s8 =	smov.u32 s13  }
0x23: {  	s10 =	sadd.s32 $0x1, s10;
	[sflag:s14] =	ssyncadd.s32 @!p1 $0xFFFFC000;
	s9 =	smov.u32 s15  }
.LBB1_1:
0x24: {  	p1 =	sge.u32 s10, s6  }
0x25: {  	s13 =	sshrl.u32 @!p1 s9, $0x3  }
0x26: {  	s14 =	sshll.u32 @!p1 s8, $0x3;
	s13 =	smul.u32 @!p1 $0x138800, s13  }
0x27: {  	s15 =	sshll.u32 @!p1 s9, $0x7;
	s14 =	sand.u32 @!p1 $0xFFFFFC00, s14  }
0x28: {  	s13 =	sadd.s32 @!p1 s13, s14;
	s14 =	sand.u32 @!p1 $0x380, s15  }
0x29: {  	s15 =	sand.u32 @!p1 $0x7F, s8;
	s13 =	sor.u32 @!p1 s14, s13  }
0x2a: {  	s14 =	sor.u32 @!p1 s15, s13  }
0x2b: {  	s15 =	smulhi.u32 @!p1 $0xD1B71759, s14;
	_ =	sdelay $0x1  }
0x2c: {  	s13 =	smulhi.u32 @!p1 $0xD1B71759, s13;
	s15 =	sshrl.u32 @!p1 s15, $0x11  }
0x2d: {  	s15 =	smul.u32 @!p1 $0x27100, s15  }
0x2e: {  	s31 =	sadd.s32 $0xFFFFFFFF, s10;
	s16 =	sxor.u32 @!p1 $0xFFFFFFFF, s10;
	s13 =	sshrl.u32 @!p1 s13, $0x11  }
0x2f: {  	s16 =	sshll.u32 @!p1 s16, $0xE;
	s13 =	sand.u32 @!p1 $0x7F, s13;
	s14 =	ssub.s32 @!p1 s14, s15  }
0x30: {  	s13 =	smul.u32 @!p1 $0x4E20, s13;
	s15 =	sshrl.u32 @!p1 s14, $0x3;
	s14 =	sand.u32 @!p1 $0x7, s14  }
0x31: {  	s16 =	sand.u32 @!p1 $0x4000, s16;
	s15 =	sadd.s32 @!p1 s3, s15;
	s14 =	sshll.u32 @!p1 s14, $0x12  }
0x32: {  	s13 =	sadd.s32 @!p1 s13, s15;
	s14 =	sor.u32 @!p1 $0x400, s14;
	s15 =	simm.s32 @!p1 $0x138800  }
0x33: {  	[tilespmem:s16], [sflag:$0x1] =	stream.strided.gather @!p1 [hbm4b:s13+s14], $0x4000, s15, s14, $0x38;
	[tilespmem:$0x10100] =	vst v63  }
0x34: {  	p1 =	sge.u32 s31, s6  }
.Ltmp2:
0x35: {  	_ = 	snop;
	(pc) =	sbr.rel @p1 .LBB1_5-.Ltmp2, $1  }
0x36: {  	_ =	sdelay $0x3  }
0x37: {  	s13 =	simm.s32 $0x1  }
0x38: {  	_ =	swait.ge [sflag:s4], $0x4000;
	s13 =	simm.s32 @!p0 $0x0  }
0x39: {  	[sflag:s4] =	ssyncset.done $0x0;
	s14 =	sshll.u32 s13, $0xE  }
0x3a: {  	[sflag:s4] =	ssyncadd.s32 $0xFFFFC000;
	s16 =	sor.u32 $0x40, s14  }
0x3b: {  	s13 =	smul.u32 $0x10200, s13;
	v0 =	vld [tilespmem:s16+$0x30]  }
0x3c: {  	v1 =	vld [tilespmem:s16+$0xFFFFFFD0]  }
0x3d: {  	s13 =	sshrl.u32 s13, $0x2;
	v5 =	vld [tilespmem:s16+$0xFFFFFFE0]  }
0x3e: {  	v6 =	vld [tilespmem:s16+$0xFFFFFFF0];
	s14 =	sor.u32 $0x8000, s13  }
0x3f: {  	s31 =	sand.u32 $0x1, s10;
	v4 =	vld [tilespmem:s16+$0x0];
	s15 =	sadd.s32 $0x0, s14  }
0x40: {  	v3 =	vld [tilespmem:s16+$0x10];
	s13 =	smul.u32 $0x10200, s31;
	[tilespmem:s15+$0x3870 ss:$0x81] =	vst.msk $0xffff, v0  }
0x41: {  	v2 =	vld [tilespmem:s16+$0x20];
	[tilespmem:s15+$0x810 ss:$0x81] =	vst.msk $0xffff, v1  }
0x42: {  	s13 =	sshrl.u32 s13, $0x2;
	v0 =	vld [tilespmem:s16+$0xFFFFFFC0];
	[tilespmem:s15+$0x1020 ss:$0x81] =	vst.msk $0xffff, v5;
	s16 =	sadd.s32 $0x80, s16  }
0x43: {  	s17 =	simm.s32 $0x4;
	s18 =	simm.s32 $0x8;
	s13 =	sor.u32 $0x8000, s13;
	[tilespmem:s15+$0x1830 ss:$0x81] =	vst.msk $0xffff, v6;
	v1 =	vld [tilespmem:s16+$0x30]  }
.LBB1_3:
0x44: {  	p1 =	sne.s32 s18, $0x1FC;
	v5 =	vld [tilespmem:s16+$0xFFFFFFD0];
	[tilespmem:s15+$0x2040 ss:$0x81] =	vst.msk $0xffff, v4  }
0x45: {  	v6 =	vld [tilespmem:s16+$0xFFFFFFE0];
	[tilespmem:s15+$0x2850 ss:$0x81] =	vst.msk $0xffff, v3  }
0x46: {  	s19 =	sshra.s32 s17, $0x2;
	s17 =	smov.u32 s18;
	v7 =	vld [tilespmem:s16+$0xFFFFFFF0];
	[tilespmem:s15+$0x3060 ss:$0x81] =	vst.msk $0xffff, v2  }
.Ltmp3:
0x47: {  	v4 =	vld [tilespmem:s16+$0x0];
	[tilespmem:s15+$0x0 ss:$0x81] =	vst.msk $0xffff, v0;
	s15 =	sadd.s32 s19, s14;
	(pc) =	sbr.rel @p1 .LBB1_3-.Ltmp3, $4  }
0x48: {  	v3 =	vld [tilespmem:s16+$0x10];
	[tilespmem:s15+$0x3870 ss:$0x81] =	vst.msk $0xffff, v1  }
0x49: {  	[tilespmem:s15+$0x810 ss:$0x81] =	vst.msk $0xffff, v5;
	v2 =	vld [tilespmem:s16+$0x20]  }
0x4a: {  	v0 =	vld [tilespmem:s16+$0xFFFFFFC0];
	[tilespmem:s15+$0x1020 ss:$0x81] =	vst.msk $0xffff, v6;
	s16 =	sadd.s32 $0x80, s16  }
0x4b: {  	s18 =	sadd.s32 $0x4, s18;
	v1 =	vld [tilespmem:s16+$0x30];
	[tilespmem:s15+$0x1830 ss:$0x81] =	vst.msk $0xffff, v7  }
.Ltmp4:
0x4c: {  	_ = 	snop;
	(pc) =	sbr.rel .LBB1_4-.Ltmp4, $1  }
0x4d: {  	_ =	sdelay $0x3  }
.LBB1_6:
0x4e: {  	_ =	sfence.sel $0x180000  }
0x4f: {  	s2 =	simm.s32 $0x1;
	[bflag:$0x0] =	sbarrier.arrive $0xFFFF  }
0x50: {  	s31 =	simm.s32 $0x2;
	[sflag:s2] =	ssyncpa.u1 $0x1  }
0x51: {  	[sflag:s31] =	ssyncpa.u1 $0x1  }
0x52: {  	p0 =	sne.s32 s0, $0x0;
	_ =	strace $0x90000056  }
0x53: {  	s0 =	sadd.s32 @!p0 $0x100000, s1;
	[bflag:$0x2] =	sbarrier.arrive $0xFFFF  }
0x54: {  	[sflag:s0] =	ssyncadd.tile.s32 @!p0 $0x1;
	_ =	shalt  }
.Lfunc_end1:
_tile_overlayer_lowered:
.L_overlay_start_2:
0x55: {  	(tag) =	ssettag $0x2  }
0x56: {  	s0 =	rddreg [dreg:$0x0];
	s2 =	stileid.u32  }
0x57: {  	s1 =	rddreg [dreg:$0x1];
	p0 =	sne.s32 s2, $0x0  }
0x58: {  	s3 =	rddreg [dreg:$0x2];
	[bflag:$0x3] =	sbarrier.arrive $0xFFFF;
	s2 =	simm.s32 @!p0 $0x1C01  }
0x59: {  	[timem:s3], [sflag:s2] =	dma.local @!p0 [hbm:s0], s1  }
0x5a: {  	s0 =	simm.s32 @!p0 $0x1  }
0x5b: {  	_ =	swait.ge @!p0 [sflag:s0], s1  }
0x5c: {  	s1 =	ssub.s32 @!p0 $0x0, s1;
	[sflag:s0] =	ssyncset.done @!p0 $0x0  }
0x5d: {  	[sflag:s0] =	ssyncadd.s32 @!p0 s1  }
0x5e: {  	[bflag:$0x3] =	sbarrier.arrive $0xFFFF  }
0x5f: {  	_ =	shalt  }

</sc_bundles>
